<compile_context>
chip_gen: v7x
topology: tpu7x:2x2x1
jax: 0.10.2.dev20260603
libtpu: 0.0.44.dev20260713+nightly
codegen_flags: <defaults>
</compile_context>

<pallas_src>
import functools

import jax
import jax.numpy as jnp
from jax import lax
from jax.experimental import pallas as pl
from jax.experimental.pallas import tpu as pltpu
from jax.experimental.pallas import tpu_sc as plsc

_N = 10000
_E = 320000
_DIN = 128
_DOUT = 64
_NC = 2
_NS = 16
_NW = _NC * _NS
_B = 80
_EPW = _E // _NW
_CH = _EPW // _B
_NPAD = 10240
_RPW = _NPAD // _NS

_mesh = plsc.VectorSubcoreMesh(core_axis_name="c", subcore_axis_name="s")


_CHA = 63
_CHB = _CH - _CHA


@functools.partial(
    pl.kernel,
    out_type=[
        jax.ShapeDtypeStruct((_NC, _NPAD, _DIN), jnp.float32),
        jax.ShapeDtypeStruct((_NC, _NPAD, 8), jnp.float32),
    ],
    mesh=_mesh,
    compiler_params=pltpu.CompilerParams(use_tc_tiling_on_sc=False),
    scratch_types=[
        pltpu.VMEM((_CHA, _B), jnp.int32),
        pltpu.VMEM((_CHA, _B), jnp.int32),
        pltpu.VMEM((_B, _DIN), jnp.float32),
        pltpu.VMEM((_B, _DIN), jnp.float32),
        pltpu.VMEM((_B, _DIN), jnp.float32),
        pltpu.VMEM((_B, 8), jnp.float32),
        pltpu.VMEM_SHARED((_NPAD, _DIN), jnp.float32),
        pltpu.VMEM_SHARED((_NPAD, 8), jnp.float32),
        pltpu.SemaphoreType.DMA,
        pltpu.SemaphoreType.DMA,
        pltpu.SemaphoreType.DMA,
    ],
)
def _agg1c(x_hbm, src_hbm, dst_hbm, zd_hbm, zc_hbm, ones_hbm,
           p_out, c_out, src_v, dst_v, rows0, rows1, rows2, ones_v,
           acc_sh, cacc_sh, sem0, sem1, sem2):
    cid = lax.axis_index("c")
    sid = lax.axis_index("s")
    wid = cid * _NS + sid
    r0 = sid * _RPW
    pltpu.sync_copy(zd_hbm.at[pl.ds(r0, _RPW)], acc_sh.at[pl.ds(r0, _RPW)])
    pltpu.sync_copy(zc_hbm.at[pl.ds(r0, _RPW)], cacc_sh.at[pl.ds(r0, _RPW)])
    pltpu.sync_copy(ones_hbm, ones_v)
    plsc.subcore_barrier()

    rows = (rows0, rows1, rows2)
    sems = (sem0, sem1, sem2)

    def run_segment(n):
        pltpu.async_copy(x_hbm.at[src_v.at[0]], rows[0], sems[0])
        pltpu.async_copy(x_hbm.at[src_v.at[1]], rows[1], sems[1])

        def body(j, carry):
            i0 = 3 * j
            for b in range(3):
                nb = (b + 2) % 3
                pltpu.async_copy(
                    x_hbm.at[src_v.at[i0 + b + 2]], rows[nb], sems[nb])
                pltpu.sync_copy(ones_v, cacc_sh.at[dst_v.at[i0 + b]], add=True)
                pltpu.make_async_copy(
                    x_hbm.at[src_v.at[i0 + b]], rows[b], sems[b]).wait()
                pltpu.sync_copy(rows[b], acc_sh.at[dst_v.at[i0 + b]], add=True)
            return carry

        li = (n - 4) // 3 + 1
        lax.fori_loop(0, li, body, 0)
        for i in range(3 * li, n):
            if i + 2 < n:
                nb = (i + 2) % 3
                pltpu.async_copy(
                    x_hbm.at[src_v.at[i + 2]], rows[nb], sems[nb])
            pltpu.sync_copy(ones_v, cacc_sh.at[dst_v.at[i]], add=True)
            pltpu.make_async_copy(
                x_hbm.at[src_v.at[i]], rows[i % 3], sems[i % 3]).wait()
            pltpu.sync_copy(rows[i % 3], acc_sh.at[dst_v.at[i]], add=True)

    pltpu.sync_copy(src_hbm.at[wid, pl.ds(0, _CHA)], src_v)
    pltpu.sync_copy(dst_hbm.at[wid, pl.ds(0, _CHA)], dst_v)
    run_segment(_CHA)
    pltpu.sync_copy(src_hbm.at[wid, pl.ds(_CHA, _CHB)],
                    src_v.at[pl.ds(0, _CHB)])
    pltpu.sync_copy(dst_hbm.at[wid, pl.ds(_CHA, _CHB)],
                    dst_v.at[pl.ds(0, _CHB)])
    run_segment(_CHB)
    plsc.subcore_barrier()
    pltpu.sync_copy(acc_sh.at[pl.ds(r0, _RPW)], p_out.at[cid, pl.ds(r0, _RPW)])
    pltpu.sync_copy(cacc_sh.at[pl.ds(r0, _RPW)], c_out.at[cid, pl.ds(r0, _RPW)])


@functools.partial(
    pl.kernel,
    out_type=jax.ShapeDtypeStruct((_NC, _NPAD, _DOUT), jnp.float32),
    mesh=_mesh,
    compiler_params=pltpu.CompilerParams(use_tc_tiling_on_sc=False),
    scratch_types=[
        pltpu.VMEM((_CH, _B), jnp.int32),
        pltpu.VMEM((_CH, _B), jnp.int32),
        pltpu.VMEM((_B, _DOUT), jnp.float32),
        pltpu.VMEM((_B, _DOUT), jnp.float32),
        pltpu.VMEM((_B, _DOUT), jnp.float32),
        pltpu.VMEM((_B, _DOUT), jnp.float32),
        pltpu.VMEM_SHARED((_NPAD, _DOUT), jnp.float32),
        pltpu.SemaphoreType.DMA,
        pltpu.SemaphoreType.DMA,
        pltpu.SemaphoreType.DMA,
        pltpu.SemaphoreType.DMA,
    ],
)
def _agg2(x_hbm, src_hbm, dst_hbm, zd_hbm,
          p_out, src_v, dst_v, rows0, rows1, rows2, rows3, acc_sh,
          sem0, sem1, sem2, sem3):
    cid = lax.axis_index("c")
    sid = lax.axis_index("s")
    wid = cid * _NS + sid
    r0 = sid * _RPW
    pltpu.sync_copy(zd_hbm.at[pl.ds(r0, _RPW)], acc_sh.at[pl.ds(r0, _RPW)])
    pltpu.sync_copy(src_hbm.at[wid], src_v)
    pltpu.sync_copy(dst_hbm.at[wid], dst_v)
    plsc.subcore_barrier()

    rows = (rows0, rows1, rows2, rows3)
    sems = (sem0, sem1, sem2, sem3)

    for i in range(3):
        pltpu.async_copy(x_hbm.at[src_v.at[i]], rows[i], sems[i])

    def body(j, carry):
        i0 = 4 * j
        for b in range(4):
            nb = (b + 3) % 4
            pltpu.async_copy(x_hbm.at[src_v.at[i0 + b + 3]], rows[nb], sems[nb])
            pltpu.make_async_copy(
                x_hbm.at[src_v.at[i0 + b]], rows[b], sems[b]).wait()
            pltpu.sync_copy(rows[b], acc_sh.at[dst_v.at[i0 + b]], add=True)
        return carry

    lax.fori_loop(0, (_CH - 5) // 4, body, 0)
    for i in range(_CH - 5, _CH):
        b = i % 4
        if i + 3 < _CH:
            nb = (i + 3) % 4
            pltpu.async_copy(
                x_hbm.at[src_v.at[i + 3]], rows[nb], sems[nb])
        pltpu.make_async_copy(x_hbm.at[src_v.at[i]], rows[b], sems[b]).wait()
        pltpu.sync_copy(rows[b], acc_sh.at[dst_v.at[i]], add=True)
    plsc.subcore_barrier()
    pltpu.sync_copy(acc_sh.at[pl.ds(r0, _RPW)], p_out.at[cid, pl.ds(r0, _RPW)])


_BN = 1000


def _dense1_body(p_ref, c_ref, x_ref, wl_ref, b_ref, wr_ref, w2_ref,
                 h_ref, g_ref):
    cnt = jnp.sum(c_ref[...], axis=(0, 2))
    denom = jnp.maximum(cnt, 1.0)
    mean = (p_ref[0] + p_ref[1]) / denom[:, None]
    h = (jnp.dot(mean, wl_ref[...], preferred_element_type=jnp.float32)
         + b_ref[...]
         + jnp.dot(x_ref[...], wr_ref[...], preferred_element_type=jnp.float32))
    h = jnp.maximum(h, 0.0)
    h_ref[...] = h
    g_ref[...] = jnp.dot(h, w2_ref[...], preferred_element_type=jnp.float32)


def _dense1(P, C, x, WlT, b, WrT, W2T):
    return pl.pallas_call(
        _dense1_body,
        grid=(_N // _BN,),
        in_specs=[
            pl.BlockSpec((_NC, _BN, _DIN), lambda i: (0, i, 0)),
            pl.BlockSpec((_NC, _BN, 8), lambda i: (0, i, 0)),
            pl.BlockSpec((_BN, _DIN), lambda i: (i, 0)),
            pl.BlockSpec((_DIN, _DIN), lambda i: (0, 0)),
            pl.BlockSpec((1, _DIN), lambda i: (0, 0)),
            pl.BlockSpec((_DIN, _DIN), lambda i: (0, 0)),
            pl.BlockSpec((_DIN, _DOUT), lambda i: (0, 0)),
        ],
        out_specs=[
            pl.BlockSpec((_BN, _DIN), lambda i: (i, 0)),
            pl.BlockSpec((_BN, _DOUT), lambda i: (i, 0)),
        ],
        out_shape=[
            jax.ShapeDtypeStruct((_N, _DIN), jnp.float32),
            jax.ShapeDtypeStruct((_N, _DOUT), jnp.float32),
        ],
    )(P, C, x, WlT, b, WrT, W2T)


def _dense2_body(p_ref, c_ref, h_ref, w_ref, b_ref, o_ref):
    cnt = jnp.sum(c_ref[...], axis=(0, 2))
    denom = jnp.maximum(cnt, 1.0)
    mean = (p_ref[0] + p_ref[1]) / denom[:, None]
    o = (mean + b_ref[...]
         + jnp.dot(h_ref[...], w_ref[...], preferred_element_type=jnp.float32))
    m = jnp.max(o, axis=-1, keepdims=True)
    lse = jnp.log(jnp.sum(jnp.exp(o - m), axis=-1, keepdims=True)) + m
    o_ref[...] = o - lse


def _dense2(P, C, h, WrT, b):
    return pl.pallas_call(
        _dense2_body,
        grid=(_N // _BN,),
        in_specs=[
            pl.BlockSpec((_NC, _BN, _DOUT), lambda i: (0, i, 0)),
            pl.BlockSpec((_NC, _BN, 8), lambda i: (0, i, 0)),
            pl.BlockSpec((_BN, _DIN), lambda i: (i, 0)),
            pl.BlockSpec((_DIN, _DOUT), lambda i: (0, 0)),
            pl.BlockSpec((1, _DOUT), lambda i: (0, 0)),
        ],
        out_specs=pl.BlockSpec((_BN, _DOUT), lambda i: (i, 0)),
        out_shape=jax.ShapeDtypeStruct((_N, _DOUT), jnp.float32),
    )(P, C, h, WrT, b)


def kernel(x, edge_index, W1_l, b1_l, W1_r, W2_l, b2_l, W2_r):
    src = edge_index[0].reshape(_NW, _CH, _B)
    dst = edge_index[1].reshape(_NW, _CH, _B)
    zd = jnp.zeros((_NPAD, _DIN), jnp.float32)
    zc = jnp.zeros((_NPAD, 8), jnp.float32)
    z64 = jnp.zeros((_NPAD, _DOUT), jnp.float32)
    ones = jnp.zeros((_B, 8), jnp.float32).at[:, 0].set(1.0)
    P1, C1 = _agg1c(x, src, dst, zd, zc, ones)
    h, g = _dense1(P1, C1, x, W1_l.T, b1_l.reshape(1, -1), W1_r.T, W2_l.T)
    P2 = _agg2(g, src, dst, z64)
    return _dense2(P2, C1, h, W2_r.T, b2_l.reshape(1, -1))

# --- scband reference (transcript-rebuilt; emitter-appended) ---
"""Pipeline reference for scband-sage-68247030333463 (READ-ONLY COPY).

The authoritative reference and input builder live on the scoring server;
editing this copy changes nothing except your own understanding.
"""

import jax, jax.numpy as jnp
import numpy as np

N = 10000
E = 320000
D_IN = 128
D_HID = 128
D_OUT = 64


def setup_inputs(seed: int = 0) -> dict:
    key = jax.random.key(seed)
    ks = jax.random.split(key, 8)
    x = jax.random.normal(ks[0], (N, D_IN), dtype=jnp.float32)
    rng = np.random.default_rng(0)
    edge_index = jnp.asarray(rng.integers(0, N, size=(2, E)), dtype=jnp.int32)
    def lin(k, fan_out, fan_in):
        bound = 1.0 / np.sqrt(fan_in)
        return jax.random.uniform(k, (fan_out, fan_in), jnp.float32, -bound, bound)
    W1_l = lin(ks[1], D_HID, D_IN)
    b1_l = jax.random.uniform(ks[2], (D_HID,), jnp.float32, -1.0/np.sqrt(D_IN), 1.0/np.sqrt(D_IN))
    W1_r = lin(ks[3], D_HID, D_IN)
    W2_l = lin(ks[4], D_OUT, D_HID)
    b2_l = jax.random.uniform(ks[5], (D_OUT,), jnp.float32, -1.0/np.sqrt(D_HID), 1.0/np.sqrt(D_HID))
    W2_r = lin(ks[6], D_OUT, D_HID)
    return {"x": x, "edge_index": edge_index, "W1_l": W1_l, "b1_l": b1_l, "W1_r": W1_r, "W2_l": W2_l, "b2_l": b2_l, "W2_r": W2_r}


def _sage_conv(x_src, x_tgt, edge_index, W_l, b_l, W_r):
    # PyG SAGEConv (aggr='mean'): lin_l(mean_j x_src[src_j]) + lin_r(x_tgt)
    src = edge_index[0]
    dst = edge_index[1]
    n_tgt = x_tgt.shape[0]
    msg = jnp.take(x_src, src, axis=0)
    agg_sum = jax.ops.segment_sum(msg, dst, num_segments=n_tgt)
    cnt = jax.ops.segment_sum(jnp.ones((edge_index.shape[1],), x_src.dtype), dst, num_segments=n_tgt)
    mean = agg_sum / jnp.clip(cnt, 1.0, None)[:, None]
    return mean @ W_l.T + b_l + x_tgt @ W_r.T


def reference(x, edge_index, W1_l, b1_l, W1_r, W2_l, b2_l, W2_r):
    # adjs = [(edge_index, None, (N, N)), (edge_index, None, (N, N))]
    # Layer 0: x_target = x[:N] = x; relu (dropout is identity in eval mode)
    h = _sage_conv(x, x, edge_index, W1_l, b1_l, W1_r)
    h = jax.nn.relu(h)
    # Layer 1 (last): no activation
    h = _sage_conv(h, h, edge_index, W2_l, b2_l, W2_r)
    return jax.nn.log_softmax(h, axis=-1)

if __name__ == "__main__":
    import jax
    _d = setup_inputs()
    print(jax.jit(kernel)(*tuple(_d.values())))

</pallas_src>

<mosaic_0001>
#map = affine_map<(d0, d1) -> (0, 0)>
#map1 = affine_map<(d0, d1) -> (0, 0, 0)>
module attributes {stable_mosaic.version = 14 : i64} {
  func.func @_agg2(%arg0: i32, %arg1: i32, %arg2: memref<10000x64xf32, #tpu.memory_space<hbm>>, %arg3: memref<32x125x80xi32, #tpu.memory_space<hbm>>, %arg4: memref<32x125x80xi32, #tpu.memory_space<hbm>>, %arg5: memref<10240x64xf32, #tpu.memory_space<hbm>>, %arg6: memref<2x10240x64xf32, #tpu.memory_space<hbm>>, %arg7: memref<125x80xi32, #tpu.memory_space<vmem>>, %arg8: memref<125x80xi32, #tpu.memory_space<vmem>>, %arg9: memref<80x64xf32, #tpu.memory_space<vmem>>, %arg10: memref<80x64xf32, #tpu.memory_space<vmem>>, %arg11: memref<80x64xf32, #tpu.memory_space<vmem>>, %arg12: memref<80x64xf32, #tpu.memory_space<vmem>>, %arg13: memref<10240x64xf32, #tpu.memory_space<vmem_shared>>, %arg14: memref<!tpu.dma_semaphore, #tpu.memory_space<semaphore_mem>>, %arg15: memref<!tpu.dma_semaphore, #tpu.memory_space<semaphore_mem>>, %arg16: memref<!tpu.dma_semaphore, #tpu.memory_space<semaphore_mem>>, %arg17: memref<!tpu.dma_semaphore, #tpu.memory_space<semaphore_mem>>) attributes {dimension_semantics = [#tpu.dimension_semantics<core_parallel>, #tpu.dimension_semantics<subcore_parallel>], iteration_bounds = array<i64: 2, 16>, scalar_prefetch = 0 : i64, scratch_operands = 11 : i64, tpu.core_type = #tpu.core_type<sc_vector_subcore>, window_params = [{transform_indices = #map}, {transform_indices = #map1}, {transform_indices = #map1}, {transform_indices = #map}, {transform_indices = #map1}]} {
    %mul3A = arith.constant 16 : i32
    %mul3A_0 = arith.muli %arg0, %mul3A : i32
    %add3A = arith.addi %mul3A_0, %arg1 : i32
    %mul3A_1 = arith.constant 640 : i32
    %mul3A_2 = arith.muli %arg1, %mul3A_1 : i32
    "tpu.region"() ({
      %run_scoped3A_81 = tpu.sem_alloc : memref<!tpu.dma_semaphore, #tpu.memory_space<semaphore_mem>>
      %dma_start3A_82 = arith.constant 0 : i32
      %dma_start3A_83 = tpu.memref_slice %arg13[%mul3A_2, %dma_start3A_82] : memref<10240x64xf32, #tpu.memory_space<vmem_shared>> -> memref<640x64xf32, #tpu.memory_space<vmem_shared>>
      %dma_start3A_84 = arith.constant 0 : i32
      %dma_start3A_85 = tpu.memref_slice %arg5[%mul3A_2, %dma_start3A_84] : memref<10240x64xf32, #tpu.memory_space<hbm>> -> memref<640x64xf32, #tpu.memory_space<hbm>>
      tpu.enqueue_dma source(%dma_start3A_85 : memref<640x64xf32, #tpu.memory_space<hbm>>) target(%dma_start3A_83 : memref<640x64xf32, #tpu.memory_space<vmem_shared>>) target_semaphore(%run_scoped3A_81 : memref<!tpu.dma_semaphore, #tpu.memory_space<semaphore_mem>>)
      %dma_wait3A_86 = arith.constant 0 : i32
      %dma_wait3A_87 = tpu.memref_slice %arg13[%mul3A_2, %dma_wait3A_86] : memref<10240x64xf32, #tpu.memory_space<vmem_shared>> -> memref<640x64xf32, #tpu.memory_space<vmem_shared>>
      %dma_wait3A_88 = arith.constant 0 : i32
      %dma_wait3A_89 = tpu.memref_slice %arg5[%mul3A_2, %dma_wait3A_88] : memref<10240x64xf32, #tpu.memory_space<hbm>> -> memref<640x64xf32, #tpu.memory_space<hbm>>
      tpu.wait_dma2 semaphore(%run_scoped3A_81 : memref<!tpu.dma_semaphore, #tpu.memory_space<semaphore_mem>>) src(%dma_wait3A_89 : memref<640x64xf32, #tpu.memory_space<hbm>>) dst(%dma_wait3A_87 : memref<640x64xf32, #tpu.memory_space<vmem_shared>>)
      tpu.yield
    }) : () -> ()
    "tpu.region"() ({
      %run_scoped3A_81 = tpu.sem_alloc : memref<!tpu.dma_semaphore, #tpu.memory_space<semaphore_mem>>
      %dma_start3A_82 = arith.constant 0 : i32
      %dma_start3A_83 = arith.constant 0 : i32
      %dma_start3A_84 = tpu.memref_slice %arg3[%add3A, %dma_start3A_82, %dma_start3A_83] : memref<32x125x80xi32, #tpu.memory_space<hbm>> -> memref<1x125x80xi32, #tpu.memory_space<hbm>>
      %dma_start3A_85 = tpu.memref_squeeze %dma_start3A_84 : memref<1x125x80xi32, #tpu.memory_space<hbm>> -> memref<125x80xi32, #tpu.memory_space<hbm>>
      %dma_start3A_86 = arith.constant 0 : i32
      %dma_start3A_87 = arith.constant 0 : i32
      %dma_start3A_88 = tpu.memref_slice %arg3[%add3A, %dma_start3A_86, %dma_start3A_87] : memref<32x125x80xi32, #tpu.memory_space<hbm>> -> memref<1x125x80xi32, #tpu.memory_space<hbm>>
      %dma_start3A_89 = tpu.memref_squeeze %dma_start3A_88 : memref<1x125x80xi32, #tpu.memory_space<hbm>> -> memref<125x80xi32, #tpu.memory_space<hbm>>
      tpu.enqueue_dma source(%dma_start3A_89 : memref<125x80xi32, #tpu.memory_space<hbm>>) target(%arg7 : memref<125x80xi32, #tpu.memory_space<vmem>>) target_semaphore(%run_scoped3A_81 : memref<!tpu.dma_semaphore, #tpu.memory_space<semaphore_mem>>)
      %dma_wait3A_90 = arith.constant 0 : i32
      %dma_wait3A_91 = arith.constant 0 : i32
      %dma_wait3A_92 = tpu.memref_slice %arg3[%add3A, %dma_wait3A_90, %dma_wait3A_91] : memref<32x125x80xi32, #tpu.memory_space<hbm>> -> memref<1x125x80xi32, #tpu.memory_space<hbm>>
      %dma_wait3A_93 = tpu.memref_squeeze %dma_wait3A_92 : memref<1x125x80xi32, #tpu.memory_space<hbm>> -> memref<125x80xi32, #tpu.memory_space<hbm>>
      %dma_wait3A_94 = arith.constant 0 : i32
      %dma_wait3A_95 = arith.constant 0 : i32
      %dma_wait3A_96 = tpu.memref_slice %arg3[%add3A, %dma_wait3A_94, %dma_wait3A_95] : memref<32x125x80xi32, #tpu.memory_space<hbm>> -> memref<1x125x80xi32, #tpu.memory_space<hbm>>
      %dma_wait3A_97 = tpu.memref_squeeze %dma_wait3A_96 : memref<1x125x80xi32, #tpu.memory_space<hbm>> -> memref<125x80xi32, #tpu.memory_space<hbm>>
      tpu.wait_dma2 semaphore(%run_scoped3A_81 : memref<!tpu.dma_semaphore, #tpu.memory_space<semaphore_mem>>) src(%dma_wait3A_97 : memref<125x80xi32, #tpu.memory_space<hbm>>) dst(%arg7 : memref<125x80xi32, #tpu.memory_space<vmem>>)
      tpu.yield
    }) : () -> ()
    "tpu.region"() ({
      %run_scoped3A_81 = tpu.sem_alloc : memref<!tpu.dma_semaphore, #tpu.memory_space<semaphore_mem>>
      %dma_start3A_82 = arith.constant 0 : i32
      %dma_start3A_83 = arith.constant 0 : i32
      %dma_start3A_84 = tpu.memref_slice %arg4[%add3A, %dma_start3A_82, %dma_start3A_83] : memref<32x125x80xi32, #tpu.memory_space<hbm>> -> memref<1x125x80xi32, #tpu.memory_space<hbm>>
      %dma_start3A_85 = tpu.memref_squeeze %dma_start3A_84 : memref<1x125x80xi32, #tpu.memory_space<hbm>> -> memref<125x80xi32, #tpu.memory_space<hbm>>
      %dma_start3A_86 = arith.constant 0 : i32
      %dma_start3A_87 = arith.constant 0 : i32
      %dma_start3A_88 = tpu.memref_slice %arg4[%add3A, %dma_start3A_86, %dma_start3A_87] : memref<32x125x80xi32, #tpu.memory_space<hbm>> -> memref<1x125x80xi32, #tpu.memory_space<hbm>>
      %dma_start3A_89 = tpu.memref_squeeze %dma_start3A_88 : memref<1x125x80xi32, #tpu.memory_space<hbm>> -> memref<125x80xi32, #tpu.memory_space<hbm>>
      tpu.enqueue_dma source(%dma_start3A_89 : memref<125x80xi32, #tpu.memory_space<hbm>>) target(%arg8 : memref<125x80xi32, #tpu.memory_space<vmem>>) target_semaphore(%run_scoped3A_81 : memref<!tpu.dma_semaphore, #tpu.memory_space<semaphore_mem>>)
      %dma_wait3A_90 = arith.constant 0 : i32
      %dma_wait3A_91 = arith.constant 0 : i32
      %dma_wait3A_92 = tpu.memref_slice %arg4[%add3A, %dma_wait3A_90, %dma_wait3A_91] : memref<32x125x80xi32, #tpu.memory_space<hbm>> -> memref<1x125x80xi32, #tpu.memory_space<hbm>>
      %dma_wait3A_93 = tpu.memref_squeeze %dma_wait3A_92 : memref<1x125x80xi32, #tpu.memory_space<hbm>> -> memref<125x80xi32, #tpu.memory_space<hbm>>
      %dma_wait3A_94 = arith.constant 0 : i32
      %dma_wait3A_95 = arith.constant 0 : i32
      %dma_wait3A_96 = tpu.memref_slice %arg4[%add3A, %dma_wait3A_94, %dma_wait3A_95] : memref<32x125x80xi32, #tpu.memory_space<hbm>> -> memref<1x125x80xi32, #tpu.memory_space<hbm>>
      %dma_wait3A_97 = tpu.memref_squeeze %dma_wait3A_96 : memref<1x125x80xi32, #tpu.memory_space<hbm>> -> memref<125x80xi32, #tpu.memory_space<hbm>>
      tpu.wait_dma2 semaphore(%run_scoped3A_81 : memref<!tpu.dma_semaphore, #tpu.memory_space<semaphore_mem>>) src(%dma_wait3A_97 : memref<125x80xi32, #tpu.memory_space<hbm>>) dst(%arg8 : memref<125x80xi32, #tpu.memory_space<vmem>>)
      tpu.yield
    }) : () -> ()
    %barrier3A = arith.constant 0 : index
    tpu.barrier barrier_id(%barrier3A)
    %dma_start3A = arith.constant 0 : i32
    %dma_start3A_3 = arith.constant 0 : i32
    %dma_start3A_4 = tpu.memref_slice %arg7[%dma_start3A, %dma_start3A_3] : memref<125x80xi32, #tpu.memory_space<vmem>> -> memref<1x80xi32, #tpu.memory_space<vmem>>
    %dma_start3A_5 = tpu.memref_squeeze %dma_start3A_4 : memref<1x80xi32, #tpu.memory_space<vmem>> -> memref<80xi32, #tpu.memory_space<vmem>>
    %dma_start3A_6 = arith.constant 0 : i32
    %dma_start3A_7 = arith.constant 0 : i32
    %dma_start3A_8 = tpu.memref_slice %arg2[%dma_start3A_6, %dma_start3A_7] : memref<10000x64xf32, #tpu.memory_space<hbm>> -> memref<10000x64xf32, #tpu.memory_space<hbm>>
    tpu.enqueue_indirect_dma source(%dma_start3A_8 : memref<10000x64xf32, #tpu.memory_space<hbm>>) target(%arg9 : memref<80x64xf32, #tpu.memory_space<vmem>>) offsets(%dma_start3A_5 : memref<80xi32, #tpu.memory_space<vmem>>) semaphore(%arg14 : memref<!tpu.dma_semaphore, #tpu.memory_space<semaphore_mem>>)
    %dma_start3A_9 = arith.constant 1 : i32
    %dma_start3A_10 = arith.constant 0 : i32
    %dma_start3A_11 = tpu.memref_slice %arg7[%dma_start3A_9, %dma_start3A_10] : memref<125x80xi32, #tpu.memory_space<vmem>> -> memref<1x80xi32, #tpu.memory_space<vmem>>
    %dma_start3A_12 = tpu.memref_squeeze %dma_start3A_11 : memref<1x80xi32, #tpu.memory_space<vmem>> -> memref<80xi32, #tpu.memory_space<vmem>>
    %dma_start3A_13 = arith.constant 0 : i32
    %dma_start3A_14 = arith.constant 0 : i32
    %dma_start3A_15 = tpu.memref_slice %arg2[%dma_start3A_13, %dma_start3A_14] : memref<10000x64xf32, #tpu.memory_space<hbm>> -> memref<10000x64xf32, #tpu.memory_space<hbm>>
    tpu.enqueue_indirect_dma source(%dma_start3A_15 : memref<10000x64xf32, #tpu.memory_space<hbm>>) target(%arg10 : memref<80x64xf32, #tpu.memory_space<vmem>>) offsets(%dma_start3A_12 : memref<80xi32, #tpu.memory_space<vmem>>) semaphore(%arg15 : memref<!tpu.dma_semaphore, #tpu.memory_space<semaphore_mem>>)
    %dma_start3A_16 = arith.constant 2 : i32
    %dma_start3A_17 = arith.constant 0 : i32
    %dma_start3A_18 = tpu.memref_slice %arg7[%dma_start3A_16, %dma_start3A_17] : memref<125x80xi32, #tpu.memory_space<vmem>> -> memref<1x80xi32, #tpu.memory_space<vmem>>
    %dma_start3A_19 = tpu.memref_squeeze %dma_start3A_18 : memref<1x80xi32, #tpu.memory_space<vmem>> -> memref<80xi32, #tpu.memory_space<vmem>>
    %dma_start3A_20 = arith.constant 0 : i32
    %dma_start3A_21 = arith.constant 0 : i32
    %dma_start3A_22 = tpu.memref_slice %arg2[%dma_start3A_20, %dma_start3A_21] : memref<10000x64xf32, #tpu.memory_space<hbm>> -> memref<10000x64xf32, #tpu.memory_space<hbm>>
    tpu.enqueue_indirect_dma source(%dma_start3A_22 : memref<10000x64xf32, #tpu.memory_space<hbm>>) target(%arg11 : memref<80x64xf32, #tpu.memory_space<vmem>>) offsets(%dma_start3A_19 : memref<80xi32, #tpu.memory_space<vmem>>) semaphore(%arg16 : memref<!tpu.dma_semaphore, #tpu.memory_space<semaphore_mem>>)
    %scan3A = arith.constant 0 : i32
    %scan3A_23 = arith.constant 0 : i32
    %scan3A_24 = arith.constant 30 : i32
    %scan3A_25 = arith.addi %scan3A_23, %scan3A_24 : i32
    %scan3A_26 = arith.constant 1 : i32
    scf.for %scan3A_81 = %scan3A_23 to %scan3A_25 step %scan3A_26  : i32 {
      %mul3A_82 = arith.constant 4 : i32
      %mul3A_83 = arith.muli %mul3A_82, %scan3A_81 : i32
      %add3A_84 = arith.constant 0 : i32
      %add3A_85 = arith.addi %mul3A_83, %add3A_84 : i32
      %add3A_86 = arith.constant 3 : i32
      %add3A_87 = arith.addi %add3A_85, %add3A_86 : i32
      %dma_start3A_88 = arith.constant 0 : i32
      %dma_start3A_89 = tpu.memref_slice %arg7[%add3A_87, %dma_start3A_88] : memref<125x80xi32, #tpu.memory_space<vmem>> -> memref<1x80xi32, #tpu.memory_space<vmem>>
      %dma_start3A_90 = tpu.memref_squeeze %dma_start3A_89 : memref<1x80xi32, #tpu.memory_space<vmem>> -> memref<80xi32, #tpu.memory_space<vmem>>
      %dma_start3A_91 = arith.constant 0 : i32
      %dma_start3A_92 = arith.constant 0 : i32
      %dma_start3A_93 = tpu.memref_slice %arg2[%dma_start3A_91, %dma_start3A_92] : memref<10000x64xf32, #tpu.memory_space<hbm>> -> memref<10000x64xf32, #tpu.memory_space<hbm>>
      tpu.enqueue_indirect_dma source(%dma_start3A_93 : memref<10000x64xf32, #tpu.memory_space<hbm>>) target(%arg12 : memref<80x64xf32, #tpu.memory_space<vmem>>) offsets(%dma_start3A_90 : memref<80xi32, #tpu.memory_space<vmem>>) semaphore(%arg17 : memref<!tpu.dma_semaphore, #tpu.memory_space<semaphore_mem>>)
      %add3A_94 = arith.constant 0 : i32
      %add3A_95 = arith.addi %mul3A_83, %add3A_94 : i32
      %dma_wait3A_96 = arith.constant 0 : i32
      %dma_wait3A_97 = tpu.memref_slice %arg7[%add3A_95, %dma_wait3A_96] : memref<125x80xi32, #tpu.memory_space<vmem>> -> memref<1x80xi32, #tpu.memory_space<vmem>>
      %dma_wait3A_98 = tpu.memref_squeeze %dma_wait3A_97 : memref<1x80xi32, #tpu.memory_space<vmem>> -> memref<80xi32, #tpu.memory_space<vmem>>
      %dma_wait3A_99 = arith.constant 0 : i32
      %dma_wait3A_100 = arith.constant 0 : i32
      %dma_wait3A_101 = tpu.memref_slice %arg2[%dma_wait3A_99, %dma_wait3A_100] : memref<10000x64xf32, #tpu.memory_space<hbm>> -> memref<10000x64xf32, #tpu.memory_space<hbm>>
      tpu.wait_indirect_dma semaphore(%arg14 : memref<!tpu.dma_semaphore, #tpu.memory_space<semaphore_mem>>) src(%dma_wait3A_101 : memref<10000x64xf32, #tpu.memory_space<hbm>>) dst(%arg9 : memref<80x64xf32, #tpu.memory_space<vmem>>)
      %add3A_102 = arith.constant 0 : i32
      %add3A_103 = arith.addi %mul3A_83, %add3A_102 : i32
      "tpu.region"() ({
        %run_scoped3A_164 = tpu.sem_alloc : memref<!tpu.dma_semaphore, #tpu.memory_space<semaphore_mem>>
        %dma_start3A_165 = arith.constant 0 : i32
        %dma_start3A_166 = tpu.memref_slice %arg8[%add3A_103, %dma_start3A_165] : memref<125x80xi32, #tpu.memory_space<vmem>> -> memref<1x80xi32, #tpu.memory_space<vmem>>
        %dma_start3A_167 = tpu.memref_squeeze %dma_start3A_166 : memref<1x80xi32, #tpu.memory_space<vmem>> -> memref<80xi32, #tpu.memory_space<vmem>>
        %dma_start3A_168 = arith.constant 0 : i32
        %dma_start3A_169 = arith.constant 0 : i32
        %dma_start3A_170 = tpu.memref_slice %arg13[%dma_start3A_168, %dma_start3A_169] : memref<10240x64xf32, #tpu.memory_space<vmem_shared>> -> memref<10240x64xf32, #tpu.memory_space<vmem_shared>>
        tpu.enqueue_indirect_dma source(%arg9 : memref<80x64xf32, #tpu.memory_space<vmem>>) target(%dma_start3A_170 : memref<10240x64xf32, #tpu.memory_space<vmem_shared>>) offsets(%dma_start3A_167 : memref<80xi32, #tpu.memory_space<vmem>>) semaphore(%run_scoped3A_164 : memref<!tpu.dma_semaphore, #tpu.memory_space<semaphore_mem>>) {add = true}
        %dma_wait3A_171 = arith.constant 0 : i32
        %dma_wait3A_172 = tpu.memref_slice %arg8[%add3A_103, %dma_wait3A_171] : memref<125x80xi32, #tpu.memory_space<vmem>> -> memref<1x80xi32, #tpu.memory_space<vmem>>
        %dma_wait3A_173 = tpu.memref_squeeze %dma_wait3A_172 : memref<1x80xi32, #tpu.memory_space<vmem>> -> memref<80xi32, #tpu.memory_space<vmem>>
        %dma_wait3A_174 = arith.constant 0 : i32
        %dma_wait3A_175 = arith.constant 0 : i32
        %dma_wait3A_176 = tpu.memref_slice %arg13[%dma_wait3A_174, %dma_wait3A_175] : memref<10240x64xf32, #tpu.memory_space<vmem_shared>> -> memref<10240x64xf32, #tpu.memory_space<vmem_shared>>
        tpu.wait_indirect_dma semaphore(%run_scoped3A_164 : memref<!tpu.dma_semaphore, #tpu.memory_space<semaphore_mem>>) src(%arg9 : memref<80x64xf32, #tpu.memory_space<vmem>>) dst(%dma_wait3A_176 : memref<10240x64xf32, #tpu.memory_space<vmem_shared>>)
        tpu.yield
      }) : () -> ()
      %add3A_104 = arith.constant 1 : i32
      %add3A_105 = arith.addi %mul3A_83, %add3A_104 : i32
      %add3A_106 = arith.constant 3 : i32
      %add3A_107 = arith.addi %add3A_105, %add3A_106 : i32
      %dma_start3A_108 = arith.constant 0 : i32
      %dma_start3A_109 = tpu.memref_slice %arg7[%add3A_107, %dma_start3A_108] : memref<125x80xi32, #tpu.memory_space<vmem>> -> memref<1x80xi32, #tpu.memory_space<vmem>>
      %dma_start3A_110 = tpu.memref_squeeze %dma_start3A_109 : memref<1x80xi32, #tpu.memory_space<vmem>> -> memref<80xi32, #tpu.memory_space<vmem>>
      %dma_start3A_111 = arith.constant 0 : i32
      %dma_start3A_112 = arith.constant 0 : i32
      %dma_start3A_113 = tpu.memref_slice %arg2[%dma_start3A_111, %dma_start3A_112] : memref<10000x64xf32, #tpu.memory_space<hbm>> -> memref<10000x64xf32, #tpu.memory_space<hbm>>
      tpu.enqueue_indirect_dma source(%dma_start3A_113 : memref<10000x64xf32, #tpu.memory_space<hbm>>) target(%arg9 : memref<80x64xf32, #tpu.memory_space<vmem>>) offsets(%dma_start3A_110 : memref<80xi32, #tpu.memory_space<vmem>>) semaphore(%arg14 : memref<!tpu.dma_semaphore, #tpu.memory_space<semaphore_mem>>)
      %add3A_114 = arith.constant 1 : i32
      %add3A_115 = arith.addi %mul3A_83, %add3A_114 : i32
      %dma_wait3A_116 = arith.constant 0 : i32
      %dma_wait3A_117 = tpu.memref_slice %arg7[%add3A_115, %dma_wait3A_116] : memref<125x80xi32, #tpu.memory_space<vmem>> -> memref<1x80xi32, #tpu.memory_space<vmem>>
      %dma_wait3A_118 = tpu.memref_squeeze %dma_wait3A_117 : memref<1x80xi32, #tpu.memory_space<vmem>> -> memref<80xi32, #tpu.memory_space<vmem>>
      %dma_wait3A_119 = arith.constant 0 : i32
      %dma_wait3A_120 = arith.constant 0 : i32
      %dma_wait3A_121 = tpu.memref_slice %arg2[%dma_wait3A_119, %dma_wait3A_120] : memref<10000x64xf32, #tpu.memory_space<hbm>> -> memref<10000x64xf32, #tpu.memory_space<hbm>>
      tpu.wait_indirect_dma semaphore(%arg15 : memref<!tpu.dma_semaphore, #tpu.memory_space<semaphore_mem>>) src(%dma_wait3A_121 : memref<10000x64xf32, #tpu.memory_space<hbm>>) dst(%arg10 : memref<80x64xf32, #tpu.memory_space<vmem>>)
      %add3A_122 = arith.constant 1 : i32
      %add3A_123 = arith.addi %mul3A_83, %add3A_122 : i32
      "tpu.region"() ({
        %run_scoped3A_164 = tpu.sem_alloc : memref<!tpu.dma_semaphore, #tpu.memory_space<semaphore_mem>>
        %dma_start3A_165 = arith.constant 0 : i32
        %dma_start3A_166 = tpu.memref_slice %arg8[%add3A_123, %dma_start3A_165] : memref<125x80xi32, #tpu.memory_space<vmem>> -> memref<1x80xi32, #tpu.memory_space<vmem>>
        %dma_start3A_167 = tpu.memref_squeeze %dma_start3A_166 : memref<1x80xi32, #tpu.memory_space<vmem>> -> memref<80xi32, #tpu.memory_space<vmem>>
        %dma_start3A_168 = arith.constant 0 : i32
        %dma_start3A_169 = arith.constant 0 : i32
        %dma_start3A_170 = tpu.memref_slice %arg13[%dma_start3A_168, %dma_start3A_169] : memref<10240x64xf32, #tpu.memory_space<vmem_shared>> -> memref<10240x64xf32, #tpu.memory_space<vmem_shared>>
        tpu.enqueue_indirect_dma source(%arg10 : memref<80x64xf32, #tpu.memory_space<vmem>>) target(%dma_start3A_170 : memref<10240x64xf32, #tpu.memory_space<vmem_shared>>) offsets(%dma_start3A_167 : memref<80xi32, #tpu.memory_space<vmem>>) semaphore(%run_scoped3A_164 : memref<!tpu.dma_semaphore, #tpu.memory_space<semaphore_mem>>) {add = true}
        %dma_wait3A_171 = arith.constant 0 : i32
        %dma_wait3A_172 = tpu.memref_slice %arg8[%add3A_123, %dma_wait3A_171] : memref<125x80xi32, #tpu.memory_space<vmem>> -> memref<1x80xi32, #tpu.memory_space<vmem>>
        %dma_wait3A_173 = tpu.memref_squeeze %dma_wait3A_172 : memref<1x80xi32, #tpu.memory_space<vmem>> -> memref<80xi32, #tpu.memory_space<vmem>>
        %dma_wait3A_174 = arith.constant 0 : i32
        %dma_wait3A_175 = arith.constant 0 : i32
        %dma_wait3A_176 = tpu.memref_slice %arg13[%dma_wait3A_174, %dma_wait3A_175] : memref<10240x64xf32, #tpu.memory_space<vmem_shared>> -> memref<10240x64xf32, #tpu.memory_space<vmem_shared>>
        tpu.wait_indirect_dma semaphore(%run_scoped3A_164 : memref<!tpu.dma_semaphore, #tpu.memory_space<semaphore_mem>>) src(%arg10 : memref<80x64xf32, #tpu.memory_space<vmem>>) dst(%dma_wait3A_176 : memref<10240x64xf32, #tpu.memory_space<vmem_shared>>)
        tpu.yield
      }) : () -> ()
      %add3A_124 = arith.constant 2 : i32
      %add3A_125 = arith.addi %mul3A_83, %add3A_124 : i32
      %add3A_126 = arith.constant 3 : i32
      %add3A_127 = arith.addi %add3A_125, %add3A_126 : i32
      %dma_start3A_128 = arith.constant 0 : i32
      %dma_start3A_129 = tpu.memref_slice %arg7[%add3A_127, %dma_start3A_128] : memref<125x80xi32, #tpu.memory_space<vmem>> -> memref<1x80xi32, #tpu.memory_space<vmem>>
      %dma_start3A_130 = tpu.memref_squeeze %dma_start3A_129 : memref<1x80xi32, #tpu.memory_space<vmem>> -> memref<80xi32, #tpu.memory_space<vmem>>
      %dma_start3A_131 = arith.constant 0 : i32
      %dma_start3A_132 = arith.constant 0 : i32
      %dma_start3A_133 = tpu.memref_slice %arg2[%dma_start3A_131, %dma_start3A_132] : memref<10000x64xf32, #tpu.memory_space<hbm>> -> memref<10000x64xf32, #tpu.memory_space<hbm>>
      tpu.enqueue_indirect_dma source(%dma_start3A_133 : memref<10000x64xf32, #tpu.memory_space<hbm>>) target(%arg10 : memref<80x64xf32, #tpu.memory_space<vmem>>) offsets(%dma_start3A_130 : memref<80xi32, #tpu.memory_space<vmem>>) semaphore(%arg15 : memref<!tpu.dma_semaphore, #tpu.memory_space<semaphore_mem>>)
      %add3A_134 = arith.constant 2 : i32
      %add3A_135 = arith.addi %mul3A_83, %add3A_134 : i32
      %dma_wait3A_136 = arith.constant 0 : i32
      %dma_wait3A_137 = tpu.memref_slice %arg7[%add3A_135, %dma_wait3A_136] : memref<125x80xi32, #tpu.memory_space<vmem>> -> memref<1x80xi32, #tpu.memory_space<vmem>>
      %dma_wait3A_138 = tpu.memref_squeeze %dma_wait3A_137 : memref<1x80xi32, #tpu.memory_space<vmem>> -> memref<80xi32, #tpu.memory_space<vmem>>
      %dma_wait3A_139 = arith.constant 0 : i32
      %dma_wait3A_140 = arith.constant 0 : i32
      %dma_wait3A_141 = tpu.memref_slice %arg2[%dma_wait3A_139, %dma_wait3A_140] : memref<10000x64xf32, #tpu.memory_space<hbm>> -> memref<10000x64xf32, #tpu.memory_space<hbm>>
      tpu.wait_indirect_dma semaphore(%arg16 : memref<!tpu.dma_semaphore, #tpu.memory_space<semaphore_mem>>) src(%dma_wait3A_141 : memref<10000x64xf32, #tpu.memory_space<hbm>>) dst(%arg11 : memref<80x64xf32, #tpu.memory_space<vmem>>)
      %add3A_142 = arith.constant 2 : i32
      %add3A_143 = arith.addi %mul3A_83, %add3A_142 : i32
      "tpu.region"() ({
        %run_scoped3A_164 = tpu.sem_alloc : memref<!tpu.dma_semaphore, #tpu.memory_space<semaphore_mem>>
        %dma_start3A_165 = arith.constant 0 : i32
        %dma_start3A_166 = tpu.memref_slice %arg8[%add3A_143, %dma_start3A_165] : memref<125x80xi32, #tpu.memory_space<vmem>> -> memref<1x80xi32, #tpu.memory_space<vmem>>
        %dma_start3A_167 = tpu.memref_squeeze %dma_start3A_166 : memref<1x80xi32, #tpu.memory_space<vmem>> -> memref<80xi32, #tpu.memory_space<vmem>>
        %dma_start3A_168 = arith.constant 0 : i32
        %dma_start3A_169 = arith.constant 0 : i32
        %dma_start3A_170 = tpu.memref_slice %arg13[%dma_start3A_168, %dma_start3A_169] : memref<10240x64xf32, #tpu.memory_space<vmem_shared>> -> memref<10240x64xf32, #tpu.memory_space<vmem_shared>>
        tpu.enqueue_indirect_dma source(%arg11 : memref<80x64xf32, #tpu.memory_space<vmem>>) target(%dma_start3A_170 : memref<10240x64xf32, #tpu.memory_space<vmem_shared>>) offsets(%dma_start3A_167 : memref<80xi32, #tpu.memory_space<vmem>>) semaphore(%run_scoped3A_164 : memref<!tpu.dma_semaphore, #tpu.memory_space<semaphore_mem>>) {add = true}
        %dma_wait3A_171 = arith.constant 0 : i32
        %dma_wait3A_172 = tpu.memref_slice %arg8[%add3A_143, %dma_wait3A_171] : memref<125x80xi32, #tpu.memory_space<vmem>> -> memref<1x80xi32, #tpu.memory_space<vmem>>
        %dma_wait3A_173 = tpu.memref_squeeze %dma_wait3A_172 : memref<1x80xi32, #tpu.memory_space<vmem>> -> memref<80xi32, #tpu.memory_space<vmem>>
        %dma_wait3A_174 = arith.constant 0 : i32
        %dma_wait3A_175 = arith.constant 0 : i32
        %dma_wait3A_176 = tpu.memref_slice %arg13[%dma_wait3A_174, %dma_wait3A_175] : memref<10240x64xf32, #tpu.memory_space<vmem_shared>> -> memref<10240x64xf32, #tpu.memory_space<vmem_shared>>
        tpu.wait_indirect_dma semaphore(%run_scoped3A_164 : memref<!tpu.dma_semaphore, #tpu.memory_space<semaphore_mem>>) src(%arg11 : memref<80x64xf32, #tpu.memory_space<vmem>>) dst(%dma_wait3A_176 : memref<10240x64xf32, #tpu.memory_space<vmem_shared>>)
        tpu.yield
      }) : () -> ()
      %add3A_144 = arith.constant 3 : i32
      %add3A_145 = arith.addi %mul3A_83, %add3A_144 : i32
      %add3A_146 = arith.constant 3 : i32
      %add3A_147 = arith.addi %add3A_145, %add3A_146 : i32
      %dma_start3A_148 = arith.constant 0 : i32
      %dma_start3A_149 = tpu.memref_slice %arg7[%add3A_147, %dma_start3A_148] : memref<125x80xi32, #tpu.memory_space<vmem>> -> memref<1x80xi32, #tpu.memory_space<vmem>>
      %dma_start3A_150 = tpu.memref_squeeze %dma_start3A_149 : memref<1x80xi32, #tpu.memory_space<vmem>> -> memref<80xi32, #tpu.memory_space<vmem>>
      %dma_start3A_151 = arith.constant 0 : i32
      %dma_start3A_152 = arith.constant 0 : i32
      %dma_start3A_153 = tpu.memref_slice %arg2[%dma_start3A_151, %dma_start3A_152] : memref<10000x64xf32, #tpu.memory_space<hbm>> -> memref<10000x64xf32, #tpu.memory_space<hbm>>
      tpu.enqueue_indirect_dma source(%dma_start3A_153 : memref<10000x64xf32, #tpu.memory_space<hbm>>) target(%arg11 : memref<80x64xf32, #tpu.memory_space<vmem>>) offsets(%dma_start3A_150 : memref<80xi32, #tpu.memory_space<vmem>>) semaphore(%arg16 : memref<!tpu.dma_semaphore, #tpu.memory_space<semaphore_mem>>)
      %add3A_154 = arith.constant 3 : i32
      %add3A_155 = arith.addi %mul3A_83, %add3A_154 : i32
      %dma_wait3A_156 = arith.constant 0 : i32
      %dma_wait3A_157 = tpu.memref_slice %arg7[%add3A_155, %dma_wait3A_156] : memref<125x80xi32, #tpu.memory_space<vmem>> -> memref<1x80xi32, #tpu.memory_space<vmem>>
      %dma_wait3A_158 = tpu.memref_squeeze %dma_wait3A_157 : memref<1x80xi32, #tpu.memory_space<vmem>> -> memref<80xi32, #tpu.memory_space<vmem>>
      %dma_wait3A_159 = arith.constant 0 : i32
      %dma_wait3A_160 = arith.constant 0 : i32
      %dma_wait3A_161 = tpu.memref_slice %arg2[%dma_wait3A_159, %dma_wait3A_160] : memref<10000x64xf32, #tpu.memory_space<hbm>> -> memref<10000x64xf32, #tpu.memory_space<hbm>>
      tpu.wait_indirect_dma semaphore(%arg17 : memref<!tpu.dma_semaphore, #tpu.memory_space<semaphore_mem>>) src(%dma_wait3A_161 : memref<10000x64xf32, #tpu.memory_space<hbm>>) dst(%arg12 : memref<80x64xf32, #tpu.memory_space<vmem>>)
      %add3A_162 = arith.constant 3 : i32
      %add3A_163 = arith.addi %mul3A_83, %add3A_162 : i32
      "tpu.region"() ({
        %run_scoped3A_164 = tpu.sem_alloc : memref<!tpu.dma_semaphore, #tpu.memory_space<semaphore_mem>>
        %dma_start3A_165 = arith.constant 0 : i32
        %dma_start3A_166 = tpu.memref_slice %arg8[%add3A_163, %dma_start3A_165] : memref<125x80xi32, #tpu.memory_space<vmem>> -> memref<1x80xi32, #tpu.memory_space<vmem>>
        %dma_start3A_167 = tpu.memref_squeeze %dma_start3A_166 : memref<1x80xi32, #tpu.memory_space<vmem>> -> memref<80xi32, #tpu.memory_space<vmem>>
        %dma_start3A_168 = arith.constant 0 : i32
        %dma_start3A_169 = arith.constant 0 : i32
        %dma_start3A_170 = tpu.memref_slice %arg13[%dma_start3A_168, %dma_start3A_169] : memref<10240x64xf32, #tpu.memory_space<vmem_shared>> -> memref<10240x64xf32, #tpu.memory_space<vmem_shared>>
        tpu.enqueue_indirect_dma source(%arg12 : memref<80x64xf32, #tpu.memory_space<vmem>>) target(%dma_start3A_170 : memref<10240x64xf32, #tpu.memory_space<vmem_shared>>) offsets(%dma_start3A_167 : memref<80xi32, #tpu.memory_space<vmem>>) semaphore(%run_scoped3A_164 : memref<!tpu.dma_semaphore, #tpu.memory_space<semaphore_mem>>) {add = true}
        %dma_wait3A_171 = arith.constant 0 : i32
        %dma_wait3A_172 = tpu.memref_slice %arg8[%add3A_163, %dma_wait3A_171] : memref<125x80xi32, #tpu.memory_space<vmem>> -> memref<1x80xi32, #tpu.memory_space<vmem>>
        %dma_wait3A_173 = tpu.memref_squeeze %dma_wait3A_172 : memref<1x80xi32, #tpu.memory_space<vmem>> -> memref<80xi32, #tpu.memory_space<vmem>>
        %dma_wait3A_174 = arith.constant 0 : i32
        %dma_wait3A_175 = arith.constant 0 : i32
        %dma_wait3A_176 = tpu.memref_slice %arg13[%dma_wait3A_174, %dma_wait3A_175] : memref<10240x64xf32, #tpu.memory_space<vmem_shared>> -> memref<10240x64xf32, #tpu.memory_space<vmem_shared>>
        tpu.wait_indirect_dma semaphore(%run_scoped3A_164 : memref<!tpu.dma_semaphore, #tpu.memory_space<semaphore_mem>>) src(%arg12 : memref<80x64xf32, #tpu.memory_space<vmem>>) dst(%dma_wait3A_176 : memref<10240x64xf32, #tpu.memory_space<vmem_shared>>)
        tpu.yield
      }) : () -> ()
    }
    %scan3A_27 = arith.constant 30 : i32
    %dma_start3A_28 = arith.constant 123 : i32
    %dma_start3A_29 = arith.constant 0 : i32
    %dma_start3A_30 = tpu.memref_slice %arg7[%dma_start3A_28, %dma_start3A_29] : memref<125x80xi32, #tpu.memory_space<vmem>> -> memref<1x80xi32, #tpu.memory_space<vmem>>
    %dma_start3A_31 = tpu.memref_squeeze %dma_start3A_30 : memref<1x80xi32, #tpu.memory_space<vmem>> -> memref<80xi32, #tpu.memory_space<vmem>>
    %dma_start3A_32 = arith.constant 0 : i32
    %dma_start3A_33 = arith.constant 0 : i32
    %dma_start3A_34 = tpu.memref_slice %arg2[%dma_start3A_32, %dma_start3A_33] : memref<10000x64xf32, #tpu.memory_space<hbm>> -> memref<10000x64xf32, #tpu.memory_space<hbm>>
    tpu.enqueue_indirect_dma source(%dma_start3A_34 : memref<10000x64xf32, #tpu.memory_space<hbm>>) target(%arg12 : memref<80x64xf32, #tpu.memory_space<vmem>>) offsets(%dma_start3A_31 : memref<80xi32, #tpu.memory_space<vmem>>) semaphore(%arg17 : memref<!tpu.dma_semaphore, #tpu.memory_space<semaphore_mem>>)
    %dma_wait3A = arith.constant 120 : i32
    %dma_wait3A_35 = arith.constant 0 : i32
    %dma_wait3A_36 = tpu.memref_slice %arg7[%dma_wait3A, %dma_wait3A_35] : memref<125x80xi32, #tpu.memory_space<vmem>> -> memref<1x80xi32, #tpu.memory_space<vmem>>
    %dma_wait3A_37 = tpu.memref_squeeze %dma_wait3A_36 : memref<1x80xi32, #tpu.memory_space<vmem>> -> memref<80xi32, #tpu.memory_space<vmem>>
    %dma_wait3A_38 = arith.constant 0 : i32
    %dma_wait3A_39 = arith.constant 0 : i32
    %dma_wait3A_40 = tpu.memref_slice %arg2[%dma_wait3A_38, %dma_wait3A_39] : memref<10000x64xf32, #tpu.memory_space<hbm>> -> memref<10000x64xf32, #tpu.memory_space<hbm>>
    tpu.wait_indirect_dma semaphore(%arg14 : memref<!tpu.dma_semaphore, #tpu.memory_space<semaphore_mem>>) src(%dma_wait3A_40 : memref<10000x64xf32, #tpu.memory_space<hbm>>) dst(%arg9 : memref<80x64xf32, #tpu.memory_space<vmem>>)
    %run_scoped3A = arith.constant 120 : i32
    "tpu.region"() ({
      %run_scoped3A_81 = tpu.sem_alloc : memref<!tpu.dma_semaphore, #tpu.memory_space<semaphore_mem>>
      %dma_start3A_82 = arith.constant 0 : i32
      %dma_start3A_83 = tpu.memref_slice %arg8[%run_scoped3A, %dma_start3A_82] : memref<125x80xi32, #tpu.memory_space<vmem>> -> memref<1x80xi32, #tpu.memory_space<vmem>>
      %dma_start3A_84 = tpu.memref_squeeze %dma_start3A_83 : memref<1x80xi32, #tpu.memory_space<vmem>> -> memref<80xi32, #tpu.memory_space<vmem>>
      %dma_start3A_85 = arith.constant 0 : i32
      %dma_start3A_86 = arith.constant 0 : i32
      %dma_start3A_87 = tpu.memref_slice %arg13[%dma_start3A_85, %dma_start3A_86] : memref<10240x64xf32, #tpu.memory_space<vmem_shared>> -> memref<10240x64xf32, #tpu.memory_space<vmem_shared>>
      tpu.enqueue_indirect_dma source(%arg9 : memref<80x64xf32, #tpu.memory_space<vmem>>) target(%dma_start3A_87 : memref<10240x64xf32, #tpu.memory_space<vmem_shared>>) offsets(%dma_start3A_84 : memref<80xi32, #tpu.memory_space<vmem>>) semaphore(%run_scoped3A_81 : memref<!tpu.dma_semaphore, #tpu.memory_space<semaphore_mem>>) {add = true}
      %dma_wait3A_88 = arith.constant 0 : i32
      %dma_wait3A_89 = tpu.memref_slice %arg8[%run_scoped3A, %dma_wait3A_88] : memref<125x80xi32, #tpu.memory_space<vmem>> -> memref<1x80xi32, #tpu.memory_space<vmem>>
      %dma_wait3A_90 = tpu.memref_squeeze %dma_wait3A_89 : memref<1x80xi32, #tpu.memory_space<vmem>> -> memref<80xi32, #tpu.memory_space<vmem>>
      %dma_wait3A_91 = arith.constant 0 : i32
      %dma_wait3A_92 = arith.constant 0 : i32
      %dma_wait3A_93 = tpu.memref_slice %arg13[%dma_wait3A_91, %dma_wait3A_92] : memref<10240x64xf32, #tpu.memory_space<vmem_shared>> -> memref<10240x64xf32, #tpu.memory_space<vmem_shared>>
      tpu.wait_indirect_dma semaphore(%run_scoped3A_81 : memref<!tpu.dma_semaphore, #tpu.memory_space<semaphore_mem>>) src(%arg9 : memref<80x64xf32, #tpu.memory_space<vmem>>) dst(%dma_wait3A_93 : memref<10240x64xf32, #tpu.memory_space<vmem_shared>>)
      tpu.yield
    }) : () -> ()
    %dma_start3A_41 = arith.constant 124 : i32
    %dma_start3A_42 = arith.constant 0 : i32
    %dma_start3A_43 = tpu.memref_slice %arg7[%dma_start3A_41, %dma_start3A_42] : memref<125x80xi32, #tpu.memory_space<vmem>> -> memref<1x80xi32, #tpu.memory_space<vmem>>
    %dma_start3A_44 = tpu.memref_squeeze %dma_start3A_43 : memref<1x80xi32, #tpu.memory_space<vmem>> -> memref<80xi32, #tpu.memory_space<vmem>>
    %dma_start3A_45 = arith.constant 0 : i32
    %dma_start3A_46 = arith.constant 0 : i32
    %dma_start3A_47 = tpu.memref_slice %arg2[%dma_start3A_45, %dma_start3A_46] : memref<10000x64xf32, #tpu.memory_space<hbm>> -> memref<10000x64xf32, #tpu.memory_space<hbm>>
    tpu.enqueue_indirect_dma source(%dma_start3A_47 : memref<10000x64xf32, #tpu.memory_space<hbm>>) target(%arg9 : memref<80x64xf32, #tpu.memory_space<vmem>>) offsets(%dma_start3A_44 : memref<80xi32, #tpu.memory_space<vmem>>) semaphore(%arg14 : memref<!tpu.dma_semaphore, #tpu.memory_space<semaphore_mem>>)
    %dma_wait3A_48 = arith.constant 121 : i32
    %dma_wait3A_49 = arith.constant 0 : i32
    %dma_wait3A_50 = tpu.memref_slice %arg7[%dma_wait3A_48, %dma_wait3A_49] : memref<125x80xi32, #tpu.memory_space<vmem>> -> memref<1x80xi32, #tpu.memory_space<vmem>>
    %dma_wait3A_51 = tpu.memref_squeeze %dma_wait3A_50 : memref<1x80xi32, #tpu.memory_space<vmem>> -> memref<80xi32, #tpu.memory_space<vmem>>
    %dma_wait3A_52 = arith.constant 0 : i32
    %dma_wait3A_53 = arith.constant 0 : i32
    %dma_wait3A_54 = tpu.memref_slice %arg2[%dma_wait3A_52, %dma_wait3A_53] : memref<10000x64xf32, #tpu.memory_space<hbm>> -> memref<10000x64xf32, #tpu.memory_space<hbm>>
    tpu.wait_indirect_dma semaphore(%arg15 : memref<!tpu.dma_semaphore, #tpu.memory_space<semaphore_mem>>) src(%dma_wait3A_54 : memref<10000x64xf32, #tpu.memory_space<hbm>>) dst(%arg10 : memref<80x64xf32, #tpu.memory_space<vmem>>)
    %run_scoped3A_55 = arith.constant 121 : i32
    "tpu.region"() ({
      %run_scoped3A_81 = tpu.sem_alloc : memref<!tpu.dma_semaphore, #tpu.memory_space<semaphore_mem>>
      %dma_start3A_82 = arith.constant 0 : i32
      %dma_start3A_83 = tpu.memref_slice %arg8[%run_scoped3A_55, %dma_start3A_82] : memref<125x80xi32, #tpu.memory_space<vmem>> -> memref<1x80xi32, #tpu.memory_space<vmem>>
      %dma_start3A_84 = tpu.memref_squeeze %dma_start3A_83 : memref<1x80xi32, #tpu.memory_space<vmem>> -> memref<80xi32, #tpu.memory_space<vmem>>
      %dma_start3A_85 = arith.constant 0 : i32
      %dma_start3A_86 = arith.constant 0 : i32
      %dma_start3A_87 = tpu.memref_slice %arg13[%dma_start3A_85, %dma_start3A_86] : memref<10240x64xf32, #tpu.memory_space<vmem_shared>> -> memref<10240x64xf32, #tpu.memory_space<vmem_shared>>
      tpu.enqueue_indirect_dma source(%arg10 : memref<80x64xf32, #tpu.memory_space<vmem>>) target(%dma_start3A_87 : memref<10240x64xf32, #tpu.memory_space<vmem_shared>>) offsets(%dma_start3A_84 : memref<80xi32, #tpu.memory_space<vmem>>) semaphore(%run_scoped3A_81 : memref<!tpu.dma_semaphore, #tpu.memory_space<semaphore_mem>>) {add = true}
      %dma_wait3A_88 = arith.constant 0 : i32
      %dma_wait3A_89 = tpu.memref_slice %arg8[%run_scoped3A_55, %dma_wait3A_88] : memref<125x80xi32, #tpu.memory_space<vmem>> -> memref<1x80xi32, #tpu.memory_space<vmem>>
      %dma_wait3A_90 = tpu.memref_squeeze %dma_wait3A_89 : memref<1x80xi32, #tpu.memory_space<vmem>> -> memref<80xi32, #tpu.memory_space<vmem>>
      %dma_wait3A_91 = arith.constant 0 : i32
      %dma_wait3A_92 = arith.constant 0 : i32
      %dma_wait3A_93 = tpu.memref_slice %arg13[%dma_wait3A_91, %dma_wait3A_92] : memref<10240x64xf32, #tpu.memory_space<vmem_shared>> -> memref<10240x64xf32, #tpu.memory_space<vmem_shared>>
      tpu.wait_indirect_dma semaphore(%run_scoped3A_81 : memref<!tpu.dma_semaphore, #tpu.memory_space<semaphore_mem>>) src(%arg10 : memref<80x64xf32, #tpu.memory_space<vmem>>) dst(%dma_wait3A_93 : memref<10240x64xf32, #tpu.memory_space<vmem_shared>>)
      tpu.yield
    }) : () -> ()
    %dma_wait3A_56 = arith.constant 122 : i32
    %dma_wait3A_57 = arith.constant 0 : i32
    %dma_wait3A_58 = tpu.memref_slice %arg7[%dma_wait3A_56, %dma_wait3A_57] : memref<125x80xi32, #tpu.memory_space<vmem>> -> memref<1x80xi32, #tpu.memory_space<vmem>>
    %dma_wait3A_59 = tpu.memref_squeeze %dma_wait3A_58 : memref<1x80xi32, #tpu.memory_space<vmem>> -> memref<80xi32, #tpu.memory_space<vmem>>
    %dma_wait3A_60 = arith.constant 0 : i32
    %dma_wait3A_61 = arith.constant 0 : i32
    %dma_wait3A_62 = tpu.memref_slice %arg2[%dma_wait3A_60, %dma_wait3A_61] : memref<10000x64xf32, #tpu.memory_space<hbm>> -> memref<10000x64xf32, #tpu.memory_space<hbm>>
    tpu.wait_indirect_dma semaphore(%arg16 : memref<!tpu.dma_semaphore, #tpu.memory_space<semaphore_mem>>) src(%dma_wait3A_62 : memref<10000x64xf32, #tpu.memory_space<hbm>>) dst(%arg11 : memref<80x64xf32, #tpu.memory_space<vmem>>)
    %run_scoped3A_63 = arith.constant 122 : i32
    "tpu.region"() ({
      %run_scoped3A_81 = tpu.sem_alloc : memref<!tpu.dma_semaphore, #tpu.memory_space<semaphore_mem>>
      %dma_start3A_82 = arith.constant 0 : i32
      %dma_start3A_83 = tpu.memref_slice %arg8[%run_scoped3A_63, %dma_start3A_82] : memref<125x80xi32, #tpu.memory_space<vmem>> -> memref<1x80xi32, #tpu.memory_space<vmem>>
      %dma_start3A_84 = tpu.memref_squeeze %dma_start3A_83 : memref<1x80xi32, #tpu.memory_space<vmem>> -> memref<80xi32, #tpu.memory_space<vmem>>
      %dma_start3A_85 = arith.constant 0 : i32
      %dma_start3A_86 = arith.constant 0 : i32
      %dma_start3A_87 = tpu.memref_slice %arg13[%dma_start3A_85, %dma_start3A_86] : memref<10240x64xf32, #tpu.memory_space<vmem_shared>> -> memref<10240x64xf32, #tpu.memory_space<vmem_shared>>
      tpu.enqueue_indirect_dma source(%arg11 : memref<80x64xf32, #tpu.memory_space<vmem>>) target(%dma_start3A_87 : memref<10240x64xf32, #tpu.memory_space<vmem_shared>>) offsets(%dma_start3A_84 : memref<80xi32, #tpu.memory_space<vmem>>) semaphore(%run_scoped3A_81 : memref<!tpu.dma_semaphore, #tpu.memory_space<semaphore_mem>>) {add = true}
      %dma_wait3A_88 = arith.constant 0 : i32
      %dma_wait3A_89 = tpu.memref_slice %arg8[%run_scoped3A_63, %dma_wait3A_88] : memref<125x80xi32, #tpu.memory_space<vmem>> -> memref<1x80xi32, #tpu.memory_space<vmem>>
      %dma_wait3A_90 = tpu.memref_squeeze %dma_wait3A_89 : memref<1x80xi32, #tpu.memory_space<vmem>> -> memref<80xi32, #tpu.memory_space<vmem>>
      %dma_wait3A_91 = arith.constant 0 : i32
      %dma_wait3A_92 = arith.constant 0 : i32
      %dma_wait3A_93 = tpu.memref_slice %arg13[%dma_wait3A_91, %dma_wait3A_92] : memref<10240x64xf32, #tpu.memory_space<vmem_shared>> -> memref<10240x64xf32, #tpu.memory_space<vmem_shared>>
      tpu.wait_indirect_dma semaphore(%run_scoped3A_81 : memref<!tpu.dma_semaphore, #tpu.memory_space<semaphore_mem>>) src(%arg11 : memref<80x64xf32, #tpu.memory_space<vmem>>) dst(%dma_wait3A_93 : memref<10240x64xf32, #tpu.memory_space<vmem_shared>>)
      tpu.yield
    }) : () -> ()
    %dma_wait3A_64 = arith.constant 123 : i32
    %dma_wait3A_65 = arith.constant 0 : i32
    %dma_wait3A_66 = tpu.memref_slice %arg7[%dma_wait3A_64, %dma_wait3A_65] : memref<125x80xi32, #tpu.memory_space<vmem>> -> memref<1x80xi32, #tpu.memory_space<vmem>>
    %dma_wait3A_67 = tpu.memref_squeeze %dma_wait3A_66 : memref<1x80xi32, #tpu.memory_space<vmem>> -> memref<80xi32, #tpu.memory_space<vmem>>
    %dma_wait3A_68 = arith.constant 0 : i32
    %dma_wait3A_69 = arith.constant 0 : i32
    %dma_wait3A_70 = tpu.memref_slice %arg2[%dma_wait3A_68, %dma_wait3A_69] : memref<10000x64xf32, #tpu.memory_space<hbm>> -> memref<10000x64xf32, #tpu.memory_space<hbm>>
    tpu.wait_indirect_dma semaphore(%arg17 : memref<!tpu.dma_semaphore, #tpu.memory_space<semaphore_mem>>) src(%dma_wait3A_70 : memref<10000x64xf32, #tpu.memory_space<hbm>>) dst(%arg12 : memref<80x64xf32, #tpu.memory_space<vmem>>)
    %run_scoped3A_71 = arith.constant 123 : i32
    "tpu.region"() ({
      %run_scoped3A_81 = tpu.sem_alloc : memref<!tpu.dma_semaphore, #tpu.memory_space<semaphore_mem>>
      %dma_start3A_82 = arith.constant 0 : i32
      %dma_start3A_83 = tpu.memref_slice %arg8[%run_scoped3A_71, %dma_start3A_82] : memref<125x80xi32, #tpu.memory_space<vmem>> -> memref<1x80xi32, #tpu.memory_space<vmem>>
      %dma_start3A_84 = tpu.memref_squeeze %dma_start3A_83 : memref<1x80xi32, #tpu.memory_space<vmem>> -> memref<80xi32, #tpu.memory_space<vmem>>
      %dma_start3A_85 = arith.constant 0 : i32
      %dma_start3A_86 = arith.constant 0 : i32
      %dma_start3A_87 = tpu.memref_slice %arg13[%dma_start3A_85, %dma_start3A_86] : memref<10240x64xf32, #tpu.memory_space<vmem_shared>> -> memref<10240x64xf32, #tpu.memory_space<vmem_shared>>
      tpu.enqueue_indirect_dma source(%arg12 : memref<80x64xf32, #tpu.memory_space<vmem>>) target(%dma_start3A_87 : memref<10240x64xf32, #tpu.memory_space<vmem_shared>>) offsets(%dma_start3A_84 : memref<80xi32, #tpu.memory_space<vmem>>) semaphore(%run_scoped3A_81 : memref<!tpu.dma_semaphore, #tpu.memory_space<semaphore_mem>>) {add = true}
      %dma_wait3A_88 = arith.constant 0 : i32
      %dma_wait3A_89 = tpu.memref_slice %arg8[%run_scoped3A_71, %dma_wait3A_88] : memref<125x80xi32, #tpu.memory_space<vmem>> -> memref<1x80xi32, #tpu.memory_space<vmem>>
      %dma_wait3A_90 = tpu.memref_squeeze %dma_wait3A_89 : memref<1x80xi32, #tpu.memory_space<vmem>> -> memref<80xi32, #tpu.memory_space<vmem>>
      %dma_wait3A_91 = arith.constant 0 : i32
      %dma_wait3A_92 = arith.constant 0 : i32
      %dma_wait3A_93 = tpu.memref_slice %arg13[%dma_wait3A_91, %dma_wait3A_92] : memref<10240x64xf32, #tpu.memory_space<vmem_shared>> -> memref<10240x64xf32, #tpu.memory_space<vmem_shared>>
      tpu.wait_indirect_dma semaphore(%run_scoped3A_81 : memref<!tpu.dma_semaphore, #tpu.memory_space<semaphore_mem>>) src(%arg12 : memref<80x64xf32, #tpu.memory_space<vmem>>) dst(%dma_wait3A_93 : memref<10240x64xf32, #tpu.memory_space<vmem_shared>>)
      tpu.yield
    }) : () -> ()
    %dma_wait3A_72 = arith.constant 124 : i32
    %dma_wait3A_73 = arith.constant 0 : i32
    %dma_wait3A_74 = tpu.memref_slice %arg7[%dma_wait3A_72, %dma_wait3A_73] : memref<125x80xi32, #tpu.memory_space<vmem>> -> memref<1x80xi32, #tpu.memory_space<vmem>>
    %dma_wait3A_75 = tpu.memref_squeeze %dma_wait3A_74 : memref<1x80xi32, #tpu.memory_space<vmem>> -> memref<80xi32, #tpu.memory_space<vmem>>
    %dma_wait3A_76 = arith.constant 0 : i32
    %dma_wait3A_77 = arith.constant 0 : i32
    %dma_wait3A_78 = tpu.memref_slice %arg2[%dma_wait3A_76, %dma_wait3A_77] : memref<10000x64xf32, #tpu.memory_space<hbm>> -> memref<10000x64xf32, #tpu.memory_space<hbm>>
    tpu.wait_indirect_dma semaphore(%arg14 : memref<!tpu.dma_semaphore, #tpu.memory_space<semaphore_mem>>) src(%dma_wait3A_78 : memref<10000x64xf32, #tpu.memory_space<hbm>>) dst(%arg9 : memref<80x64xf32, #tpu.memory_space<vmem>>)
    %run_scoped3A_79 = arith.constant 124 : i32
    "tpu.region"() ({
      %run_scoped3A_81 = tpu.sem_alloc : memref<!tpu.dma_semaphore, #tpu.memory_space<semaphore_mem>>
      %dma_start3A_82 = arith.constant 0 : i32
      %dma_start3A_83 = tpu.memref_slice %arg8[%run_scoped3A_79, %dma_start3A_82] : memref<125x80xi32, #tpu.memory_space<vmem>> -> memref<1x80xi32, #tpu.memory_space<vmem>>
      %dma_start3A_84 = tpu.memref_squeeze %dma_start3A_83 : memref<1x80xi32, #tpu.memory_space<vmem>> -> memref<80xi32, #tpu.memory_space<vmem>>
      %dma_start3A_85 = arith.constant 0 : i32
      %dma_start3A_86 = arith.constant 0 : i32
      %dma_start3A_87 = tpu.memref_slice %arg13[%dma_start3A_85, %dma_start3A_86] : memref<10240x64xf32, #tpu.memory_space<vmem_shared>> -> memref<10240x64xf32, #tpu.memory_space<vmem_shared>>
      tpu.enqueue_indirect_dma source(%arg9 : memref<80x64xf32, #tpu.memory_space<vmem>>) target(%dma_start3A_87 : memref<10240x64xf32, #tpu.memory_space<vmem_shared>>) offsets(%dma_start3A_84 : memref<80xi32, #tpu.memory_space<vmem>>) semaphore(%run_scoped3A_81 : memref<!tpu.dma_semaphore, #tpu.memory_space<semaphore_mem>>) {add = true}
      %dma_wait3A_88 = arith.constant 0 : i32
      %dma_wait3A_89 = tpu.memref_slice %arg8[%run_scoped3A_79, %dma_wait3A_88] : memref<125x80xi32, #tpu.memory_space<vmem>> -> memref<1x80xi32, #tpu.memory_space<vmem>>
      %dma_wait3A_90 = tpu.memref_squeeze %dma_wait3A_89 : memref<1x80xi32, #tpu.memory_space<vmem>> -> memref<80xi32, #tpu.memory_space<vmem>>
      %dma_wait3A_91 = arith.constant 0 : i32
      %dma_wait3A_92 = arith.constant 0 : i32
      %dma_wait3A_93 = tpu.memref_slice %arg13[%dma_wait3A_91, %dma_wait3A_92] : memref<10240x64xf32, #tpu.memory_space<vmem_shared>> -> memref<10240x64xf32, #tpu.memory_space<vmem_shared>>
      tpu.wait_indirect_dma semaphore(%run_scoped3A_81 : memref<!tpu.dma_semaphore, #tpu.memory_space<semaphore_mem>>) src(%arg9 : memref<80x64xf32, #tpu.memory_space<vmem>>) dst(%dma_wait3A_93 : memref<10240x64xf32, #tpu.memory_space<vmem_shared>>)
      tpu.yield
    }) : () -> ()
    %barrier3A_80 = arith.constant 0 : index
    tpu.barrier barrier_id(%barrier3A_80)
    "tpu.region"() ({
      %run_scoped3A_81 = tpu.sem_alloc : memref<!tpu.dma_semaphore, #tpu.memory_space<semaphore_mem>>
      %dma_start3A_82 = arith.constant 0 : i32
      %dma_start3A_83 = tpu.memref_slice %arg6[%arg0, %mul3A_2, %dma_start3A_82] : memref<2x10240x64xf32, #tpu.memory_space<hbm>> -> memref<1x640x64xf32, #tpu.memory_space<hbm>>
      %dma_start3A_84 = tpu.memref_squeeze %dma_start3A_83 : memref<1x640x64xf32, #tpu.memory_space<hbm>> -> memref<640x64xf32, #tpu.memory_space<hbm>>
      %dma_start3A_85 = arith.constant 0 : i32
      %dma_start3A_86 = tpu.memref_slice %arg13[%mul3A_2, %dma_start3A_85] : memref<10240x64xf32, #tpu.memory_space<vmem_shared>> -> memref<640x64xf32, #tpu.memory_space<vmem_shared>>
      tpu.enqueue_dma source(%dma_start3A_86 : memref<640x64xf32, #tpu.memory_space<vmem_shared>>) target(%dma_start3A_84 : memref<640x64xf32, #tpu.memory_space<hbm>>) target_semaphore(%run_scoped3A_81 : memref<!tpu.dma_semaphore, #tpu.memory_space<semaphore_mem>>)
      %dma_wait3A_87 = arith.constant 0 : i32
      %dma_wait3A_88 = tpu.memref_slice %arg6[%arg0, %mul3A_2, %dma_wait3A_87] : memref<2x10240x64xf32, #tpu.memory_space<hbm>> -> memref<1x640x64xf32, #tpu.memory_space<hbm>>
      %dma_wait3A_89 = tpu.memref_squeeze %dma_wait3A_88 : memref<1x640x64xf32, #tpu.memory_space<hbm>> -> memref<640x64xf32, #tpu.memory_space<hbm>>
      %dma_wait3A_90 = arith.constant 0 : i32
      %dma_wait3A_91 = tpu.memref_slice %arg13[%mul3A_2, %dma_wait3A_90] : memref<10240x64xf32, #tpu.memory_space<vmem_shared>> -> memref<640x64xf32, #tpu.memory_space<vmem_shared>>
      tpu.wait_dma2 semaphore(%run_scoped3A_81 : memref<!tpu.dma_semaphore, #tpu.memory_space<semaphore_mem>>) src(%dma_wait3A_91 : memref<640x64xf32, #tpu.memory_space<vmem_shared>>) dst(%dma_wait3A_89 : memref<640x64xf32, #tpu.memory_space<hbm>>)
      tpu.yield
    }) : () -> ()
    return
  }
}

#map = affine_map<(d0, d1) -> (0, 0)>
#map1 = affine_map<(d0, d1) -> (0, 0, 0)>
module attributes {stable_mosaic.version = 14 : i64} {
  func.func @_agg1c(%arg0: i32, %arg1: i32, %arg2: memref<10000x128xf32, #tpu.memory_space<hbm>>, %arg3: memref<32x125x80xi32, #tpu.memory_space<hbm>>, %arg4: memref<32x125x80xi32, #tpu.memory_space<hbm>>, %arg5: memref<10240x128xf32, #tpu.memory_space<hbm>>, %arg6: memref<10240x8xf32, #tpu.memory_space<hbm>>, %arg7: memref<80x8xf32, #tpu.memory_space<hbm>>, %arg8: memref<2x10240x128xf32, #tpu.memory_space<hbm>>, %arg9: memref<2x10240x8xf32, #tpu.memory_space<hbm>>, %arg10: memref<63x80xi32, #tpu.memory_space<vmem>>, %arg11: memref<63x80xi32, #tpu.memory_space<vmem>>, %arg12: memref<80x128xf32, #tpu.memory_space<vmem>>, %arg13: memref<80x128xf32, #tpu.memory_space<vmem>>, %arg14: memref<80x128xf32, #tpu.memory_space<vmem>>, %arg15: memref<80x8xf32, #tpu.memory_space<vmem>>, %arg16: memref<10240x128xf32, #tpu.memory_space<vmem_shared>>, %arg17: memref<10240x8xf32, #tpu.memory_space<vmem_shared>>, %arg18: memref<!tpu.dma_semaphore, #tpu.memory_space<semaphore_mem>>, %arg19: memref<!tpu.dma_semaphore, #tpu.memory_space<semaphore_mem>>, %arg20: memref<!tpu.dma_semaphore, #tpu.memory_space<semaphore_mem>>) attributes {dimension_semantics = [#tpu.dimension_semantics<core_parallel>, #tpu.dimension_semantics<subcore_parallel>], iteration_bounds = array<i64: 2, 16>, scalar_prefetch = 0 : i64, scratch_operands = 11 : i64, tpu.core_type = #tpu.core_type<sc_vector_subcore>, window_params = [{transform_indices = #map}, {transform_indices = #map1}, {transform_indices = #map1}, {transform_indices = #map}, {transform_indices = #map}, {transform_indices = #map}, {transform_indices = #map1}, {transform_indices = #map1}]} {
    %mul3A = arith.constant 16 : i32
    %mul3A_0 = arith.muli %arg0, %mul3A : i32
    %add3A = arith.addi %mul3A_0, %arg1 : i32
    %mul3A_1 = arith.constant 640 : i32
    %mul3A_2 = arith.muli %arg1, %mul3A_1 : i32
    "tpu.region"() ({
      %run_scoped3A_92 = tpu.sem_alloc : memref<!tpu.dma_semaphore, #tpu.memory_space<semaphore_mem>>
      %dma_start3A_93 = arith.constant 0 : i32
      %dma_start3A_94 = tpu.memref_slice %arg16[%mul3A_2, %dma_start3A_93] : memref<10240x128xf32, #tpu.memory_space<vmem_shared>> -> memref<640x128xf32, #tpu.memory_space<vmem_shared>>
      %dma_start3A_95 = arith.constant 0 : i32
      %dma_start3A_96 = tpu.memref_slice %arg5[%mul3A_2, %dma_start3A_95] : memref<10240x128xf32, #tpu.memory_space<hbm>> -> memref<640x128xf32, #tpu.memory_space<hbm>>
      tpu.enqueue_dma source(%dma_start3A_96 : memref<640x128xf32, #tpu.memory_space<hbm>>) target(%dma_start3A_94 : memref<640x128xf32, #tpu.memory_space<vmem_shared>>) target_semaphore(%run_scoped3A_92 : memref<!tpu.dma_semaphore, #tpu.memory_space<semaphore_mem>>)
      %dma_wait3A_97 = arith.constant 0 : i32
      %dma_wait3A_98 = tpu.memref_slice %arg16[%mul3A_2, %dma_wait3A_97] : memref<10240x128xf32, #tpu.memory_space<vmem_shared>> -> memref<640x128xf32, #tpu.memory_space<vmem_shared>>
      %dma_wait3A_99 = arith.constant 0 : i32
      %dma_wait3A_100 = tpu.memref_slice %arg5[%mul3A_2, %dma_wait3A_99] : memref<10240x128xf32, #tpu.memory_space<hbm>> -> memref<640x128xf32, #tpu.memory_space<hbm>>
      tpu.wait_dma2 semaphore(%run_scoped3A_92 : memref<!tpu.dma_semaphore, #tpu.memory_space<semaphore_mem>>) src(%dma_wait3A_100 : memref<640x128xf32, #tpu.memory_space<hbm>>) dst(%dma_wait3A_98 : memref<640x128xf32, #tpu.memory_space<vmem_shared>>)
      tpu.yield
    }) : () -> ()
    "tpu.region"() ({
      %run_scoped3A_92 = tpu.sem_alloc : memref<!tpu.dma_semaphore, #tpu.memory_space<semaphore_mem>>
      %dma_start3A_93 = arith.constant 0 : i32
      %dma_start3A_94 = tpu.memref_slice %arg17[%mul3A_2, %dma_start3A_93] : memref<10240x8xf32, #tpu.memory_space<vmem_shared>> -> memref<640x8xf32, #tpu.memory_space<vmem_shared>>
      %dma_start3A_95 = arith.constant 0 : i32
      %dma_start3A_96 = tpu.memref_slice %arg6[%mul3A_2, %dma_start3A_95] : memref<10240x8xf32, #tpu.memory_space<hbm>> -> memref<640x8xf32, #tpu.memory_space<hbm>>
      tpu.enqueue_dma source(%dma_start3A_96 : memref<640x8xf32, #tpu.memory_space<hbm>>) target(%dma_start3A_94 : memref<640x8xf32, #tpu.memory_space<vmem_shared>>) target_semaphore(%run_scoped3A_92 : memref<!tpu.dma_semaphore, #tpu.memory_space<semaphore_mem>>)
      %dma_wait3A_97 = arith.constant 0 : i32
      %dma_wait3A_98 = tpu.memref_slice %arg17[%mul3A_2, %dma_wait3A_97] : memref<10240x8xf32, #tpu.memory_space<vmem_shared>> -> memref<640x8xf32, #tpu.memory_space<vmem_shared>>
      %dma_wait3A_99 = arith.constant 0 : i32
      %dma_wait3A_100 = tpu.memref_slice %arg6[%mul3A_2, %dma_wait3A_99] : memref<10240x8xf32, #tpu.memory_space<hbm>> -> memref<640x8xf32, #tpu.memory_space<hbm>>
      tpu.wait_dma2 semaphore(%run_scoped3A_92 : memref<!tpu.dma_semaphore, #tpu.memory_space<semaphore_mem>>) src(%dma_wait3A_100 : memref<640x8xf32, #tpu.memory_space<hbm>>) dst(%dma_wait3A_98 : memref<640x8xf32, #tpu.memory_space<vmem_shared>>)
      tpu.yield
    }) : () -> ()
    "tpu.region"() ({
      %run_scoped3A_92 = tpu.sem_alloc : memref<!tpu.dma_semaphore, #tpu.memory_space<semaphore_mem>>
      tpu.enqueue_dma source(%arg7 : memref<80x8xf32, #tpu.memory_space<hbm>>) target(%arg15 : memref<80x8xf32, #tpu.memory_space<vmem>>) target_semaphore(%run_scoped3A_92 : memref<!tpu.dma_semaphore, #tpu.memory_space<semaphore_mem>>)
      tpu.wait_dma2 semaphore(%run_scoped3A_92 : memref<!tpu.dma_semaphore, #tpu.memory_space<semaphore_mem>>) src(%arg7 : memref<80x8xf32, #tpu.memory_space<hbm>>) dst(%arg15 : memref<80x8xf32, #tpu.memory_space<vmem>>)
      tpu.yield
    }) : () -> ()
    %barrier3A = arith.constant 0 : index
    tpu.barrier barrier_id(%barrier3A)
    "tpu.region"() ({
      %run_scoped3A_92 = tpu.sem_alloc : memref<!tpu.dma_semaphore, #tpu.memory_space<semaphore_mem>>
      %dma_start3A_93 = arith.constant 0 : i32
      %dma_start3A_94 = arith.constant 0 : i32
      %dma_start3A_95 = tpu.memref_slice %arg3[%add3A, %dma_start3A_93, %dma_start3A_94] : memref<32x125x80xi32, #tpu.memory_space<hbm>> -> memref<1x63x80xi32, #tpu.memory_space<hbm>>
      %dma_start3A_96 = tpu.memref_squeeze %dma_start3A_95 : memref<1x63x80xi32, #tpu.memory_space<hbm>> -> memref<63x80xi32, #tpu.memory_space<hbm>>
      %dma_start3A_97 = arith.constant 0 : i32
      %dma_start3A_98 = arith.constant 0 : i32
      %dma_start3A_99 = tpu.memref_slice %arg3[%add3A, %dma_start3A_97, %dma_start3A_98] : memref<32x125x80xi32, #tpu.memory_space<hbm>> -> memref<1x63x80xi32, #tpu.memory_space<hbm>>
      %dma_start3A_100 = tpu.memref_squeeze %dma_start3A_99 : memref<1x63x80xi32, #tpu.memory_space<hbm>> -> memref<63x80xi32, #tpu.memory_space<hbm>>
      tpu.enqueue_dma source(%dma_start3A_100 : memref<63x80xi32, #tpu.memory_space<hbm>>) target(%arg10 : memref<63x80xi32, #tpu.memory_space<vmem>>) target_semaphore(%run_scoped3A_92 : memref<!tpu.dma_semaphore, #tpu.memory_space<semaphore_mem>>)
      %dma_wait3A_101 = arith.constant 0 : i32
      %dma_wait3A_102 = arith.constant 0 : i32
      %dma_wait3A_103 = tpu.memref_slice %arg3[%add3A, %dma_wait3A_101, %dma_wait3A_102] : memref<32x125x80xi32, #tpu.memory_space<hbm>> -> memref<1x63x80xi32, #tpu.memory_space<hbm>>
      %dma_wait3A_104 = tpu.memref_squeeze %dma_wait3A_103 : memref<1x63x80xi32, #tpu.memory_space<hbm>> -> memref<63x80xi32, #tpu.memory_space<hbm>>
      %dma_wait3A_105 = arith.constant 0 : i32
      %dma_wait3A_106 = arith.constant 0 : i32
      %dma_wait3A_107 = tpu.memref_slice %arg3[%add3A, %dma_wait3A_105, %dma_wait3A_106] : memref<32x125x80xi32, #tpu.memory_space<hbm>> -> memref<1x63x80xi32, #tpu.memory_space<hbm>>
      %dma_wait3A_108 = tpu.memref_squeeze %dma_wait3A_107 : memref<1x63x80xi32, #tpu.memory_space<hbm>> -> memref<63x80xi32, #tpu.memory_space<hbm>>
      tpu.wait_dma2 semaphore(%run_scoped3A_92 : memref<!tpu.dma_semaphore, #tpu.memory_space<semaphore_mem>>) src(%dma_wait3A_108 : memref<63x80xi32, #tpu.memory_space<hbm>>) dst(%arg10 : memref<63x80xi32, #tpu.memory_space<vmem>>)
      tpu.yield
    }) : () -> ()
    "tpu.region"() ({
      %run_scoped3A_92 = tpu.sem_alloc : memref<!tpu.dma_semaphore, #tpu.memory_space<semaphore_mem>>
      %dma_start3A_93 = arith.constant 0 : i32
      %dma_start3A_94 = arith.constant 0 : i32
      %dma_start3A_95 = tpu.memref_slice %arg4[%add3A, %dma_start3A_93, %dma_start3A_94] : memref<32x125x80xi32, #tpu.memory_space<hbm>> -> memref<1x63x80xi32, #tpu.memory_space<hbm>>
      %dma_start3A_96 = tpu.memref_squeeze %dma_start3A_95 : memref<1x63x80xi32, #tpu.memory_space<hbm>> -> memref<63x80xi32, #tpu.memory_space<hbm>>
      %dma_start3A_97 = arith.constant 0 : i32
      %dma_start3A_98 = arith.constant 0 : i32
      %dma_start3A_99 = tpu.memref_slice %arg4[%add3A, %dma_start3A_97, %dma_start3A_98] : memref<32x125x80xi32, #tpu.memory_space<hbm>> -> memref<1x63x80xi32, #tpu.memory_space<hbm>>
      %dma_start3A_100 = tpu.memref_squeeze %dma_start3A_99 : memref<1x63x80xi32, #tpu.memory_space<hbm>> -> memref<63x80xi32, #tpu.memory_space<hbm>>
      tpu.enqueue_dma source(%dma_start3A_100 : memref<63x80xi32, #tpu.memory_space<hbm>>) target(%arg11 : memref<63x80xi32, #tpu.memory_space<vmem>>) target_semaphore(%run_scoped3A_92 : memref<!tpu.dma_semaphore, #tpu.memory_space<semaphore_mem>>)
      %dma_wait3A_101 = arith.constant 0 : i32
      %dma_wait3A_102 = arith.constant 0 : i32
      %dma_wait3A_103 = tpu.memref_slice %arg4[%add3A, %dma_wait3A_101, %dma_wait3A_102] : memref<32x125x80xi32, #tpu.memory_space<hbm>> -> memref<1x63x80xi32, #tpu.memory_space<hbm>>
      %dma_wait3A_104 = tpu.memref_squeeze %dma_wait3A_103 : memref<1x63x80xi32, #tpu.memory_space<hbm>> -> memref<63x80xi32, #tpu.memory_space<hbm>>
      %dma_wait3A_105 = arith.constant 0 : i32
      %dma_wait3A_106 = arith.constant 0 : i32
      %dma_wait3A_107 = tpu.memref_slice %arg4[%add3A, %dma_wait3A_105, %dma_wait3A_106] : memref<32x125x80xi32, #tpu.memory_space<hbm>> -> memref<1x63x80xi32, #tpu.memory_space<hbm>>
      %dma_wait3A_108 = tpu.memref_squeeze %dma_wait3A_107 : memref<1x63x80xi32, #tpu.memory_space<hbm>> -> memref<63x80xi32, #tpu.memory_space<hbm>>
      tpu.wait_dma2 semaphore(%run_scoped3A_92 : memref<!tpu.dma_semaphore, #tpu.memory_space<semaphore_mem>>) src(%dma_wait3A_108 : memref<63x80xi32, #tpu.memory_space<hbm>>) dst(%arg11 : memref<63x80xi32, #tpu.memory_space<vmem>>)
      tpu.yield
    }) : () -> ()
    %dma_start3A = arith.constant 0 : i32
    %dma_start3A_3 = arith.constant 0 : i32
    %dma_start3A_4 = tpu.memref_slice %arg10[%dma_start3A, %dma_start3A_3] : memref<63x80xi32, #tpu.memory_space<vmem>> -> memref<1x80xi32, #tpu.memory_space<vmem>>
    %dma_start3A_5 = tpu.memref_squeeze %dma_start3A_4 : memref<1x80xi32, #tpu.memory_space<vmem>> -> memref<80xi32, #tpu.memory_space<vmem>>
    %dma_start3A_6 = arith.constant 0 : i32
    %dma_start3A_7 = arith.constant 0 : i32
    %dma_start3A_8 = tpu.memref_slice %arg2[%dma_start3A_6, %dma_start3A_7] : memref<10000x128xf32, #tpu.memory_space<hbm>> -> memref<10000x128xf32, #tpu.memory_space<hbm>>
    tpu.enqueue_indirect_dma source(%dma_start3A_8 : memref<10000x128xf32, #tpu.memory_space<hbm>>) target(%arg12 : memref<80x128xf32, #tpu.memory_space<vmem>>) offsets(%dma_start3A_5 : memref<80xi32, #tpu.memory_space<vmem>>) semaphore(%arg18 : memref<!tpu.dma_semaphore, #tpu.memory_space<semaphore_mem>>)
    %dma_start3A_9 = arith.constant 1 : i32
    %dma_start3A_10 = arith.constant 0 : i32
    %dma_start3A_11 = tpu.memref_slice %arg10[%dma_start3A_9, %dma_start3A_10] : memref<63x80xi32, #tpu.memory_space<vmem>> -> memref<1x80xi32, #tpu.memory_space<vmem>>
    %dma_start3A_12 = tpu.memref_squeeze %dma_start3A_11 : memref<1x80xi32, #tpu.memory_space<vmem>> -> memref<80xi32, #tpu.memory_space<vmem>>
    %dma_start3A_13 = arith.constant 0 : i32
    %dma_start3A_14 = arith.constant 0 : i32
    %dma_start3A_15 = tpu.memref_slice %arg2[%dma_start3A_13, %dma_start3A_14] : memref<10000x128xf32, #tpu.memory_space<hbm>> -> memref<10000x128xf32, #tpu.memory_space<hbm>>
    tpu.enqueue_indirect_dma source(%dma_start3A_15 : memref<10000x128xf32, #tpu.memory_space<hbm>>) target(%arg13 : memref<80x128xf32, #tpu.memory_space<vmem>>) offsets(%dma_start3A_12 : memref<80xi32, #tpu.memory_space<vmem>>) semaphore(%arg19 : memref<!tpu.dma_semaphore, #tpu.memory_space<semaphore_mem>>)
    %scan3A = arith.constant 0 : i32
    %scan3A_16 = arith.constant 0 : i32
    %scan3A_17 = arith.constant 20 : i32
    %scan3A_18 = arith.addi %scan3A_16, %scan3A_17 : i32
    %scan3A_19 = arith.constant 1 : i32
    scf.for %scan3A_92 = %scan3A_16 to %scan3A_18 step %scan3A_19  : i32 {
      %mul3A_93 = arith.constant 3 : i32
      %mul3A_94 = arith.muli %mul3A_93, %scan3A_92 : i32
      %add3A_95 = arith.constant 0 : i32
      %add3A_96 = arith.addi %mul3A_94, %add3A_95 : i32
      %add3A_97 = arith.constant 2 : i32
      %add3A_98 = arith.addi %add3A_96, %add3A_97 : i32
      %dma_start3A_99 = arith.constant 0 : i32
      %dma_start3A_100 = tpu.memref_slice %arg10[%add3A_98, %dma_start3A_99] : memref<63x80xi32, #tpu.memory_space<vmem>> -> memref<1x80xi32, #tpu.memory_space<vmem>>
      %dma_start3A_101 = tpu.memref_squeeze %dma_start3A_100 : memref<1x80xi32, #tpu.memory_space<vmem>> -> memref<80xi32, #tpu.memory_space<vmem>>
      %dma_start3A_102 = arith.constant 0 : i32
      %dma_start3A_103 = arith.constant 0 : i32
      %dma_start3A_104 = tpu.memref_slice %arg2[%dma_start3A_102, %dma_start3A_103] : memref<10000x128xf32, #tpu.memory_space<hbm>> -> memref<10000x128xf32, #tpu.memory_space<hbm>>
      tpu.enqueue_indirect_dma source(%dma_start3A_104 : memref<10000x128xf32, #tpu.memory_space<hbm>>) target(%arg14 : memref<80x128xf32, #tpu.memory_space<vmem>>) offsets(%dma_start3A_101 : memref<80xi32, #tpu.memory_space<vmem>>) semaphore(%arg20 : memref<!tpu.dma_semaphore, #tpu.memory_space<semaphore_mem>>)
      %add3A_105 = arith.constant 0 : i32
      %add3A_106 = arith.addi %mul3A_94, %add3A_105 : i32
      "tpu.region"() ({
        %run_scoped3A_161 = tpu.sem_alloc : memref<!tpu.dma_semaphore, #tpu.memory_space<semaphore_mem>>
        %dma_start3A_162 = arith.constant 0 : i32
        %dma_start3A_163 = tpu.memref_slice %arg11[%add3A_106, %dma_start3A_162] : memref<63x80xi32, #tpu.memory_space<vmem>> -> memref<1x80xi32, #tpu.memory_space<vmem>>
        %dma_start3A_164 = tpu.memref_squeeze %dma_start3A_163 : memref<1x80xi32, #tpu.memory_space<vmem>> -> memref<80xi32, #tpu.memory_space<vmem>>
        %dma_start3A_165 = arith.constant 0 : i32
        %dma_start3A_166 = arith.constant 0 : i32
        %dma_start3A_167 = tpu.memref_slice %arg17[%dma_start3A_165, %dma_start3A_166] : memref<10240x8xf32, #tpu.memory_space<vmem_shared>> -> memref<10240x8xf32, #tpu.memory_space<vmem_shared>>
        tpu.enqueue_indirect_dma source(%arg15 : memref<80x8xf32, #tpu.memory_space<vmem>>) target(%dma_start3A_167 : memref<10240x8xf32, #tpu.memory_space<vmem_shared>>) offsets(%dma_start3A_164 : memref<80xi32, #tpu.memory_space<vmem>>) semaphore(%run_scoped3A_161 : memref<!tpu.dma_semaphore, #tpu.memory_space<semaphore_mem>>) {add = true}
        %dma_wait3A_168 = arith.constant 0 : i32
        %dma_wait3A_169 = tpu.memref_slice %arg11[%add3A_106, %dma_wait3A_168] : memref<63x80xi32, #tpu.memory_space<vmem>> -> memref<1x80xi32, #tpu.memory_space<vmem>>
        %dma_wait3A_170 = tpu.memref_squeeze %dma_wait3A_169 : memref<1x80xi32, #tpu.memory_space<vmem>> -> memref<80xi32, #tpu.memory_space<vmem>>
        %dma_wait3A_171 = arith.constant 0 : i32
        %dma_wait3A_172 = arith.constant 0 : i32
        %dma_wait3A_173 = tpu.memref_slice %arg17[%dma_wait3A_171, %dma_wait3A_172] : memref<10240x8xf32, #tpu.memory_space<vmem_shared>> -> memref<10240x8xf32, #tpu.memory_space<vmem_shared>>
        tpu.wait_indirect_dma semaphore(%run_scoped3A_161 : memref<!tpu.dma_semaphore, #tpu.memory_space<semaphore_mem>>) src(%arg15 : memref<80x8xf32, #tpu.memory_space<vmem>>) dst(%dma_wait3A_173 : memref<10240x8xf32, #tpu.memory_space<vmem_shared>>)
        tpu.yield
      }) : () -> ()
      %add3A_107 = arith.constant 0 : i32
      %add3A_108 = arith.addi %mul3A_94, %add3A_107 : i32
      %dma_wait3A_109 = arith.constant 0 : i32
      %dma_wait3A_110 = tpu.memref_slice %arg10[%add3A_108, %dma_wait3A_109] : memref<63x80xi32, #tpu.memory_space<vmem>> -> memref<1x80xi32, #tpu.memory_space<vmem>>
      %dma_wait3A_111 = tpu.memref_squeeze %dma_wait3A_110 : memref<1x80xi32, #tpu.memory_space<vmem>> -> memref<80xi32, #tpu.memory_space<vmem>>
      %dma_wait3A_112 = arith.constant 0 : i32
      %dma_wait3A_113 = arith.constant 0 : i32
      %dma_wait3A_114 = tpu.memref_slice %arg2[%dma_wait3A_112, %dma_wait3A_113] : memref<10000x128xf32, #tpu.memory_space<hbm>> -> memref<10000x128xf32, #tpu.memory_space<hbm>>
      tpu.wait_indirect_dma semaphore(%arg18 : memref<!tpu.dma_semaphore, #tpu.memory_space<semaphore_mem>>) src(%dma_wait3A_114 : memref<10000x128xf32, #tpu.memory_space<hbm>>) dst(%arg12 : memref<80x128xf32, #tpu.memory_space<vmem>>)
      %add3A_115 = arith.constant 0 : i32
      %add3A_116 = arith.addi %mul3A_94, %add3A_115 : i32
      "tpu.region"() ({
        %run_scoped3A_161 = tpu.sem_alloc : memref<!tpu.dma_semaphore, #tpu.memory_space<semaphore_mem>>
        %dma_start3A_162 = arith.constant 0 : i32
        %dma_start3A_163 = tpu.memref_slice %arg11[%add3A_116, %dma_start3A_162] : memref<63x80xi32, #tpu.memory_space<vmem>> -> memref<1x80xi32, #tpu.memory_space<vmem>>
        %dma_start3A_164 = tpu.memref_squeeze %dma_start3A_163 : memref<1x80xi32, #tpu.memory_space<vmem>> -> memref<80xi32, #tpu.memory_space<vmem>>
        %dma_start3A_165 = arith.constant 0 : i32
        %dma_start3A_166 = arith.constant 0 : i32
        %dma_start3A_167 = tpu.memref_slice %arg16[%dma_start3A_165, %dma_start3A_166] : memref<10240x128xf32, #tpu.memory_space<vmem_shared>> -> memref<10240x128xf32, #tpu.memory_space<vmem_shared>>
        tpu.enqueue_indirect_dma source(%arg12 : memref<80x128xf32, #tpu.memory_space<vmem>>) target(%dma_start3A_167 : memref<10240x128xf32, #tpu.memory_space<vmem_shared>>) offsets(%dma_start3A_164 : memref<80xi32, #tpu.memory_space<vmem>>) semaphore(%run_scoped3A_161 : memref<!tpu.dma_semaphore, #tpu.memory_space<semaphore_mem>>) {add = true}
        %dma_wait3A_168 = arith.constant 0 : i32
        %dma_wait3A_169 = tpu.memref_slice %arg11[%add3A_116, %dma_wait3A_168] : memref<63x80xi32, #tpu.memory_space<vmem>> -> memref<1x80xi32, #tpu.memory_space<vmem>>
        %dma_wait3A_170 = tpu.memref_squeeze %dma_wait3A_169 : memref<1x80xi32, #tpu.memory_space<vmem>> -> memref<80xi32, #tpu.memory_space<vmem>>
        %dma_wait3A_171 = arith.constant 0 : i32
        %dma_wait3A_172 = arith.constant 0 : i32
        %dma_wait3A_173 = tpu.memref_slice %arg16[%dma_wait3A_171, %dma_wait3A_172] : memref<10240x128xf32, #tpu.memory_space<vmem_shared>> -> memref<10240x128xf32, #tpu.memory_space<vmem_shared>>
        tpu.wait_indirect_dma semaphore(%run_scoped3A_161 : memref<!tpu.dma_semaphore, #tpu.memory_space<semaphore_mem>>) src(%arg12 : memref<80x128xf32, #tpu.memory_space<vmem>>) dst(%dma_wait3A_173 : memref<10240x128xf32, #tpu.memory_space<vmem_shared>>)
        tpu.yield
      }) : () -> ()
      %add3A_117 = arith.constant 1 : i32
      %add3A_118 = arith.addi %mul3A_94, %add3A_117 : i32
      %add3A_119 = arith.constant 2 : i32
      %add3A_120 = arith.addi %add3A_118, %add3A_119 : i32
      %dma_start3A_121 = arith.constant 0 : i32
      %dma_start3A_122 = tpu.memref_slice %arg10[%add3A_120, %dma_start3A_121] : memref<63x80xi32, #tpu.memory_space<vmem>> -> memref<1x80xi32, #tpu.memory_space<vmem>>
      %dma_start3A_123 = tpu.memref_squeeze %dma_start3A_122 : memref<1x80xi32, #tpu.memory_space<vmem>> -> memref<80xi32, #tpu.memory_space<vmem>>
      %dma_start3A_124 = arith.constant 0 : i32
      %dma_start3A_125 = arith.constant 0 : i32
      %dma_start3A_126 = tpu.memref_slice %arg2[%dma_start3A_124, %dma_start3A_125] : memref<10000x128xf32, #tpu.memory_space<hbm>> -> memref<10000x128xf32, #tpu.memory_space<hbm>>
      tpu.enqueue_indirect_dma source(%dma_start3A_126 : memref<10000x128xf32, #tpu.memory_space<hbm>>) target(%arg12 : memref<80x128xf32, #tpu.memory_space<vmem>>) offsets(%dma_start3A_123 : memref<80xi32, #tpu.memory_space<vmem>>) semaphore(%arg18 : memref<!tpu.dma_semaphore, #tpu.memory_space<semaphore_mem>>)
      %add3A_127 = arith.constant 1 : i32
      %add3A_128 = arith.addi %mul3A_94, %add3A_127 : i32
      "tpu.region"() ({
        %run_scoped3A_161 = tpu.sem_alloc : memref<!tpu.dma_semaphore, #tpu.memory_space<semaphore_mem>>
        %dma_start3A_162 = arith.constant 0 : i32
        %dma_start3A_163 = tpu.memref_slice %arg11[%add3A_128, %dma_start3A_162] : memref<63x80xi32, #tpu.memory_space<vmem>> -> memref<1x80xi32, #tpu.memory_space<vmem>>
        %dma_start3A_164 = tpu.memref_squeeze %dma_start3A_163 : memref<1x80xi32, #tpu.memory_space<vmem>> -> memref<80xi32, #tpu.memory_space<vmem>>
        %dma_start3A_165 = arith.constant 0 : i32
        %dma_start3A_166 = arith.constant 0 : i32
        %dma_start3A_167 = tpu.memref_slice %arg17[%dma_start3A_165, %dma_start3A_166] : memref<10240x8xf32, #tpu.memory_space<vmem_shared>> -> memref<10240x8xf32, #tpu.memory_space<vmem_shared>>
        tpu.enqueue_indirect_dma source(%arg15 : memref<80x8xf32, #tpu.memory_space<vmem>>) target(%dma_start3A_167 : memref<10240x8xf32, #tpu.memory_space<vmem_shared>>) offsets(%dma_start3A_164 : memref<80xi32, #tpu.memory_space<vmem>>) semaphore(%run_scoped3A_161 : memref<!tpu.dma_semaphore, #tpu.memory_space<semaphore_mem>>) {add = true}
        %dma_wait3A_168 = arith.constant 0 : i32
        %dma_wait3A_169 = tpu.memref_slice %arg11[%add3A_128, %dma_wait3A_168] : memref<63x80xi32, #tpu.memory_space<vmem>> -> memref<1x80xi32, #tpu.memory_space<vmem>>
        %dma_wait3A_170 = tpu.memref_squeeze %dma_wait3A_169 : memref<1x80xi32, #tpu.memory_space<vmem>> -> memref<80xi32, #tpu.memory_space<vmem>>
        %dma_wait3A_171 = arith.constant 0 : i32
        %dma_wait3A_172 = arith.constant 0 : i32
        %dma_wait3A_173 = tpu.memref_slice %arg17[%dma_wait3A_171, %dma_wait3A_172] : memref<10240x8xf32, #tpu.memory_space<vmem_shared>> -> memref<10240x8xf32, #tpu.memory_space<vmem_shared>>
        tpu.wait_indirect_dma semaphore(%run_scoped3A_161 : memref<!tpu.dma_semaphore, #tpu.memory_space<semaphore_mem>>) src(%arg15 : memref<80x8xf32, #tpu.memory_space<vmem>>) dst(%dma_wait3A_173 : memref<10240x8xf32, #tpu.memory_space<vmem_shared>>)
        tpu.yield
      }) : () -> ()
      %add3A_129 = arith.constant 1 : i32
      %add3A_130 = arith.addi %mul3A_94, %add3A_129 : i32
      %dma_wait3A_131 = arith.constant 0 : i32
      %dma_wait3A_132 = tpu.memref_slice %arg10[%add3A_130, %dma_wait3A_131] : memref<63x80xi32, #tpu.memory_space<vmem>> -> memref<1x80xi32, #tpu.memory_space<vmem>>
      %dma_wait3A_133 = tpu.memref_squeeze %dma_wait3A_132 : memref<1x80xi32, #tpu.memory_space<vmem>> -> memref<80xi32, #tpu.memory_space<vmem>>
      %dma_wait3A_134 = arith.constant 0 : i32
      %dma_wait3A_135 = arith.constant 0 : i32
      %dma_wait3A_136 = tpu.memref_slice %arg2[%dma_wait3A_134, %dma_wait3A_135] : memref<10000x128xf32, #tpu.memory_space<hbm>> -> memref<10000x128xf32, #tpu.memory_space<hbm>>
      tpu.wait_indirect_dma semaphore(%arg19 : memref<!tpu.dma_semaphore, #tpu.memory_space<semaphore_mem>>) src(%dma_wait3A_136 : memref<10000x128xf32, #tpu.memory_space<hbm>>) dst(%arg13 : memref<80x128xf32, #tpu.memory_space<vmem>>)
      %add3A_137 = arith.constant 1 : i32
      %add3A_138 = arith.addi %mul3A_94, %add3A_137 : i32
      "tpu.region"() ({
        %run_scoped3A_161 = tpu.sem_alloc : memref<!tpu.dma_semaphore, #tpu.memory_space<semaphore_mem>>
        %dma_start3A_162 = arith.constant 0 : i32
        %dma_start3A_163 = tpu.memref_slice %arg11[%add3A_138, %dma_start3A_162] : memref<63x80xi32, #tpu.memory_space<vmem>> -> memref<1x80xi32, #tpu.memory_space<vmem>>
        %dma_start3A_164 = tpu.memref_squeeze %dma_start3A_163 : memref<1x80xi32, #tpu.memory_space<vmem>> -> memref<80xi32, #tpu.memory_space<vmem>>
        %dma_start3A_165 = arith.constant 0 : i32
        %dma_start3A_166 = arith.constant 0 : i32
        %dma_start3A_167 = tpu.memref_slice %arg16[%dma_start3A_165, %dma_start3A_166] : memref<10240x128xf32, #tpu.memory_space<vmem_shared>> -> memref<10240x128xf32, #tpu.memory_space<vmem_shared>>
        tpu.enqueue_indirect_dma source(%arg13 : memref<80x128xf32, #tpu.memory_space<vmem>>) target(%dma_start3A_167 : memref<10240x128xf32, #tpu.memory_space<vmem_shared>>) offsets(%dma_start3A_164 : memref<80xi32, #tpu.memory_space<vmem>>) semaphore(%run_scoped3A_161 : memref<!tpu.dma_semaphore, #tpu.memory_space<semaphore_mem>>) {add = true}
        %dma_wait3A_168 = arith.constant 0 : i32
        %dma_wait3A_169 = tpu.memref_slice %arg11[%add3A_138, %dma_wait3A_168] : memref<63x80xi32, #tpu.memory_space<vmem>> -> memref<1x80xi32, #tpu.memory_space<vmem>>
        %dma_wait3A_170 = tpu.memref_squeeze %dma_wait3A_169 : memref<1x80xi32, #tpu.memory_space<vmem>> -> memref<80xi32, #tpu.memory_space<vmem>>
        %dma_wait3A_171 = arith.constant 0 : i32
        %dma_wait3A_172 = arith.constant 0 : i32
        %dma_wait3A_173 = tpu.memref_slice %arg16[%dma_wait3A_171, %dma_wait3A_172] : memref<10240x128xf32, #tpu.memory_space<vmem_shared>> -> memref<10240x128xf32, #tpu.memory_space<vmem_shared>>
        tpu.wait_indirect_dma semaphore(%run_scoped3A_161 : memref<!tpu.dma_semaphore, #tpu.memory_space<semaphore_mem>>) src(%arg13 : memref<80x128xf32, #tpu.memory_space<vmem>>) dst(%dma_wait3A_173 : memref<10240x128xf32, #tpu.memory_space<vmem_shared>>)
        tpu.yield
      }) : () -> ()
      %add3A_139 = arith.constant 2 : i32
      %add3A_140 = arith.addi %mul3A_94, %add3A_139 : i32
      %add3A_141 = arith.constant 2 : i32
      %add3A_142 = arith.addi %add3A_140, %add3A_141 : i32
      %dma_start3A_143 = arith.constant 0 : i32
      %dma_start3A_144 = tpu.memref_slice %arg10[%add3A_142, %dma_start3A_143] : memref<63x80xi32, #tpu.memory_space<vmem>> -> memref<1x80xi32, #tpu.memory_space<vmem>>
      %dma_start3A_145 = tpu.memref_squeeze %dma_start3A_144 : memref<1x80xi32, #tpu.memory_space<vmem>> -> memref<80xi32, #tpu.memory_space<vmem>>
      %dma_start3A_146 = arith.constant 0 : i32
      %dma_start3A_147 = arith.constant 0 : i32
      %dma_start3A_148 = tpu.memref_slice %arg2[%dma_start3A_146, %dma_start3A_147] : memref<10000x128xf32, #tpu.memory_space<hbm>> -> memref<10000x128xf32, #tpu.memory_space<hbm>>
      tpu.enqueue_indirect_dma source(%dma_start3A_148 : memref<10000x128xf32, #tpu.memory_space<hbm>>) target(%arg13 : memref<80x128xf32, #tpu.memory_space<vmem>>) offsets(%dma_start3A_145 : memref<80xi32, #tpu.memory_space<vmem>>) semaphore(%arg19 : memref<!tpu.dma_semaphore, #tpu.memory_space<semaphore_mem>>)
      %add3A_149 = arith.constant 2 : i32
      %add3A_150 = arith.addi %mul3A_94, %add3A_149 : i32
      "tpu.region"() ({
        %run_scoped3A_161 = tpu.sem_alloc : memref<!tpu.dma_semaphore, #tpu.memory_space<semaphore_mem>>
        %dma_start3A_162 = arith.constant 0 : i32
        %dma_start3A_163 = tpu.memref_slice %arg11[%add3A_150, %dma_start3A_162] : memref<63x80xi32, #tpu.memory_space<vmem>> -> memref<1x80xi32, #tpu.memory_space<vmem>>
        %dma_start3A_164 = tpu.memref_squeeze %dma_start3A_163 : memref<1x80xi32, #tpu.memory_space<vmem>> -> memref<80xi32, #tpu.memory_space<vmem>>
        %dma_start3A_165 = arith.constant 0 : i32
        %dma_start3A_166 = arith.constant 0 : i32
        %dma_start3A_167 = tpu.memref_slice %arg17[%dma_start3A_165, %dma_start3A_166] : memref<10240x8xf32, #tpu.memory_space<vmem_shared>> -> memref<10240x8xf32, #tpu.memory_space<vmem_shared>>
        tpu.enqueue_indirect_dma source(%arg15 : memref<80x8xf32, #tpu.memory_space<vmem>>) target(%dma_start3A_167 : memref<10240x8xf32, #tpu.memory_space<vmem_shared>>) offsets(%dma_start3A_164 : memref<80xi32, #tpu.memory_space<vmem>>) semaphore(%run_scoped3A_161 : memref<!tpu.dma_semaphore, #tpu.memory_space<semaphore_mem>>) {add = true}
        %dma_wait3A_168 = arith.constant 0 : i32
        %dma_wait3A_169 = tpu.memref_slice %arg11[%add3A_150, %dma_wait3A_168] : memref<63x80xi32, #tpu.memory_space<vmem>> -> memref<1x80xi32, #tpu.memory_space<vmem>>
        %dma_wait3A_170 = tpu.memref_squeeze %dma_wait3A_169 : memref<1x80xi32, #tpu.memory_space<vmem>> -> memref<80xi32, #tpu.memory_space<vmem>>
        %dma_wait3A_171 = arith.constant 0 : i32
        %dma_wait3A_172 = arith.constant 0 : i32
        %dma_wait3A_173 = tpu.memref_slice %arg17[%dma_wait3A_171, %dma_wait3A_172] : memref<10240x8xf32, #tpu.memory_space<vmem_shared>> -> memref<10240x8xf32, #tpu.memory_space<vmem_shared>>
        tpu.wait_indirect_dma semaphore(%run_scoped3A_161 : memref<!tpu.dma_semaphore, #tpu.memory_space<semaphore_mem>>) src(%arg15 : memref<80x8xf32, #tpu.memory_space<vmem>>) dst(%dma_wait3A_173 : memref<10240x8xf32, #tpu.memory_space<vmem_shared>>)
        tpu.yield
      }) : () -> ()
      %add3A_151 = arith.constant 2 : i32
      %add3A_152 = arith.addi %mul3A_94, %add3A_151 : i32
      %dma_wait3A_153 = arith.constant 0 : i32
      %dma_wait3A_154 = tpu.memref_slice %arg10[%add3A_152, %dma_wait3A_153] : memref<63x80xi32, #tpu.memory_space<vmem>> -> memref<1x80xi32, #tpu.memory_space<vmem>>
      %dma_wait3A_155 = tpu.memref_squeeze %dma_wait3A_154 : memref<1x80xi32, #tpu.memory_space<vmem>> -> memref<80xi32, #tpu.memory_space<vmem>>
      %dma_wait3A_156 = arith.constant 0 : i32
      %dma_wait3A_157 = arith.constant 0 : i32
      %dma_wait3A_158 = tpu.memref_slice %arg2[%dma_wait3A_156, %dma_wait3A_157] : memref<10000x128xf32, #tpu.memory_space<hbm>> -> memref<10000x128xf32, #tpu.memory_space<hbm>>
      tpu.wait_indirect_dma semaphore(%arg20 : memref<!tpu.dma_semaphore, #tpu.memory_space<semaphore_mem>>) src(%dma_wait3A_158 : memref<10000x128xf32, #tpu.memory_space<hbm>>) dst(%arg14 : memref<80x128xf32, #tpu.memory_space<vmem>>)
      %add3A_159 = arith.constant 2 : i32
      %add3A_160 = arith.addi %mul3A_94, %add3A_159 : i32
      "tpu.region"() ({
        %run_scoped3A_161 = tpu.sem_alloc : memref<!tpu.dma_semaphore, #tpu.memory_space<semaphore_mem>>
        %dma_start3A_162 = arith.constant 0 : i32
        %dma_start3A_163 = tpu.memref_slice %arg11[%add3A_160, %dma_start3A_162] : memref<63x80xi32, #tpu.memory_space<vmem>> -> memref<1x80xi32, #tpu.memory_space<vmem>>
        %dma_start3A_164 = tpu.memref_squeeze %dma_start3A_163 : memref<1x80xi32, #tpu.memory_space<vmem>> -> memref<80xi32, #tpu.memory_space<vmem>>
        %dma_start3A_165 = arith.constant 0 : i32
        %dma_start3A_166 = arith.constant 0 : i32
        %dma_start3A_167 = tpu.memref_slice %arg16[%dma_start3A_165, %dma_start3A_166] : memref<10240x128xf32, #tpu.memory_space<vmem_shared>> -> memref<10240x128xf32, #tpu.memory_space<vmem_shared>>
        tpu.enqueue_indirect_dma source(%arg14 : memref<80x128xf32, #tpu.memory_space<vmem>>) target(%dma_start3A_167 : memref<10240x128xf32, #tpu.memory_space<vmem_shared>>) offsets(%dma_start3A_164 : memref<80xi32, #tpu.memory_space<vmem>>) semaphore(%run_scoped3A_161 : memref<!tpu.dma_semaphore, #tpu.memory_space<semaphore_mem>>) {add = true}
        %dma_wait3A_168 = arith.constant 0 : i32
        %dma_wait3A_169 = tpu.memref_slice %arg11[%add3A_160, %dma_wait3A_168] : memref<63x80xi32, #tpu.memory_space<vmem>> -> memref<1x80xi32, #tpu.memory_space<vmem>>
        %dma_wait3A_170 = tpu.memref_squeeze %dma_wait3A_169 : memref<1x80xi32, #tpu.memory_space<vmem>> -> memref<80xi32, #tpu.memory_space<vmem>>
        %dma_wait3A_171 = arith.constant 0 : i32
        %dma_wait3A_172 = arith.constant 0 : i32
        %dma_wait3A_173 = tpu.memref_slice %arg16[%dma_wait3A_171, %dma_wait3A_172] : memref<10240x128xf32, #tpu.memory_space<vmem_shared>> -> memref<10240x128xf32, #tpu.memory_space<vmem_shared>>
        tpu.wait_indirect_dma semaphore(%run_scoped3A_161 : memref<!tpu.dma_semaphore, #tpu.memory_space<semaphore_mem>>) src(%arg14 : memref<80x128xf32, #tpu.memory_space<vmem>>) dst(%dma_wait3A_173 : memref<10240x128xf32, #tpu.memory_space<vmem_shared>>)
        tpu.yield
      }) : () -> ()
    }
    %scan3A_20 = arith.constant 20 : i32
    %dma_start3A_21 = arith.constant 62 : i32
    %dma_start3A_22 = arith.constant 0 : i32
    %dma_start3A_23 = tpu.memref_slice %arg10[%dma_start3A_21, %dma_start3A_22] : memref<63x80xi32, #tpu.memory_space<vmem>> -> memref<1x80xi32, #tpu.memory_space<vmem>>
    %dma_start3A_24 = tpu.memref_squeeze %dma_start3A_23 : memref<1x80xi32, #tpu.memory_space<vmem>> -> memref<80xi32, #tpu.memory_space<vmem>>
    %dma_start3A_25 = arith.constant 0 : i32
    %dma_start3A_26 = arith.constant 0 : i32
    %dma_start3A_27 = tpu.memref_slice %arg2[%dma_start3A_25, %dma_start3A_26] : memref<10000x128xf32, #tpu.memory_space<hbm>> -> memref<10000x128xf32, #tpu.memory_space<hbm>>
    tpu.enqueue_indirect_dma source(%dma_start3A_27 : memref<10000x128xf32, #tpu.memory_space<hbm>>) target(%arg14 : memref<80x128xf32, #tpu.memory_space<vmem>>) offsets(%dma_start3A_24 : memref<80xi32, #tpu.memory_space<vmem>>) semaphore(%arg20 : memref<!tpu.dma_semaphore, #tpu.memory_space<semaphore_mem>>)
    %run_scoped3A = arith.constant 60 : i32
    "tpu.region"() ({
      %run_scoped3A_92 = tpu.sem_alloc : memref<!tpu.dma_semaphore, #tpu.memory_space<semaphore_mem>>
      %dma_start3A_93 = arith.constant 0 : i32
      %dma_start3A_94 = tpu.memref_slice %arg11[%run_scoped3A, %dma_start3A_93] : memref<63x80xi32, #tpu.memory_space<vmem>> -> memref<1x80xi32, #tpu.memory_space<vmem>>
      %dma_start3A_95 = tpu.memref_squeeze %dma_start3A_94 : memref<1x80xi32, #tpu.memory_space<vmem>> -> memref<80xi32, #tpu.memory_space<vmem>>
      %dma_start3A_96 = arith.constant 0 : i32
      %dma_start3A_97 = arith.constant 0 : i32
      %dma_start3A_98 = tpu.memref_slice %arg17[%dma_start3A_96, %dma_start3A_97] : memref<10240x8xf32, #tpu.memory_space<vmem_shared>> -> memref<10240x8xf32, #tpu.memory_space<vmem_shared>>
      tpu.enqueue_indirect_dma source(%arg15 : memref<80x8xf32, #tpu.memory_space<vmem>>) target(%dma_start3A_98 : memref<10240x8xf32, #tpu.memory_space<vmem_shared>>) offsets(%dma_start3A_95 : memref<80xi32, #tpu.memory_space<vmem>>) semaphore(%run_scoped3A_92 : memref<!tpu.dma_semaphore, #tpu.memory_space<semaphore_mem>>) {add = true}
      %dma_wait3A_99 = arith.constant 0 : i32
      %dma_wait3A_100 = tpu.memref_slice %arg11[%run_scoped3A, %dma_wait3A_99] : memref<63x80xi32, #tpu.memory_space<vmem>> -> memref<1x80xi32, #tpu.memory_space<vmem>>
      %dma_wait3A_101 = tpu.memref_squeeze %dma_wait3A_100 : memref<1x80xi32, #tpu.memory_space<vmem>> -> memref<80xi32, #tpu.memory_space<vmem>>
      %dma_wait3A_102 = arith.constant 0 : i32
      %dma_wait3A_103 = arith.constant 0 : i32
      %dma_wait3A_104 = tpu.memref_slice %arg17[%dma_wait3A_102, %dma_wait3A_103] : memref<10240x8xf32, #tpu.memory_space<vmem_shared>> -> memref<10240x8xf32, #tpu.memory_space<vmem_shared>>
      tpu.wait_indirect_dma semaphore(%run_scoped3A_92 : memref<!tpu.dma_semaphore, #tpu.memory_space<semaphore_mem>>) src(%arg15 : memref<80x8xf32, #tpu.memory_space<vmem>>) dst(%dma_wait3A_104 : memref<10240x8xf32, #tpu.memory_space<vmem_shared>>)
      tpu.yield
    }) : () -> ()
    %dma_wait3A = arith.constant 60 : i32
    %dma_wait3A_28 = arith.constant 0 : i32
    %dma_wait3A_29 = tpu.memref_slice %arg10[%dma_wait3A, %dma_wait3A_28] : memref<63x80xi32, #tpu.memory_space<vmem>> -> memref<1x80xi32, #tpu.memory_space<vmem>>
    %dma_wait3A_30 = tpu.memref_squeeze %dma_wait3A_29 : memref<1x80xi32, #tpu.memory_space<vmem>> -> memref<80xi32, #tpu.memory_space<vmem>>
    %dma_wait3A_31 = arith.constant 0 : i32
    %dma_wait3A_32 = arith.constant 0 : i32
    %dma_wait3A_33 = tpu.memref_slice %arg2[%dma_wait3A_31, %dma_wait3A_32] : memref<10000x128xf32, #tpu.memory_space<hbm>> -> memref<10000x128xf32, #tpu.memory_space<hbm>>
    tpu.wait_indirect_dma semaphore(%arg18 : memref<!tpu.dma_semaphore, #tpu.memory_space<semaphore_mem>>) src(%dma_wait3A_33 : memref<10000x128xf32, #tpu.memory_space<hbm>>) dst(%arg12 : memref<80x128xf32, #tpu.memory_space<vmem>>)
    %run_scoped3A_34 = arith.constant 60 : i32
    "tpu.region"() ({
      %run_scoped3A_92 = tpu.sem_alloc : memref<!tpu.dma_semaphore, #tpu.memory_space<semaphore_mem>>
      %dma_start3A_93 = arith.constant 0 : i32
      %dma_start3A_94 = tpu.memref_slice %arg11[%run_scoped3A_34, %dma_start3A_93] : memref<63x80xi32, #tpu.memory_space<vmem>> -> memref<1x80xi32, #tpu.memory_space<vmem>>
      %dma_start3A_95 = tpu.memref_squeeze %dma_start3A_94 : memref<1x80xi32, #tpu.memory_space<vmem>> -> memref<80xi32, #tpu.memory_space<vmem>>
      %dma_start3A_96 = arith.constant 0 : i32
      %dma_start3A_97 = arith.constant 0 : i32
      %dma_start3A_98 = tpu.memref_slice %arg16[%dma_start3A_96, %dma_start3A_97] : memref<10240x128xf32, #tpu.memory_space<vmem_shared>> -> memref<10240x128xf32, #tpu.memory_space<vmem_shared>>
      tpu.enqueue_indirect_dma source(%arg12 : memref<80x128xf32, #tpu.memory_space<vmem>>) target(%dma_start3A_98 : memref<10240x128xf32, #tpu.memory_space<vmem_shared>>) offsets(%dma_start3A_95 : memref<80xi32, #tpu.memory_space<vmem>>) semaphore(%run_scoped3A_92 : memref<!tpu.dma_semaphore, #tpu.memory_space<semaphore_mem>>) {add = true}
      %dma_wait3A_99 = arith.constant 0 : i32
      %dma_wait3A_100 = tpu.memref_slice %arg11[%run_scoped3A_34, %dma_wait3A_99] : memref<63x80xi32, #tpu.memory_space<vmem>> -> memref<1x80xi32, #tpu.memory_space<vmem>>
      %dma_wait3A_101 = tpu.memref_squeeze %dma_wait3A_100 : memref<1x80xi32, #tpu.memory_space<vmem>> -> memref<80xi32, #tpu.memory_space<vmem>>
      %dma_wait3A_102 = arith.constant 0 : i32
      %dma_wait3A_103 = arith.constant 0 : i32
      %dma_wait3A_104 = tpu.memref_slice %arg16[%dma_wait3A_102, %dma_wait3A_103] : memref<10240x128xf32, #tpu.memory_space<vmem_shared>> -> memref<10240x128xf32, #tpu.memory_space<vmem_shared>>
      tpu.wait_indirect_dma semaphore(%run_scoped3A_92 : memref<!tpu.dma_semaphore, #tpu.memory_space<semaphore_mem>>) src(%arg12 : memref<80x128xf32, #tpu.memory_space<vmem>>) dst(%dma_wait3A_104 : memref<10240x128xf32, #tpu.memory_space<vmem_shared>>)
      tpu.yield
    }) : () -> ()
    %run_scoped3A_35 = arith.constant 61 : i32
    "tpu.region"() ({
      %run_scoped3A_92 = tpu.sem_alloc : memref<!tpu.dma_semaphore, #tpu.memory_space<semaphore_mem>>
      %dma_start3A_93 = arith.constant 0 : i32
      %dma_start3A_94 = tpu.memref_slice %arg11[%run_scoped3A_35, %dma_start3A_93] : memref<63x80xi32, #tpu.memory_space<vmem>> -> memref<1x80xi32, #tpu.memory_space<vmem>>
      %dma_start3A_95 = tpu.memref_squeeze %dma_start3A_94 : memref<1x80xi32, #tpu.memory_space<vmem>> -> memref<80xi32, #tpu.memory_space<vmem>>
      %dma_start3A_96 = arith.constant 0 : i32
      %dma_start3A_97 = arith.constant 0 : i32
      %dma_start3A_98 = tpu.memref_slice %arg17[%dma_start3A_96, %dma_start3A_97] : memref<10240x8xf32, #tpu.memory_space<vmem_shared>> -> memref<10240x8xf32, #tpu.memory_space<vmem_shared>>
      tpu.enqueue_indirect_dma source(%arg15 : memref<80x8xf32, #tpu.memory_space<vmem>>) target(%dma_start3A_98 : memref<10240x8xf32, #tpu.memory_space<vmem_shared>>) offsets(%dma_start3A_95 : memref<80xi32, #tpu.memory_space<vmem>>) semaphore(%run_scoped3A_92 : memref<!tpu.dma_semaphore, #tpu.memory_space<semaphore_mem>>) {add = true}
      %dma_wait3A_99 = arith.constant 0 : i32
      %dma_wait3A_100 = tpu.memref_slice %arg11[%run_scoped3A_35, %dma_wait3A_99] : memref<63x80xi32, #tpu.memory_space<vmem>> -> memref<1x80xi32, #tpu.memory_space<vmem>>
      %dma_wait3A_101 = tpu.memref_squeeze %dma_wait3A_100 : memref<1x80xi32, #tpu.memory_space<vmem>> -> memref<80xi32, #tpu.memory_space<vmem>>
      %dma_wait3A_102 = arith.constant 0 : i32
      %dma_wait3A_103 = arith.constant 0 : i32
      %dma_wait3A_104 = tpu.memref_slice %arg17[%dma_wait3A_102, %dma_wait3A_103] : memref<10240x8xf32, #tpu.memory_space<vmem_shared>> -> memref<10240x8xf32, #tpu.memory_space<vmem_shared>>
      tpu.wait_indirect_dma semaphore(%run_scoped3A_92 : memref<!tpu.dma_semaphore, #tpu.memory_space<semaphore_mem>>) src(%arg15 : memref<80x8xf32, #tpu.memory_space<vmem>>) dst(%dma_wait3A_104 : memref<10240x8xf32, #tpu.memory_space<vmem_shared>>)
      tpu.yield
    }) : () -> ()
    %dma_wait3A_36 = arith.constant 61 : i32
    %dma_wait3A_37 = arith.constant 0 : i32
    %dma_wait3A_38 = tpu.memref_slice %arg10[%dma_wait3A_36, %dma_wait3A_37] : memref<63x80xi32, #tpu.memory_space<vmem>> -> memref<1x80xi32, #tpu.memory_space<vmem>>
    %dma_wait3A_39 = tpu.memref_squeeze %dma_wait3A_38 : memref<1x80xi32, #tpu.memory_space<vmem>> -> memref<80xi32, #tpu.memory_space<vmem>>
    %dma_wait3A_40 = arith.constant 0 : i32
    %dma_wait3A_41 = arith.constant 0 : i32
    %dma_wait3A_42 = tpu.memref_slice %arg2[%dma_wait3A_40, %dma_wait3A_41] : memref<10000x128xf32, #tpu.memory_space<hbm>> -> memref<10000x128xf32, #tpu.memory_space<hbm>>
    tpu.wait_indirect_dma semaphore(%arg19 : memref<!tpu.dma_semaphore, #tpu.memory_space<semaphore_mem>>) src(%dma_wait3A_42 : memref<10000x128xf32, #tpu.memory_space<hbm>>) dst(%arg13 : memref<80x128xf32, #tpu.memory_space<vmem>>)
    %run_scoped3A_43 = arith.constant 61 : i32
    "tpu.region"() ({
      %run_scoped3A_92 = tpu.sem_alloc : memref<!tpu.dma_semaphore, #tpu.memory_space<semaphore_mem>>
      %dma_start3A_93 = arith.constant 0 : i32
      %dma_start3A_94 = tpu.memref_slice %arg11[%run_scoped3A_43, %dma_start3A_93] : memref<63x80xi32, #tpu.memory_space<vmem>> -> memref<1x80xi32, #tpu.memory_space<vmem>>
      %dma_start3A_95 = tpu.memref_squeeze %dma_start3A_94 : memref<1x80xi32, #tpu.memory_space<vmem>> -> memref<80xi32, #tpu.memory_space<vmem>>
      %dma_start3A_96 = arith.constant 0 : i32
      %dma_start3A_97 = arith.constant 0 : i32
      %dma_start3A_98 = tpu.memref_slice %arg16[%dma_start3A_96, %dma_start3A_97] : memref<10240x128xf32, #tpu.memory_space<vmem_shared>> -> memref<10240x128xf32, #tpu.memory_space<vmem_shared>>
      tpu.enqueue_indirect_dma source(%arg13 : memref<80x128xf32, #tpu.memory_space<vmem>>) target(%dma_start3A_98 : memref<10240x128xf32, #tpu.memory_space<vmem_shared>>) offsets(%dma_start3A_95 : memref<80xi32, #tpu.memory_space<vmem>>) semaphore(%run_scoped3A_92 : memref<!tpu.dma_semaphore, #tpu.memory_space<semaphore_mem>>) {add = true}
      %dma_wait3A_99 = arith.constant 0 : i32
      %dma_wait3A_100 = tpu.memref_slice %arg11[%run_scoped3A_43, %dma_wait3A_99] : memref<63x80xi32, #tpu.memory_space<vmem>> -> memref<1x80xi32, #tpu.memory_space<vmem>>
      %dma_wait3A_101 = tpu.memref_squeeze %dma_wait3A_100 : memref<1x80xi32, #tpu.memory_space<vmem>> -> memref<80xi32, #tpu.memory_space<vmem>>
      %dma_wait3A_102 = arith.constant 0 : i32
      %dma_wait3A_103 = arith.constant 0 : i32
      %dma_wait3A_104 = tpu.memref_slice %arg16[%dma_wait3A_102, %dma_wait3A_103] : memref<10240x128xf32, #tpu.memory_space<vmem_shared>> -> memref<10240x128xf32, #tpu.memory_space<vmem_shared>>
      tpu.wait_indirect_dma semaphore(%run_scoped3A_92 : memref<!tpu.dma_semaphore, #tpu.memory_space<semaphore_mem>>) src(%arg13 : memref<80x128xf32, #tpu.memory_space<vmem>>) dst(%dma_wait3A_104 : memref<10240x128xf32, #tpu.memory_space<vmem_shared>>)
      tpu.yield
    }) : () -> ()
    %run_scoped3A_44 = arith.constant 62 : i32
    "tpu.region"() ({
      %run_scoped3A_92 = tpu.sem_alloc : memref<!tpu.dma_semaphore, #tpu.memory_space<semaphore_mem>>
      %dma_start3A_93 = arith.constant 0 : i32
      %dma_start3A_94 = tpu.memref_slice %arg11[%run_scoped3A_44, %dma_start3A_93] : memref<63x80xi32, #tpu.memory_space<vmem>> -> memref<1x80xi32, #tpu.memory_space<vmem>>
      %dma_start3A_95 = tpu.memref_squeeze %dma_start3A_94 : memref<1x80xi32, #tpu.memory_space<vmem>> -> memref<80xi32, #tpu.memory_space<vmem>>
      %dma_start3A_96 = arith.constant 0 : i32
      %dma_start3A_97 = arith.constant 0 : i32
      %dma_start3A_98 = tpu.memref_slice %arg17[%dma_start3A_96, %dma_start3A_97] : memref<10240x8xf32, #tpu.memory_space<vmem_shared>> -> memref<10240x8xf32, #tpu.memory_space<vmem_shared>>
      tpu.enqueue_indirect_dma source(%arg15 : memref<80x8xf32, #tpu.memory_space<vmem>>) target(%dma_start3A_98 : memref<10240x8xf32, #tpu.memory_space<vmem_shared>>) offsets(%dma_start3A_95 : memref<80xi32, #tpu.memory_space<vmem>>) semaphore(%run_scoped3A_92 : memref<!tpu.dma_semaphore, #tpu.memory_space<semaphore_mem>>) {add = true}
      %dma_wait3A_99 = arith.constant 0 : i32
      %dma_wait3A_100 = tpu.memref_slice %arg11[%run_scoped3A_44, %dma_wait3A_99] : memref<63x80xi32, #tpu.memory_space<vmem>> -> memref<1x80xi32, #tpu.memory_space<vmem>>
      %dma_wait3A_101 = tpu.memref_squeeze %dma_wait3A_100 : memref<1x80xi32, #tpu.memory_space<vmem>> -> memref<80xi32, #tpu.memory_space<vmem>>
      %dma_wait3A_102 = arith.constant 0 : i32
      %dma_wait3A_103 = arith.constant 0 : i32
      %dma_wait3A_104 = tpu.memref_slice %arg17[%dma_wait3A_102, %dma_wait3A_103] : memref<10240x8xf32, #tpu.memory_space<vmem_shared>> -> memref<10240x8xf32, #tpu.memory_space<vmem_shared>>
      tpu.wait_indirect_dma semaphore(%run_scoped3A_92 : memref<!tpu.dma_semaphore, #tpu.memory_space<semaphore_mem>>) src(%arg15 : memref<80x8xf32, #tpu.memory_space<vmem>>) dst(%dma_wait3A_104 : memref<10240x8xf32, #tpu.memory_space<vmem_shared>>)
      tpu.yield
    }) : () -> ()
    %dma_wait3A_45 = arith.constant 62 : i32
    %dma_wait3A_46 = arith.constant 0 : i32
    %dma_wait3A_47 = tpu.memref_slice %arg10[%dma_wait3A_45, %dma_wait3A_46] : memref<63x80xi32, #tpu.memory_space<vmem>> -> memref<1x80xi32, #tpu.memory_space<vmem>>
    %dma_wait3A_48 = tpu.memref_squeeze %dma_wait3A_47 : memref<1x80xi32, #tpu.memory_space<vmem>> -> memref<80xi32, #tpu.memory_space<vmem>>
    %dma_wait3A_49 = arith.constant 0 : i32
    %dma_wait3A_50 = arith.constant 0 : i32
    %dma_wait3A_51 = tpu.memref_slice %arg2[%dma_wait3A_49, %dma_wait3A_50] : memref<10000x128xf32, #tpu.memory_space<hbm>> -> memref<10000x128xf32, #tpu.memory_space<hbm>>
    tpu.wait_indirect_dma semaphore(%arg20 : memref<!tpu.dma_semaphore, #tpu.memory_space<semaphore_mem>>) src(%dma_wait3A_51 : memref<10000x128xf32, #tpu.memory_space<hbm>>) dst(%arg14 : memref<80x128xf32, #tpu.memory_space<vmem>>)
    %run_scoped3A_52 = arith.constant 62 : i32
    "tpu.region"() ({
      %run_scoped3A_92 = tpu.sem_alloc : memref<!tpu.dma_semaphore, #tpu.memory_space<semaphore_mem>>
      %dma_start3A_93 = arith.constant 0 : i32
      %dma_start3A_94 = tpu.memref_slice %arg11[%run_scoped3A_52, %dma_start3A_93] : memref<63x80xi32, #tpu.memory_space<vmem>> -> memref<1x80xi32, #tpu.memory_space<vmem>>
      %dma_start3A_95 = tpu.memref_squeeze %dma_start3A_94 : memref<1x80xi32, #tpu.memory_space<vmem>> -> memref<80xi32, #tpu.memory_space<vmem>>
      %dma_start3A_96 = arith.constant 0 : i32
      %dma_start3A_97 = arith.constant 0 : i32
      %dma_start3A_98 = tpu.memref_slice %arg16[%dma_start3A_96, %dma_start3A_97] : memref<10240x128xf32, #tpu.memory_space<vmem_shared>> -> memref<10240x128xf32, #tpu.memory_space<vmem_shared>>
      tpu.enqueue_indirect_dma source(%arg14 : memref<80x128xf32, #tpu.memory_space<vmem>>) target(%dma_start3A_98 : memref<10240x128xf32, #tpu.memory_space<vmem_shared>>) offsets(%dma_start3A_95 : memref<80xi32, #tpu.memory_space<vmem>>) semaphore(%run_scoped3A_92 : memref<!tpu.dma_semaphore, #tpu.memory_space<semaphore_mem>>) {add = true}
      %dma_wait3A_99 = arith.constant 0 : i32
      %dma_wait3A_100 = tpu.memref_slice %arg11[%run_scoped3A_52, %dma_wait3A_99] : memref<63x80xi32, #tpu.memory_space<vmem>> -> memref<1x80xi32, #tpu.memory_space<vmem>>
      %dma_wait3A_101 = tpu.memref_squeeze %dma_wait3A_100 : memref<1x80xi32, #tpu.memory_space<vmem>> -> memref<80xi32, #tpu.memory_space<vmem>>
      %dma_wait3A_102 = arith.constant 0 : i32
      %dma_wait3A_103 = arith.constant 0 : i32
      %dma_wait3A_104 = tpu.memref_slice %arg16[%dma_wait3A_102, %dma_wait3A_103] : memref<10240x128xf32, #tpu.memory_space<vmem_shared>> -> memref<10240x128xf32, #tpu.memory_space<vmem_shared>>
      tpu.wait_indirect_dma semaphore(%run_scoped3A_92 : memref<!tpu.dma_semaphore, #tpu.memory_space<semaphore_mem>>) src(%arg14 : memref<80x128xf32, #tpu.memory_space<vmem>>) dst(%dma_wait3A_104 : memref<10240x128xf32, #tpu.memory_space<vmem_shared>>)
      tpu.yield
    }) : () -> ()
    "tpu.region"() ({
      %run_scoped3A_92 = tpu.sem_alloc : memref<!tpu.dma_semaphore, #tpu.memory_space<semaphore_mem>>
      %dma_start3A_93 = arith.constant 0 : i32
      %dma_start3A_94 = arith.constant 0 : i32
      %dma_start3A_95 = tpu.memref_slice %arg10[%dma_start3A_93, %dma_start3A_94] : memref<63x80xi32, #tpu.memory_space<vmem>> -> memref<62x80xi32, #tpu.memory_space<vmem>>
      %dma_start3A_96 = arith.constant 63 : i32
      %dma_start3A_97 = arith.constant 0 : i32
      %dma_start3A_98 = tpu.memref_slice %arg3[%add3A, %dma_start3A_96, %dma_start3A_97] : memref<32x125x80xi32, #tpu.memory_space<hbm>> -> memref<1x62x80xi32, #tpu.memory_space<hbm>>
      %dma_start3A_99 = tpu.memref_squeeze %dma_start3A_98 : memref<1x62x80xi32, #tpu.memory_space<hbm>> -> memref<62x80xi32, #tpu.memory_space<hbm>>
      %dma_start3A_100 = arith.constant 0 : i32
      %dma_start3A_101 = arith.constant 0 : i32
      %dma_start3A_102 = tpu.memref_slice %arg10[%dma_start3A_100, %dma_start3A_101] : memref<63x80xi32, #tpu.memory_space<vmem>> -> memref<62x80xi32, #tpu.memory_space<vmem>>
      %dma_start3A_103 = arith.constant 63 : i32
      %dma_start3A_104 = arith.constant 0 : i32
      %dma_start3A_105 = tpu.memref_slice %arg3[%add3A, %dma_start3A_103, %dma_start3A_104] : memref<32x125x80xi32, #tpu.memory_space<hbm>> -> memref<1x62x80xi32, #tpu.memory_space<hbm>>
      %dma_start3A_106 = tpu.memref_squeeze %dma_start3A_105 : memref<1x62x80xi32, #tpu.memory_space<hbm>> -> memref<62x80xi32, #tpu.memory_space<hbm>>
      tpu.enqueue_dma source(%dma_start3A_106 : memref<62x80xi32, #tpu.memory_space<hbm>>) target(%dma_start3A_102 : memref<62x80xi32, #tpu.memory_space<vmem>>) target_semaphore(%run_scoped3A_92 : memref<!tpu.dma_semaphore, #tpu.memory_space<semaphore_mem>>)
      %dma_wait3A_107 = arith.constant 0 : i32
      %dma_wait3A_108 = arith.constant 0 : i32
      %dma_wait3A_109 = tpu.memref_slice %arg10[%dma_wait3A_107, %dma_wait3A_108] : memref<63x80xi32, #tpu.memory_space<vmem>> -> memref<62x80xi32, #tpu.memory_space<vmem>>
      %dma_wait3A_110 = arith.constant 63 : i32
      %dma_wait3A_111 = arith.constant 0 : i32
      %dma_wait3A_112 = tpu.memref_slice %arg3[%add3A, %dma_wait3A_110, %dma_wait3A_111] : memref<32x125x80xi32, #tpu.memory_space<hbm>> -> memref<1x62x80xi32, #tpu.memory_space<hbm>>
      %dma_wait3A_113 = tpu.memref_squeeze %dma_wait3A_112 : memref<1x62x80xi32, #tpu.memory_space<hbm>> -> memref<62x80xi32, #tpu.memory_space<hbm>>
      %dma_wait3A_114 = arith.constant 0 : i32
      %dma_wait3A_115 = arith.constant 0 : i32
      %dma_wait3A_116 = tpu.memref_slice %arg10[%dma_wait3A_114, %dma_wait3A_115] : memref<63x80xi32, #tpu.memory_space<vmem>> -> memref<62x80xi32, #tpu.memory_space<vmem>>
      %dma_wait3A_117 = arith.constant 63 : i32
      %dma_wait3A_118 = arith.constant 0 : i32
      %dma_wait3A_119 = tpu.memref_slice %arg3[%add3A, %dma_wait3A_117, %dma_wait3A_118] : memref<32x125x80xi32, #tpu.memory_space<hbm>> -> memref<1x62x80xi32, #tpu.memory_space<hbm>>
      %dma_wait3A_120 = tpu.memref_squeeze %dma_wait3A_119 : memref<1x62x80xi32, #tpu.memory_space<hbm>> -> memref<62x80xi32, #tpu.memory_space<hbm>>
      tpu.wait_dma2 semaphore(%run_scoped3A_92 : memref<!tpu.dma_semaphore, #tpu.memory_space<semaphore_mem>>) src(%dma_wait3A_120 : memref<62x80xi32, #tpu.memory_space<hbm>>) dst(%dma_wait3A_116 : memref<62x80xi32, #tpu.memory_space<vmem>>)
      tpu.yield
    }) : () -> ()
    "tpu.region"() ({
      %run_scoped3A_92 = tpu.sem_alloc : memref<!tpu.dma_semaphore, #tpu.memory_space<semaphore_mem>>
      %dma_start3A_93 = arith.constant 0 : i32
      %dma_start3A_94 = arith.constant 0 : i32
      %dma_start3A_95 = tpu.memref_slice %arg11[%dma_start3A_93, %dma_start3A_94] : memref<63x80xi32, #tpu.memory_space<vmem>> -> memref<62x80xi32, #tpu.memory_space<vmem>>
      %dma_start3A_96 = arith.constant 63 : i32
      %dma_start3A_97 = arith.constant 0 : i32
      %dma_start3A_98 = tpu.memref_slice %arg4[%add3A, %dma_start3A_96, %dma_start3A_97] : memref<32x125x80xi32, #tpu.memory_space<hbm>> -> memref<1x62x80xi32, #tpu.memory_space<hbm>>
      %dma_start3A_99 = tpu.memref_squeeze %dma_start3A_98 : memref<1x62x80xi32, #tpu.memory_space<hbm>> -> memref<62x80xi32, #tpu.memory_space<hbm>>
      %dma_start3A_100 = arith.constant 0 : i32
      %dma_start3A_101 = arith.constant 0 : i32
      %dma_start3A_102 = tpu.memref_slice %arg11[%dma_start3A_100, %dma_start3A_101] : memref<63x80xi32, #tpu.memory_space<vmem>> -> memref<62x80xi32, #tpu.memory_space<vmem>>
      %dma_start3A_103 = arith.constant 63 : i32
      %dma_start3A_104 = arith.constant 0 : i32
      %dma_start3A_105 = tpu.memref_slice %arg4[%add3A, %dma_start3A_103, %dma_start3A_104] : memref<32x125x80xi32, #tpu.memory_space<hbm>> -> memref<1x62x80xi32, #tpu.memory_space<hbm>>
      %dma_start3A_106 = tpu.memref_squeeze %dma_start3A_105 : memref<1x62x80xi32, #tpu.memory_space<hbm>> -> memref<62x80xi32, #tpu.memory_space<hbm>>
      tpu.enqueue_dma source(%dma_start3A_106 : memref<62x80xi32, #tpu.memory_space<hbm>>) target(%dma_start3A_102 : memref<62x80xi32, #tpu.memory_space<vmem>>) target_semaphore(%run_scoped3A_92 : memref<!tpu.dma_semaphore, #tpu.memory_space<semaphore_mem>>)
      %dma_wait3A_107 = arith.constant 0 : i32
      %dma_wait3A_108 = arith.constant 0 : i32
      %dma_wait3A_109 = tpu.memref_slice %arg11[%dma_wait3A_107, %dma_wait3A_108] : memref<63x80xi32, #tpu.memory_space<vmem>> -> memref<62x80xi32, #tpu.memory_space<vmem>>
      %dma_wait3A_110 = arith.constant 63 : i32
      %dma_wait3A_111 = arith.constant 0 : i32
      %dma_wait3A_112 = tpu.memref_slice %arg4[%add3A, %dma_wait3A_110, %dma_wait3A_111] : memref<32x125x80xi32, #tpu.memory_space<hbm>> -> memref<1x62x80xi32, #tpu.memory_space<hbm>>
      %dma_wait3A_113 = tpu.memref_squeeze %dma_wait3A_112 : memref<1x62x80xi32, #tpu.memory_space<hbm>> -> memref<62x80xi32, #tpu.memory_space<hbm>>
      %dma_wait3A_114 = arith.constant 0 : i32
      %dma_wait3A_115 = arith.constant 0 : i32
      %dma_wait3A_116 = tpu.memref_slice %arg11[%dma_wait3A_114, %dma_wait3A_115] : memref<63x80xi32, #tpu.memory_space<vmem>> -> memref<62x80xi32, #tpu.memory_space<vmem>>
      %dma_wait3A_117 = arith.constant 63 : i32
      %dma_wait3A_118 = arith.constant 0 : i32
      %dma_wait3A_119 = tpu.memref_slice %arg4[%add3A, %dma_wait3A_117, %dma_wait3A_118] : memref<32x125x80xi32, #tpu.memory_space<hbm>> -> memref<1x62x80xi32, #tpu.memory_space<hbm>>
      %dma_wait3A_120 = tpu.memref_squeeze %dma_wait3A_119 : memref<1x62x80xi32, #tpu.memory_space<hbm>> -> memref<62x80xi32, #tpu.memory_space<hbm>>
      tpu.wait_dma2 semaphore(%run_scoped3A_92 : memref<!tpu.dma_semaphore, #tpu.memory_space<semaphore_mem>>) src(%dma_wait3A_120 : memref<62x80xi32, #tpu.memory_space<hbm>>) dst(%dma_wait3A_116 : memref<62x80xi32, #tpu.memory_space<vmem>>)
      tpu.yield
    }) : () -> ()
    %dma_start3A_53 = arith.constant 0 : i32
    %dma_start3A_54 = arith.constant 0 : i32
    %dma_start3A_55 = tpu.memref_slice %arg10[%dma_start3A_53, %dma_start3A_54] : memref<63x80xi32, #tpu.memory_space<vmem>> -> memref<1x80xi32, #tpu.memory_space<vmem>>
    %dma_start3A_56 = tpu.memref_squeeze %dma_start3A_55 : memref<1x80xi32, #tpu.memory_space<vmem>> -> memref<80xi32, #tpu.memory_space<vmem>>
    %dma_start3A_57 = arith.constant 0 : i32
    %dma_start3A_58 = arith.constant 0 : i32
    %dma_start3A_59 = tpu.memref_slice %arg2[%dma_start3A_57, %dma_start3A_58] : memref<10000x128xf32, #tpu.memory_space<hbm>> -> memref<10000x128xf32, #tpu.memory_space<hbm>>
    tpu.enqueue_indirect_dma source(%dma_start3A_59 : memref<10000x128xf32, #tpu.memory_space<hbm>>) target(%arg12 : memref<80x128xf32, #tpu.memory_space<vmem>>) offsets(%dma_start3A_56 : memref<80xi32, #tpu.memory_space<vmem>>) semaphore(%arg18 : memref<!tpu.dma_semaphore, #tpu.memory_space<semaphore_mem>>)
    %dma_start3A_60 = arith.constant 1 : i32
    %dma_start3A_61 = arith.constant 0 : i32
    %dma_start3A_62 = tpu.memref_slice %arg10[%dma_start3A_60, %dma_start3A_61] : memref<63x80xi32, #tpu.memory_space<vmem>> -> memref<1x80xi32, #tpu.memory_space<vmem>>
    %dma_start3A_63 = tpu.memref_squeeze %dma_start3A_62 : memref<1x80xi32, #tpu.memory_space<vmem>> -> memref<80xi32, #tpu.memory_space<vmem>>
    %dma_start3A_64 = arith.constant 0 : i32
    %dma_start3A_65 = arith.constant 0 : i32
    %dma_start3A_66 = tpu.memref_slice %arg2[%dma_start3A_64, %dma_start3A_65] : memref<10000x128xf32, #tpu.memory_space<hbm>> -> memref<10000x128xf32, #tpu.memory_space<hbm>>
    tpu.enqueue_indirect_dma source(%dma_start3A_66 : memref<10000x128xf32, #tpu.memory_space<hbm>>) target(%arg13 : memref<80x128xf32, #tpu.memory_space<vmem>>) offsets(%dma_start3A_63 : memref<80xi32, #tpu.memory_space<vmem>>) semaphore(%arg19 : memref<!tpu.dma_semaphore, #tpu.memory_space<semaphore_mem>>)
    %scan3A_67 = arith.constant 0 : i32
    %scan3A_68 = arith.constant 0 : i32
    %scan3A_69 = arith.constant 20 : i32
    %scan3A_70 = arith.addi %scan3A_68, %scan3A_69 : i32
    %scan3A_71 = arith.constant 1 : i32
    scf.for %scan3A_92 = %scan3A_68 to %scan3A_70 step %scan3A_71  : i32 {
      %mul3A_93 = arith.constant 3 : i32
      %mul3A_94 = arith.muli %mul3A_93, %scan3A_92 : i32
      %add3A_95 = arith.constant 0 : i32
      %add3A_96 = arith.addi %mul3A_94, %add3A_95 : i32
      %add3A_97 = arith.constant 2 : i32
      %add3A_98 = arith.addi %add3A_96, %add3A_97 : i32
      %dma_start3A_99 = arith.constant 0 : i32
      %dma_start3A_100 = tpu.memref_slice %arg10[%add3A_98, %dma_start3A_99] : memref<63x80xi32, #tpu.memory_space<vmem>> -> memref<1x80xi32, #tpu.memory_space<vmem>>
      %dma_start3A_101 = tpu.memref_squeeze %dma_start3A_100 : memref<1x80xi32, #tpu.memory_space<vmem>> -> memref<80xi32, #tpu.memory_space<vmem>>
      %dma_start3A_102 = arith.constant 0 : i32
      %dma_start3A_103 = arith.constant 0 : i32
      %dma_start3A_104 = tpu.memref_slice %arg2[%dma_start3A_102, %dma_start3A_103] : memref<10000x128xf32, #tpu.memory_space<hbm>> -> memref<10000x128xf32, #tpu.memory_space<hbm>>
      tpu.enqueue_indirect_dma source(%dma_start3A_104 : memref<10000x128xf32, #tpu.memory_space<hbm>>) target(%arg14 : memref<80x128xf32, #tpu.memory_space<vmem>>) offsets(%dma_start3A_101 : memref<80xi32, #tpu.memory_space<vmem>>) semaphore(%arg20 : memref<!tpu.dma_semaphore, #tpu.memory_space<semaphore_mem>>)
      %add3A_105 = arith.constant 0 : i32
      %add3A_106 = arith.addi %mul3A_94, %add3A_105 : i32
      "tpu.region"() ({
        %run_scoped3A_161 = tpu.sem_alloc : memref<!tpu.dma_semaphore, #tpu.memory_space<semaphore_mem>>
        %dma_start3A_162 = arith.constant 0 : i32
        %dma_start3A_163 = tpu.memref_slice %arg11[%add3A_106, %dma_start3A_162] : memref<63x80xi32, #tpu.memory_space<vmem>> -> memref<1x80xi32, #tpu.memory_space<vmem>>
        %dma_start3A_164 = tpu.memref_squeeze %dma_start3A_163 : memref<1x80xi32, #tpu.memory_space<vmem>> -> memref<80xi32, #tpu.memory_space<vmem>>
        %dma_start3A_165 = arith.constant 0 : i32
        %dma_start3A_166 = arith.constant 0 : i32
        %dma_start3A_167 = tpu.memref_slice %arg17[%dma_start3A_165, %dma_start3A_166] : memref<10240x8xf32, #tpu.memory_space<vmem_shared>> -> memref<10240x8xf32, #tpu.memory_space<vmem_shared>>
        tpu.enqueue_indirect_dma source(%arg15 : memref<80x8xf32, #tpu.memory_space<vmem>>) target(%dma_start3A_167 : memref<10240x8xf32, #tpu.memory_space<vmem_shared>>) offsets(%dma_start3A_164 : memref<80xi32, #tpu.memory_space<vmem>>) semaphore(%run_scoped3A_161 : memref<!tpu.dma_semaphore, #tpu.memory_space<semaphore_mem>>) {add = true}
        %dma_wait3A_168 = arith.constant 0 : i32
        %dma_wait3A_169 = tpu.memref_slice %arg11[%add3A_106, %dma_wait3A_168] : memref<63x80xi32, #tpu.memory_space<vmem>> -> memref<1x80xi32, #tpu.memory_space<vmem>>
        %dma_wait3A_170 = tpu.memref_squeeze %dma_wait3A_169 : memref<1x80xi32, #tpu.memory_space<vmem>> -> memref<80xi32, #tpu.memory_space<vmem>>
        %dma_wait3A_171 = arith.constant 0 : i32
        %dma_wait3A_172 = arith.constant 0 : i32
        %dma_wait3A_173 = tpu.memref_slice %arg17[%dma_wait3A_171, %dma_wait3A_172] : memref<10240x8xf32, #tpu.memory_space<vmem_shared>> -> memref<10240x8xf32, #tpu.memory_space<vmem_shared>>
        tpu.wait_indirect_dma semaphore(%run_scoped3A_161 : memref<!tpu.dma_semaphore, #tpu.memory_space<semaphore_mem>>) src(%arg15 : memref<80x8xf32, #tpu.memory_space<vmem>>) dst(%dma_wait3A_173 : memref<10240x8xf32, #tpu.memory_space<vmem_shared>>)
        tpu.yield
      }) : () -> ()
      %add3A_107 = arith.constant 0 : i32
      %add3A_108 = arith.addi %mul3A_94, %add3A_107 : i32
      %dma_wait3A_109 = arith.constant 0 : i32
      %dma_wait3A_110 = tpu.memref_slice %arg10[%add3A_108, %dma_wait3A_109] : memref<63x80xi32, #tpu.memory_space<vmem>> -> memref<1x80xi32, #tpu.memory_space<vmem>>
      %dma_wait3A_111 = tpu.memref_squeeze %dma_wait3A_110 : memref<1x80xi32, #tpu.memory_space<vmem>> -> memref<80xi32, #tpu.memory_space<vmem>>
      %dma_wait3A_112 = arith.constant 0 : i32
      %dma_wait3A_113 = arith.constant 0 : i32
      %dma_wait3A_114 = tpu.memref_slice %arg2[%dma_wait3A_112, %dma_wait3A_113] : memref<10000x128xf32, #tpu.memory_space<hbm>> -> memref<10000x128xf32, #tpu.memory_space<hbm>>
      tpu.wait_indirect_dma semaphore(%arg18 : memref<!tpu.dma_semaphore, #tpu.memory_space<semaphore_mem>>) src(%dma_wait3A_114 : memref<10000x128xf32, #tpu.memory_space<hbm>>) dst(%arg12 : memref<80x128xf32, #tpu.memory_space<vmem>>)
      %add3A_115 = arith.constant 0 : i32
      %add3A_116 = arith.addi %mul3A_94, %add3A_115 : i32
      "tpu.region"() ({
        %run_scoped3A_161 = tpu.sem_alloc : memref<!tpu.dma_semaphore, #tpu.memory_space<semaphore_mem>>
        %dma_start3A_162 = arith.constant 0 : i32
        %dma_start3A_163 = tpu.memref_slice %arg11[%add3A_116, %dma_start3A_162] : memref<63x80xi32, #tpu.memory_space<vmem>> -> memref<1x80xi32, #tpu.memory_space<vmem>>
        %dma_start3A_164 = tpu.memref_squeeze %dma_start3A_163 : memref<1x80xi32, #tpu.memory_space<vmem>> -> memref<80xi32, #tpu.memory_space<vmem>>
        %dma_start3A_165 = arith.constant 0 : i32
        %dma_start3A_166 = arith.constant 0 : i32
        %dma_start3A_167 = tpu.memref_slice %arg16[%dma_start3A_165, %dma_start3A_166] : memref<10240x128xf32, #tpu.memory_space<vmem_shared>> -> memref<10240x128xf32, #tpu.memory_space<vmem_shared>>
        tpu.enqueue_indirect_dma source(%arg12 : memref<80x128xf32, #tpu.memory_space<vmem>>) target(%dma_start3A_167 : memref<10240x128xf32, #tpu.memory_space<vmem_shared>>) offsets(%dma_start3A_164 : memref<80xi32, #tpu.memory_space<vmem>>) semaphore(%run_scoped3A_161 : memref<!tpu.dma_semaphore, #tpu.memory_space<semaphore_mem>>) {add = true}
        %dma_wait3A_168 = arith.constant 0 : i32
        %dma_wait3A_169 = tpu.memref_slice %arg11[%add3A_116, %dma_wait3A_168] : memref<63x80xi32, #tpu.memory_space<vmem>> -> memref<1x80xi32, #tpu.memory_space<vmem>>
        %dma_wait3A_170 = tpu.memref_squeeze %dma_wait3A_169 : memref<1x80xi32, #tpu.memory_space<vmem>> -> memref<80xi32, #tpu.memory_space<vmem>>
        %dma_wait3A_171 = arith.constant 0 : i32
        %dma_wait3A_172 = arith.constant 0 : i32
        %dma_wait3A_173 = tpu.memref_slice %arg16[%dma_wait3A_171, %dma_wait3A_172] : memref<10240x128xf32, #tpu.memory_space<vmem_shared>> -> memref<10240x128xf32, #tpu.memory_space<vmem_shared>>
        tpu.wait_indirect_dma semaphore(%run_scoped3A_161 : memref<!tpu.dma_semaphore, #tpu.memory_space<semaphore_mem>>) src(%arg12 : memref<80x128xf32, #tpu.memory_space<vmem>>) dst(%dma_wait3A_173 : memref<10240x128xf32, #tpu.memory_space<vmem_shared>>)
        tpu.yield
      }) : () -> ()
      %add3A_117 = arith.constant 1 : i32
      %add3A_118 = arith.addi %mul3A_94, %add3A_117 : i32
      %add3A_119 = arith.constant 2 : i32
      %add3A_120 = arith.addi %add3A_118, %add3A_119 : i32
      %dma_start3A_121 = arith.constant 0 : i32
      %dma_start3A_122 = tpu.memref_slice %arg10[%add3A_120, %dma_start3A_121] : memref<63x80xi32, #tpu.memory_space<vmem>> -> memref<1x80xi32, #tpu.memory_space<vmem>>
      %dma_start3A_123 = tpu.memref_squeeze %dma_start3A_122 : memref<1x80xi32, #tpu.memory_space<vmem>> -> memref<80xi32, #tpu.memory_space<vmem>>
      %dma_start3A_124 = arith.constant 0 : i32
      %dma_start3A_125 = arith.constant 0 : i32
      %dma_start3A_126 = tpu.memref_slice %arg2[%dma_start3A_124, %dma_start3A_125] : memref<10000x128xf32, #tpu.memory_space<hbm>> -> memref<10000x128xf32, #tpu.memory_space<hbm>>
      tpu.enqueue_indirect_dma source(%dma_start3A_126 : memref<10000x128xf32, #tpu.memory_space<hbm>>) target(%arg12 : memref<80x128xf32, #tpu.memory_space<vmem>>) offsets(%dma_start3A_123 : memref<80xi32, #tpu.memory_space<vmem>>) semaphore(%arg18 : memref<!tpu.dma_semaphore, #tpu.memory_space<semaphore_mem>>)
      %add3A_127 = arith.constant 1 : i32
      %add3A_128 = arith.addi %mul3A_94, %add3A_127 : i32
      "tpu.region"() ({
        %run_scoped3A_161 = tpu.sem_alloc : memref<!tpu.dma_semaphore, #tpu.memory_space<semaphore_mem>>
        %dma_start3A_162 = arith.constant 0 : i32
        %dma_start3A_163 = tpu.memref_slice %arg11[%add3A_128, %dma_start3A_162] : memref<63x80xi32, #tpu.memory_space<vmem>> -> memref<1x80xi32, #tpu.memory_space<vmem>>
        %dma_start3A_164 = tpu.memref_squeeze %dma_start3A_163 : memref<1x80xi32, #tpu.memory_space<vmem>> -> memref<80xi32, #tpu.memory_space<vmem>>
        %dma_start3A_165 = arith.constant 0 : i32
        %dma_start3A_166 = arith.constant 0 : i32
        %dma_start3A_167 = tpu.memref_slice %arg17[%dma_start3A_165, %dma_start3A_166] : memref<10240x8xf32, #tpu.memory_space<vmem_shared>> -> memref<10240x8xf32, #tpu.memory_space<vmem_shared>>
        tpu.enqueue_indirect_dma source(%arg15 : memref<80x8xf32, #tpu.memory_space<vmem>>) target(%dma_start3A_167 : memref<10240x8xf32, #tpu.memory_space<vmem_shared>>) offsets(%dma_start3A_164 : memref<80xi32, #tpu.memory_space<vmem>>) semaphore(%run_scoped3A_161 : memref<!tpu.dma_semaphore, #tpu.memory_space<semaphore_mem>>) {add = true}
        %dma_wait3A_168 = arith.constant 0 : i32
        %dma_wait3A_169 = tpu.memref_slice %arg11[%add3A_128, %dma_wait3A_168] : memref<63x80xi32, #tpu.memory_space<vmem>> -> memref<1x80xi32, #tpu.memory_space<vmem>>
        %dma_wait3A_170 = tpu.memref_squeeze %dma_wait3A_169 : memref<1x80xi32, #tpu.memory_space<vmem>> -> memref<80xi32, #tpu.memory_space<vmem>>
        %dma_wait3A_171 = arith.constant 0 : i32
        %dma_wait3A_172 = arith.constant 0 : i32
        %dma_wait3A_173 = tpu.memref_slice %arg17[%dma_wait3A_171, %dma_wait3A_172] : memref<10240x8xf32, #tpu.memory_space<vmem_shared>> -> memref<10240x8xf32, #tpu.memory_space<vmem_shared>>
        tpu.wait_indirect_dma semaphore(%run_scoped3A_161 : memref<!tpu.dma_semaphore, #tpu.memory_space<semaphore_mem>>) src(%arg15 : memref<80x8xf32, #tpu.memory_space<vmem>>) dst(%dma_wait3A_173 : memref<10240x8xf32, #tpu.memory_space<vmem_shared>>)
        tpu.yield
      }) : () -> ()
      %add3A_129 = arith.constant 1 : i32
      %add3A_130 = arith.addi %mul3A_94, %add3A_129 : i32
      %dma_wait3A_131 = arith.constant 0 : i32
      %dma_wait3A_132 = tpu.memref_slice %arg10[%add3A_130, %dma_wait3A_131] : memref<63x80xi32, #tpu.memory_space<vmem>> -> memref<1x80xi32, #tpu.memory_space<vmem>>
      %dma_wait3A_133 = tpu.memref_squeeze %dma_wait3A_132 : memref<1x80xi32, #tpu.memory_space<vmem>> -> memref<80xi32, #tpu.memory_space<vmem>>
      %dma_wait3A_134 = arith.constant 0 : i32
      %dma_wait3A_135 = arith.constant 0 : i32
      %dma_wait3A_136 = tpu.memref_slice %arg2[%dma_wait3A_134, %dma_wait3A_135] : memref<10000x128xf32, #tpu.memory_space<hbm>> -> memref<10000x128xf32, #tpu.memory_space<hbm>>
      tpu.wait_indirect_dma semaphore(%arg19 : memref<!tpu.dma_semaphore, #tpu.memory_space<semaphore_mem>>) src(%dma_wait3A_136 : memref<10000x128xf32, #tpu.memory_space<hbm>>) dst(%arg13 : memref<80x128xf32, #tpu.memory_space<vmem>>)
      %add3A_137 = arith.constant 1 : i32
      %add3A_138 = arith.addi %mul3A_94, %add3A_137 : i32
      "tpu.region"() ({
        %run_scoped3A_161 = tpu.sem_alloc : memref<!tpu.dma_semaphore, #tpu.memory_space<semaphore_mem>>
        %dma_start3A_162 = arith.constant 0 : i32
        %dma_start3A_163 = tpu.memref_slice %arg11[%add3A_138, %dma_start3A_162] : memref<63x80xi32, #tpu.memory_space<vmem>> -> memref<1x80xi32, #tpu.memory_space<vmem>>
        %dma_start3A_164 = tpu.memref_squeeze %dma_start3A_163 : memref<1x80xi32, #tpu.memory_space<vmem>> -> memref<80xi32, #tpu.memory_space<vmem>>
        %dma_start3A_165 = arith.constant 0 : i32
        %dma_start3A_166 = arith.constant 0 : i32
        %dma_start3A_167 = tpu.memref_slice %arg16[%dma_start3A_165, %dma_start3A_166] : memref<10240x128xf32, #tpu.memory_space<vmem_shared>> -> memref<10240x128xf32, #tpu.memory_space<vmem_shared>>
        tpu.enqueue_indirect_dma source(%arg13 : memref<80x128xf32, #tpu.memory_space<vmem>>) target(%dma_start3A_167 : memref<10240x128xf32, #tpu.memory_space<vmem_shared>>) offsets(%dma_start3A_164 : memref<80xi32, #tpu.memory_space<vmem>>) semaphore(%run_scoped3A_161 : memref<!tpu.dma_semaphore, #tpu.memory_space<semaphore_mem>>) {add = true}
        %dma_wait3A_168 = arith.constant 0 : i32
        %dma_wait3A_169 = tpu.memref_slice %arg11[%add3A_138, %dma_wait3A_168] : memref<63x80xi32, #tpu.memory_space<vmem>> -> memref<1x80xi32, #tpu.memory_space<vmem>>
        %dma_wait3A_170 = tpu.memref_squeeze %dma_wait3A_169 : memref<1x80xi32, #tpu.memory_space<vmem>> -> memref<80xi32, #tpu.memory_space<vmem>>
        %dma_wait3A_171 = arith.constant 0 : i32
        %dma_wait3A_172 = arith.constant 0 : i32
        %dma_wait3A_173 = tpu.memref_slice %arg16[%dma_wait3A_171, %dma_wait3A_172] : memref<10240x128xf32, #tpu.memory_space<vmem_shared>> -> memref<10240x128xf32, #tpu.memory_space<vmem_shared>>
        tpu.wait_indirect_dma semaphore(%run_scoped3A_161 : memref<!tpu.dma_semaphore, #tpu.memory_space<semaphore_mem>>) src(%arg13 : memref<80x128xf32, #tpu.memory_space<vmem>>) dst(%dma_wait3A_173 : memref<10240x128xf32, #tpu.memory_space<vmem_shared>>)
        tpu.yield
      }) : () -> ()
      %add3A_139 = arith.constant 2 : i32
      %add3A_140 = arith.addi %mul3A_94, %add3A_139 : i32
      %add3A_141 = arith.constant 2 : i32
      %add3A_142 = arith.addi %add3A_140, %add3A_141 : i32
      %dma_start3A_143 = arith.constant 0 : i32
      %dma_start3A_144 = tpu.memref_slice %arg10[%add3A_142, %dma_start3A_143] : memref<63x80xi32, #tpu.memory_space<vmem>> -> memref<1x80xi32, #tpu.memory_space<vmem>>
      %dma_start3A_145 = tpu.memref_squeeze %dma_start3A_144 : memref<1x80xi32, #tpu.memory_space<vmem>> -> memref<80xi32, #tpu.memory_space<vmem>>
      %dma_start3A_146 = arith.constant 0 : i32
      %dma_start3A_147 = arith.constant 0 : i32
      %dma_start3A_148 = tpu.memref_slice %arg2[%dma_start3A_146, %dma_start3A_147] : memref<10000x128xf32, #tpu.memory_space<hbm>> -> memref<10000x128xf32, #tpu.memory_space<hbm>>
      tpu.enqueue_indirect_dma source(%dma_start3A_148 : memref<10000x128xf32, #tpu.memory_space<hbm>>) target(%arg13 : memref<80x128xf32, #tpu.memory_space<vmem>>) offsets(%dma_start3A_145 : memref<80xi32, #tpu.memory_space<vmem>>) semaphore(%arg19 : memref<!tpu.dma_semaphore, #tpu.memory_space<semaphore_mem>>)
      %add3A_149 = arith.constant 2 : i32
      %add3A_150 = arith.addi %mul3A_94, %add3A_149 : i32
      "tpu.region"() ({
        %run_scoped3A_161 = tpu.sem_alloc : memref<!tpu.dma_semaphore, #tpu.memory_space<semaphore_mem>>
        %dma_start3A_162 = arith.constant 0 : i32
        %dma_start3A_163 = tpu.memref_slice %arg11[%add3A_150, %dma_start3A_162] : memref<63x80xi32, #tpu.memory_space<vmem>> -> memref<1x80xi32, #tpu.memory_space<vmem>>
        %dma_start3A_164 = tpu.memref_squeeze %dma_start3A_163 : memref<1x80xi32, #tpu.memory_space<vmem>> -> memref<80xi32, #tpu.memory_space<vmem>>
        %dma_start3A_165 = arith.constant 0 : i32
        %dma_start3A_166 = arith.constant 0 : i32
        %dma_start3A_167 = tpu.memref_slice %arg17[%dma_start3A_165, %dma_start3A_166] : memref<10240x8xf32, #tpu.memory_space<vmem_shared>> -> memref<10240x8xf32, #tpu.memory_space<vmem_shared>>
        tpu.enqueue_indirect_dma source(%arg15 : memref<80x8xf32, #tpu.memory_space<vmem>>) target(%dma_start3A_167 : memref<10240x8xf32, #tpu.memory_space<vmem_shared>>) offsets(%dma_start3A_164 : memref<80xi32, #tpu.memory_space<vmem>>) semaphore(%run_scoped3A_161 : memref<!tpu.dma_semaphore, #tpu.memory_space<semaphore_mem>>) {add = true}
        %dma_wait3A_168 = arith.constant 0 : i32
        %dma_wait3A_169 = tpu.memref_slice %arg11[%add3A_150, %dma_wait3A_168] : memref<63x80xi32, #tpu.memory_space<vmem>> -> memref<1x80xi32, #tpu.memory_space<vmem>>
        %dma_wait3A_170 = tpu.memref_squeeze %dma_wait3A_169 : memref<1x80xi32, #tpu.memory_space<vmem>> -> memref<80xi32, #tpu.memory_space<vmem>>
        %dma_wait3A_171 = arith.constant 0 : i32
        %dma_wait3A_172 = arith.constant 0 : i32
        %dma_wait3A_173 = tpu.memref_slice %arg17[%dma_wait3A_171, %dma_wait3A_172] : memref<10240x8xf32, #tpu.memory_space<vmem_shared>> -> memref<10240x8xf32, #tpu.memory_space<vmem_shared>>
        tpu.wait_indirect_dma semaphore(%run_scoped3A_161 : memref<!tpu.dma_semaphore, #tpu.memory_space<semaphore_mem>>) src(%arg15 : memref<80x8xf32, #tpu.memory_space<vmem>>) dst(%dma_wait3A_173 : memref<10240x8xf32, #tpu.memory_space<vmem_shared>>)
        tpu.yield
      }) : () -> ()
      %add3A_151 = arith.constant 2 : i32
      %add3A_152 = arith.addi %mul3A_94, %add3A_151 : i32
      %dma_wait3A_153 = arith.constant 0 : i32
      %dma_wait3A_154 = tpu.memref_slice %arg10[%add3A_152, %dma_wait3A_153] : memref<63x80xi32, #tpu.memory_space<vmem>> -> memref<1x80xi32, #tpu.memory_space<vmem>>
      %dma_wait3A_155 = tpu.memref_squeeze %dma_wait3A_154 : memref<1x80xi32, #tpu.memory_space<vmem>> -> memref<80xi32, #tpu.memory_space<vmem>>
      %dma_wait3A_156 = arith.constant 0 : i32
      %dma_wait3A_157 = arith.constant 0 : i32
      %dma_wait3A_158 = tpu.memref_slice %arg2[%dma_wait3A_156, %dma_wait3A_157] : memref<10000x128xf32, #tpu.memory_space<hbm>> -> memref<10000x128xf32, #tpu.memory_space<hbm>>
      tpu.wait_indirect_dma semaphore(%arg20 : memref<!tpu.dma_semaphore, #tpu.memory_space<semaphore_mem>>) src(%dma_wait3A_158 : memref<10000x128xf32, #tpu.memory_space<hbm>>) dst(%arg14 : memref<80x128xf32, #tpu.memory_space<vmem>>)
      %add3A_159 = arith.constant 2 : i32
      %add3A_160 = arith.addi %mul3A_94, %add3A_159 : i32
      "tpu.region"() ({
        %run_scoped3A_161 = tpu.sem_alloc : memref<!tpu.dma_semaphore, #tpu.memory_space<semaphore_mem>>
        %dma_start3A_162 = arith.constant 0 : i32
        %dma_start3A_163 = tpu.memref_slice %arg11[%add3A_160, %dma_start3A_162] : memref<63x80xi32, #tpu.memory_space<vmem>> -> memref<1x80xi32, #tpu.memory_space<vmem>>
        %dma_start3A_164 = tpu.memref_squeeze %dma_start3A_163 : memref<1x80xi32, #tpu.memory_space<vmem>> -> memref<80xi32, #tpu.memory_space<vmem>>
        %dma_start3A_165 = arith.constant 0 : i32
        %dma_start3A_166 = arith.constant 0 : i32
        %dma_start3A_167 = tpu.memref_slice %arg16[%dma_start3A_165, %dma_start3A_166] : memref<10240x128xf32, #tpu.memory_space<vmem_shared>> -> memref<10240x128xf32, #tpu.memory_space<vmem_shared>>
        tpu.enqueue_indirect_dma source(%arg14 : memref<80x128xf32, #tpu.memory_space<vmem>>) target(%dma_start3A_167 : memref<10240x128xf32, #tpu.memory_space<vmem_shared>>) offsets(%dma_start3A_164 : memref<80xi32, #tpu.memory_space<vmem>>) semaphore(%run_scoped3A_161 : memref<!tpu.dma_semaphore, #tpu.memory_space<semaphore_mem>>) {add = true}
        %dma_wait3A_168 = arith.constant 0 : i32
        %dma_wait3A_169 = tpu.memref_slice %arg11[%add3A_160, %dma_wait3A_168] : memref<63x80xi32, #tpu.memory_space<vmem>> -> memref<1x80xi32, #tpu.memory_space<vmem>>
        %dma_wait3A_170 = tpu.memref_squeeze %dma_wait3A_169 : memref<1x80xi32, #tpu.memory_space<vmem>> -> memref<80xi32, #tpu.memory_space<vmem>>
        %dma_wait3A_171 = arith.constant 0 : i32
        %dma_wait3A_172 = arith.constant 0 : i32
        %dma_wait3A_173 = tpu.memref_slice %arg16[%dma_wait3A_171, %dma_wait3A_172] : memref<10240x128xf32, #tpu.memory_space<vmem_shared>> -> memref<10240x128xf32, #tpu.memory_space<vmem_shared>>
        tpu.wait_indirect_dma semaphore(%run_scoped3A_161 : memref<!tpu.dma_semaphore, #tpu.memory_space<semaphore_mem>>) src(%arg14 : memref<80x128xf32, #tpu.memory_space<vmem>>) dst(%dma_wait3A_173 : memref<10240x128xf32, #tpu.memory_space<vmem_shared>>)
        tpu.yield
      }) : () -> ()
    }
    %scan3A_72 = arith.constant 20 : i32
    %run_scoped3A_73 = arith.constant 60 : i32
    "tpu.region"() ({
      %run_scoped3A_92 = tpu.sem_alloc : memref<!tpu.dma_semaphore, #tpu.memory_space<semaphore_mem>>
      %dma_start3A_93 = arith.constant 0 : i32
      %dma_start3A_94 = tpu.memref_slice %arg11[%run_scoped3A_73, %dma_start3A_93] : memref<63x80xi32, #tpu.memory_space<vmem>> -> memref<1x80xi32, #tpu.memory_space<vmem>>
      %dma_start3A_95 = tpu.memref_squeeze %dma_start3A_94 : memref<1x80xi32, #tpu.memory_space<vmem>> -> memref<80xi32, #tpu.memory_space<vmem>>
      %dma_start3A_96 = arith.constant 0 : i32
      %dma_start3A_97 = arith.constant 0 : i32
      %dma_start3A_98 = tpu.memref_slice %arg17[%dma_start3A_96, %dma_start3A_97] : memref<10240x8xf32, #tpu.memory_space<vmem_shared>> -> memref<10240x8xf32, #tpu.memory_space<vmem_shared>>
      tpu.enqueue_indirect_dma source(%arg15 : memref<80x8xf32, #tpu.memory_space<vmem>>) target(%dma_start3A_98 : memref<10240x8xf32, #tpu.memory_space<vmem_shared>>) offsets(%dma_start3A_95 : memref<80xi32, #tpu.memory_space<vmem>>) semaphore(%run_scoped3A_92 : memref<!tpu.dma_semaphore, #tpu.memory_space<semaphore_mem>>) {add = true}
      %dma_wait3A_99 = arith.constant 0 : i32
      %dma_wait3A_100 = tpu.memref_slice %arg11[%run_scoped3A_73, %dma_wait3A_99] : memref<63x80xi32, #tpu.memory_space<vmem>> -> memref<1x80xi32, #tpu.memory_space<vmem>>
      %dma_wait3A_101 = tpu.memref_squeeze %dma_wait3A_100 : memref<1x80xi32, #tpu.memory_space<vmem>> -> memref<80xi32, #tpu.memory_space<vmem>>
      %dma_wait3A_102 = arith.constant 0 : i32
      %dma_wait3A_103 = arith.constant 0 : i32
      %dma_wait3A_104 = tpu.memref_slice %arg17[%dma_wait3A_102, %dma_wait3A_103] : memref<10240x8xf32, #tpu.memory_space<vmem_shared>> -> memref<10240x8xf32, #tpu.memory_space<vmem_shared>>
      tpu.wait_indirect_dma semaphore(%run_scoped3A_92 : memref<!tpu.dma_semaphore, #tpu.memory_space<semaphore_mem>>) src(%arg15 : memref<80x8xf32, #tpu.memory_space<vmem>>) dst(%dma_wait3A_104 : memref<10240x8xf32, #tpu.memory_space<vmem_shared>>)
      tpu.yield
    }) : () -> ()
    %dma_wait3A_74 = arith.constant 60 : i32
    %dma_wait3A_75 = arith.constant 0 : i32
    %dma_wait3A_76 = tpu.memref_slice %arg10[%dma_wait3A_74, %dma_wait3A_75] : memref<63x80xi32, #tpu.memory_space<vmem>> -> memref<1x80xi32, #tpu.memory_space<vmem>>
    %dma_wait3A_77 = tpu.memref_squeeze %dma_wait3A_76 : memref<1x80xi32, #tpu.memory_space<vmem>> -> memref<80xi32, #tpu.memory_space<vmem>>
    %dma_wait3A_78 = arith.constant 0 : i32
    %dma_wait3A_79 = arith.constant 0 : i32
    %dma_wait3A_80 = tpu.memref_slice %arg2[%dma_wait3A_78, %dma_wait3A_79] : memref<10000x128xf32, #tpu.memory_space<hbm>> -> memref<10000x128xf32, #tpu.memory_space<hbm>>
    tpu.wait_indirect_dma semaphore(%arg18 : memref<!tpu.dma_semaphore, #tpu.memory_space<semaphore_mem>>) src(%dma_wait3A_80 : memref<10000x128xf32, #tpu.memory_space<hbm>>) dst(%arg12 : memref<80x128xf32, #tpu.memory_space<vmem>>)
    %run_scoped3A_81 = arith.constant 60 : i32
    "tpu.region"() ({
      %run_scoped3A_92 = tpu.sem_alloc : memref<!tpu.dma_semaphore, #tpu.memory_space<semaphore_mem>>
      %dma_start3A_93 = arith.constant 0 : i32
      %dma_start3A_94 = tpu.memref_slice %arg11[%run_scoped3A_81, %dma_start3A_93] : memref<63x80xi32, #tpu.memory_space<vmem>> -> memref<1x80xi32, #tpu.memory_space<vmem>>
      %dma_start3A_95 = tpu.memref_squeeze %dma_start3A_94 : memref<1x80xi32, #tpu.memory_space<vmem>> -> memref<80xi32, #tpu.memory_space<vmem>>
      %dma_start3A_96 = arith.constant 0 : i32
      %dma_start3A_97 = arith.constant 0 : i32
      %dma_start3A_98 = tpu.memref_slice %arg16[%dma_start3A_96, %dma_start3A_97] : memref<10240x128xf32, #tpu.memory_space<vmem_shared>> -> memref<10240x128xf32, #tpu.memory_space<vmem_shared>>
      tpu.enqueue_indirect_dma source(%arg12 : memref<80x128xf32, #tpu.memory_space<vmem>>) target(%dma_start3A_98 : memref<10240x128xf32, #tpu.memory_space<vmem_shared>>) offsets(%dma_start3A_95 : memref<80xi32, #tpu.memory_space<vmem>>) semaphore(%run_scoped3A_92 : memref<!tpu.dma_semaphore, #tpu.memory_space<semaphore_mem>>) {add = true}
      %dma_wait3A_99 = arith.constant 0 : i32
      %dma_wait3A_100 = tpu.memref_slice %arg11[%run_scoped3A_81, %dma_wait3A_99] : memref<63x80xi32, #tpu.memory_space<vmem>> -> memref<1x80xi32, #tpu.memory_space<vmem>>
      %dma_wait3A_101 = tpu.memref_squeeze %dma_wait3A_100 : memref<1x80xi32, #tpu.memory_space<vmem>> -> memref<80xi32, #tpu.memory_space<vmem>>
      %dma_wait3A_102 = arith.constant 0 : i32
      %dma_wait3A_103 = arith.constant 0 : i32
      %dma_wait3A_104 = tpu.memref_slice %arg16[%dma_wait3A_102, %dma_wait3A_103] : memref<10240x128xf32, #tpu.memory_space<vmem_shared>> -> memref<10240x128xf32, #tpu.memory_space<vmem_shared>>
      tpu.wait_indirect_dma semaphore(%run_scoped3A_92 : memref<!tpu.dma_semaphore, #tpu.memory_space<semaphore_mem>>) src(%arg12 : memref<80x128xf32, #tpu.memory_space<vmem>>) dst(%dma_wait3A_104 : memref<10240x128xf32, #tpu.memory_space<vmem_shared>>)
      tpu.yield
    }) : () -> ()
    %run_scoped3A_82 = arith.constant 61 : i32
    "tpu.region"() ({
      %run_scoped3A_92 = tpu.sem_alloc : memref<!tpu.dma_semaphore, #tpu.memory_space<semaphore_mem>>
      %dma_start3A_93 = arith.constant 0 : i32
      %dma_start3A_94 = tpu.memref_slice %arg11[%run_scoped3A_82, %dma_start3A_93] : memref<63x80xi32, #tpu.memory_space<vmem>> -> memref<1x80xi32, #tpu.memory_space<vmem>>
      %dma_start3A_95 = tpu.memref_squeeze %dma_start3A_94 : memref<1x80xi32, #tpu.memory_space<vmem>> -> memref<80xi32, #tpu.memory_space<vmem>>
      %dma_start3A_96 = arith.constant 0 : i32
      %dma_start3A_97 = arith.constant 0 : i32
      %dma_start3A_98 = tpu.memref_slice %arg17[%dma_start3A_96, %dma_start3A_97] : memref<10240x8xf32, #tpu.memory_space<vmem_shared>> -> memref<10240x8xf32, #tpu.memory_space<vmem_shared>>
      tpu.enqueue_indirect_dma source(%arg15 : memref<80x8xf32, #tpu.memory_space<vmem>>) target(%dma_start3A_98 : memref<10240x8xf32, #tpu.memory_space<vmem_shared>>) offsets(%dma_start3A_95 : memref<80xi32, #tpu.memory_space<vmem>>) semaphore(%run_scoped3A_92 : memref<!tpu.dma_semaphore, #tpu.memory_space<semaphore_mem>>) {add = true}
      %dma_wait3A_99 = arith.constant 0 : i32
      %dma_wait3A_100 = tpu.memref_slice %arg11[%run_scoped3A_82, %dma_wait3A_99] : memref<63x80xi32, #tpu.memory_space<vmem>> -> memref<1x80xi32, #tpu.memory_space<vmem>>
      %dma_wait3A_101 = tpu.memref_squeeze %dma_wait3A_100 : memref<1x80xi32, #tpu.memory_space<vmem>> -> memref<80xi32, #tpu.memory_space<vmem>>
      %dma_wait3A_102 = arith.constant 0 : i32
      %dma_wait3A_103 = arith.constant 0 : i32
      %dma_wait3A_104 = tpu.memref_slice %arg17[%dma_wait3A_102, %dma_wait3A_103] : memref<10240x8xf32, #tpu.memory_space<vmem_shared>> -> memref<10240x8xf32, #tpu.memory_space<vmem_shared>>
      tpu.wait_indirect_dma semaphore(%run_scoped3A_92 : memref<!tpu.dma_semaphore, #tpu.memory_space<semaphore_mem>>) src(%arg15 : memref<80x8xf32, #tpu.memory_space<vmem>>) dst(%dma_wait3A_104 : memref<10240x8xf32, #tpu.memory_space<vmem_shared>>)
      tpu.yield
    }) : () -> ()
    %dma_wait3A_83 = arith.constant 61 : i32
    %dma_wait3A_84 = arith.constant 0 : i32
    %dma_wait3A_85 = tpu.memref_slice %arg10[%dma_wait3A_83, %dma_wait3A_84] : memref<63x80xi32, #tpu.memory_space<vmem>> -> memref<1x80xi32, #tpu.memory_space<vmem>>
    %dma_wait3A_86 = tpu.memref_squeeze %dma_wait3A_85 : memref<1x80xi32, #tpu.memory_space<vmem>> -> memref<80xi32, #tpu.memory_space<vmem>>
    %dma_wait3A_87 = arith.constant 0 : i32
    %dma_wait3A_88 = arith.constant 0 : i32
    %dma_wait3A_89 = tpu.memref_slice %arg2[%dma_wait3A_87, %dma_wait3A_88] : memref<10000x128xf32, #tpu.memory_space<hbm>> -> memref<10000x128xf32, #tpu.memory_space<hbm>>
    tpu.wait_indirect_dma semaphore(%arg19 : memref<!tpu.dma_semaphore, #tpu.memory_space<semaphore_mem>>) src(%dma_wait3A_89 : memref<10000x128xf32, #tpu.memory_space<hbm>>) dst(%arg13 : memref<80x128xf32, #tpu.memory_space<vmem>>)
    %run_scoped3A_90 = arith.constant 61 : i32
    "tpu.region"() ({
      %run_scoped3A_92 = tpu.sem_alloc : memref<!tpu.dma_semaphore, #tpu.memory_space<semaphore_mem>>
      %dma_start3A_93 = arith.constant 0 : i32
      %dma_start3A_94 = tpu.memref_slice %arg11[%run_scoped3A_90, %dma_start3A_93] : memref<63x80xi32, #tpu.memory_space<vmem>> -> memref<1x80xi32, #tpu.memory_space<vmem>>
      %dma_start3A_95 = tpu.memref_squeeze %dma_start3A_94 : memref<1x80xi32, #tpu.memory_space<vmem>> -> memref<80xi32, #tpu.memory_space<vmem>>
      %dma_start3A_96 = arith.constant 0 : i32
      %dma_start3A_97 = arith.constant 0 : i32
      %dma_start3A_98 = tpu.memref_slice %arg16[%dma_start3A_96, %dma_start3A_97] : memref<10240x128xf32, #tpu.memory_space<vmem_shared>> -> memref<10240x128xf32, #tpu.memory_space<vmem_shared>>
      tpu.enqueue_indirect_dma source(%arg13 : memref<80x128xf32, #tpu.memory_space<vmem>>) target(%dma_start3A_98 : memref<10240x128xf32, #tpu.memory_space<vmem_shared>>) offsets(%dma_start3A_95 : memref<80xi32, #tpu.memory_space<vmem>>) semaphore(%run_scoped3A_92 : memref<!tpu.dma_semaphore, #tpu.memory_space<semaphore_mem>>) {add = true}
      %dma_wait3A_99 = arith.constant 0 : i32
      %dma_wait3A_100 = tpu.memref_slice %arg11[%run_scoped3A_90, %dma_wait3A_99] : memref<63x80xi32, #tpu.memory_space<vmem>> -> memref<1x80xi32, #tpu.memory_space<vmem>>
      %dma_wait3A_101 = tpu.memref_squeeze %dma_wait3A_100 : memref<1x80xi32, #tpu.memory_space<vmem>> -> memref<80xi32, #tpu.memory_space<vmem>>
      %dma_wait3A_102 = arith.constant 0 : i32
      %dma_wait3A_103 = arith.constant 0 : i32
      %dma_wait3A_104 = tpu.memref_slice %arg16[%dma_wait3A_102, %dma_wait3A_103] : memref<10240x128xf32, #tpu.memory_space<vmem_shared>> -> memref<10240x128xf32, #tpu.memory_space<vmem_shared>>
      tpu.wait_indirect_dma semaphore(%run_scoped3A_92 : memref<!tpu.dma_semaphore, #tpu.memory_space<semaphore_mem>>) src(%arg13 : memref<80x128xf32, #tpu.memory_space<vmem>>) dst(%dma_wait3A_104 : memref<10240x128xf32, #tpu.memory_space<vmem_shared>>)
      tpu.yield
    }) : () -> ()
    %barrier3A_91 = arith.constant 0 : index
    tpu.barrier barrier_id(%barrier3A_91)
    "tpu.region"() ({
      %run_scoped3A_92 = tpu.sem_alloc : memref<!tpu.dma_semaphore, #tpu.memory_space<semaphore_mem>>
      %dma_start3A_93 = arith.constant 0 : i32
      %dma_start3A_94 = tpu.memref_slice %arg8[%arg0, %mul3A_2, %dma_start3A_93] : memref<2x10240x128xf32, #tpu.memory_space<hbm>> -> memref<1x640x128xf32, #tpu.memory_space<hbm>>
      %dma_start3A_95 = tpu.memref_squeeze %dma_start3A_94 : memref<1x640x128xf32, #tpu.memory_space<hbm>> -> memref<640x128xf32, #tpu.memory_space<hbm>>
      %dma_start3A_96 = arith.constant 0 : i32
      %dma_start3A_97 = tpu.memref_slice %arg16[%mul3A_2, %dma_start3A_96] : memref<10240x128xf32, #tpu.memory_space<vmem_shared>> -> memref<640x128xf32, #tpu.memory_space<vmem_shared>>
      tpu.enqueue_dma source(%dma_start3A_97 : memref<640x128xf32, #tpu.memory_space<vmem_shared>>) target(%dma_start3A_95 : memref<640x128xf32, #tpu.memory_space<hbm>>) target_semaphore(%run_scoped3A_92 : memref<!tpu.dma_semaphore, #tpu.memory_space<semaphore_mem>>)
      %dma_wait3A_98 = arith.constant 0 : i32
      %dma_wait3A_99 = tpu.memref_slice %arg8[%arg0, %mul3A_2, %dma_wait3A_98] : memref<2x10240x128xf32, #tpu.memory_space<hbm>> -> memref<1x640x128xf32, #tpu.memory_space<hbm>>
      %dma_wait3A_100 = tpu.memref_squeeze %dma_wait3A_99 : memref<1x640x128xf32, #tpu.memory_space<hbm>> -> memref<640x128xf32, #tpu.memory_space<hbm>>
      %dma_wait3A_101 = arith.constant 0 : i32
      %dma_wait3A_102 = tpu.memref_slice %arg16[%mul3A_2, %dma_wait3A_101] : memref<10240x128xf32, #tpu.memory_space<vmem_shared>> -> memref<640x128xf32, #tpu.memory_space<vmem_shared>>
      tpu.wait_dma2 semaphore(%run_scoped3A_92 : memref<!tpu.dma_semaphore, #tpu.memory_space<semaphore_mem>>) src(%dma_wait3A_102 : memref<640x128xf32, #tpu.memory_space<vmem_shared>>) dst(%dma_wait3A_100 : memref<640x128xf32, #tpu.memory_space<hbm>>)
      tpu.yield
    }) : () -> ()
    "tpu.region"() ({
      %run_scoped3A_92 = tpu.sem_alloc : memref<!tpu.dma_semaphore, #tpu.memory_space<semaphore_mem>>
      %dma_start3A_93 = arith.constant 0 : i32
      %dma_start3A_94 = tpu.memref_slice %arg9[%arg0, %mul3A_2, %dma_start3A_93] : memref<2x10240x8xf32, #tpu.memory_space<hbm>> -> memref<1x640x8xf32, #tpu.memory_space<hbm>>
      %dma_start3A_95 = tpu.memref_squeeze %dma_start3A_94 : memref<1x640x8xf32, #tpu.memory_space<hbm>> -> memref<640x8xf32, #tpu.memory_space<hbm>>
      %dma_start3A_96 = arith.constant 0 : i32
      %dma_start3A_97 = tpu.memref_slice %arg17[%mul3A_2, %dma_start3A_96] : memref<10240x8xf32, #tpu.memory_space<vmem_shared>> -> memref<640x8xf32, #tpu.memory_space<vmem_shared>>
      tpu.enqueue_dma source(%dma_start3A_97 : memref<640x8xf32, #tpu.memory_space<vmem_shared>>) target(%dma_start3A_95 : memref<640x8xf32, #tpu.memory_space<hbm>>) target_semaphore(%run_scoped3A_92 : memref<!tpu.dma_semaphore, #tpu.memory_space<semaphore_mem>>)
      %dma_wait3A_98 = arith.constant 0 : i32
      %dma_wait3A_99 = tpu.memref_slice %arg9[%arg0, %mul3A_2, %dma_wait3A_98] : memref<2x10240x8xf32, #tpu.memory_space<hbm>> -> memref<1x640x8xf32, #tpu.memory_space<hbm>>
      %dma_wait3A_100 = tpu.memref_squeeze %dma_wait3A_99 : memref<1x640x8xf32, #tpu.memory_space<hbm>> -> memref<640x8xf32, #tpu.memory_space<hbm>>
      %dma_wait3A_101 = arith.constant 0 : i32
      %dma_wait3A_102 = tpu.memref_slice %arg17[%mul3A_2, %dma_wait3A_101] : memref<10240x8xf32, #tpu.memory_space<vmem_shared>> -> memref<640x8xf32, #tpu.memory_space<vmem_shared>>
      tpu.wait_dma2 semaphore(%run_scoped3A_92 : memref<!tpu.dma_semaphore, #tpu.memory_space<semaphore_mem>>) src(%dma_wait3A_102 : memref<640x8xf32, #tpu.memory_space<vmem_shared>>) dst(%dma_wait3A_100 : memref<640x8xf32, #tpu.memory_space<hbm>>)
      tpu.yield
    }) : () -> ()
    return
  }
}

module attributes {stable_mosaic.version = 14 : i64} {
  func.func @_dense1_body(%arg0: i32, %arg1: memref<2x1000x128xf32, #tpu.memory_space<vmem>>, %arg2: memref<2x1000x8xf32, #tpu.memory_space<vmem>>, %arg3: memref<1000x128xf32, #tpu.memory_space<vmem>>, %arg4: memref<128x128xf32, #tpu.memory_space<vmem>>, %arg5: memref<1x128xf32, #tpu.memory_space<vmem>>, %arg6: memref<128x128xf32, #tpu.memory_space<vmem>>, %arg7: memref<128x64xf32, #tpu.memory_space<vmem>>, %arg8: memref<1000x128xf32, #tpu.memory_space<vmem>>, %arg9: memref<1000x64xf32, #tpu.memory_space<vmem>>) attributes {dimension_semantics = [#tpu.dimension_semantics<arbitrary>], iteration_bounds = array<i64: 10>, scalar_prefetch = 0 : i64, scratch_operands = 0 : i64, tpu.core_type = #tpu.core_type<tc>, window_params = [{transform_indices = @transform_0, window_bounds = array<i64: 2, 1000, 128>}, {transform_indices = @transform_1, window_bounds = array<i64: 2, 1000, 8>}, {transform_indices = @transform_2, window_bounds = array<i64: 1000, 128>}, {pipeline_mode = #tpu.pipeline_mode<synchronous>, transform_indices = @transform_3, window_bounds = array<i64: 128, 128>}, {pipeline_mode = #tpu.pipeline_mode<synchronous>, transform_indices = @transform_4, window_bounds = array<i64: 1, 128>}, {pipeline_mode = #tpu.pipeline_mode<synchronous>, transform_indices = @transform_5, window_bounds = array<i64: 128, 128>}, {pipeline_mode = #tpu.pipeline_mode<synchronous>, transform_indices = @transform_6, window_bounds = array<i64: 128, 64>}, {transform_indices = @transform_7, window_bounds = array<i64: 1000, 128>}, {transform_indices = @transform_8, window_bounds = array<i64: 1000, 64>}]} {
    %get3A = arith.constant 0 : index
    %get3A_0 = arith.constant 0 : index
    %get3A_1 = arith.constant 0 : index
    %get3A_2 = vector.load %arg2[%get3A, %get3A_0, %get3A_1] : memref<2x1000x8xf32, #tpu.memory_space<vmem>>, vector<2x1000x8xf32>
    %reduce_sum3A = arith.constant dense<0.000000e+00> : vector<1000xf32>
    %reduce_sum3A_3 = vector.multi_reduction <add>, %get3A_2, %reduce_sum3A [0, 2] : vector<2x1000x8xf32> to vector<1000xf32>
    %max3A = arith.constant 1.000000e+00 : f32
    %max3A_4 = vector.broadcast %max3A : f32 to vector<1000xf32>
    %max3A_5 = arith.maximumf %reduce_sum3A_3, %max3A_4 : vector<1000xf32>
    %get3A_6 = arith.constant 0 : index
    %get3A_7 = arith.constant 0 : index
    %get3A_8 = arith.constant 0 : index
    %get3A_9 = vector.load %arg1[%get3A_6, %get3A_7, %get3A_8] : memref<2x1000x128xf32, #tpu.memory_space<vmem>>, vector<1x1000x128xf32>
    %get3A_10 = vector.shape_cast %get3A_9 : vector<1x1000x128xf32> to vector<1000x128xf32>
    %get3A_11 = arith.constant 1 : index
    %get3A_12 = arith.constant 0 : index
    %get3A_13 = arith.constant 0 : index
    %get3A_14 = vector.load %arg1[%get3A_11, %get3A_12, %get3A_13] : memref<2x1000x128xf32, #tpu.memory_space<vmem>>, vector<1x1000x128xf32>
    %get3A_15 = vector.shape_cast %get3A_14 : vector<1x1000x128xf32> to vector<1000x128xf32>
    %add3A = arith.addf %get3A_10, %get3A_15 : vector<1000x128xf32>
    %broadcast_in_dim3A = vector.shape_cast %max3A_5 : vector<1000xf32> to vector<1000x1xf32>
    %div3A = vector.broadcast %broadcast_in_dim3A : vector<1000x1xf32> to vector<1000x128xf32>
    %div3A_16 = arith.divf %add3A, %div3A : vector<1000x128xf32>
    %get3A_17 = arith.constant 0 : index
    %get3A_18 = arith.constant 0 : index
    %get3A_19 = vector.load %arg4[%get3A_17, %get3A_18] : memref<128x128xf32, #tpu.memory_space<vmem>>, vector<128x128xf32>
    %dot_general3A = arith.constant dense<0.000000e+00> : vector<1000x128xf32>
    %dot_general3A_20 = tpu.matmul %div3A_16, %get3A_19, %dot_general3A {dimension_numbers = #tpu.dot_dimension_numbers<[1], [0], [0], [1], [0, 0, 1, 1], [], []>, transpose_lhs_hint = false} : vector<1000x128xf32>, vector<128x128xf32>, vector<1000x128xf32> -> vector<1000x128xf32>
    %get3A_21 = arith.constant 0 : index
    %get3A_22 = arith.constant 0 : index
    %get3A_23 = vector.load %arg5[%get3A_21, %get3A_22] : memref<1x128xf32, #tpu.memory_space<vmem>>, vector<1x128xf32>
    %add3A_24 = vector.broadcast %get3A_23 : vector<1x128xf32> to vector<1000x128xf32>
    %add3A_25 = arith.addf %dot_general3A_20, %add3A_24 : vector<1000x128xf32>
    %get3A_26 = arith.constant 0 : index
    %get3A_27 = arith.constant 0 : index
    %get3A_28 = vector.load %arg3[%get3A_26, %get3A_27] : memref<1000x128xf32, #tpu.memory_space<vmem>>, vector<1000x128xf32>
    %get3A_29 = arith.constant 0 : index
    %get3A_30 = arith.constant 0 : index
    %get3A_31 = vector.load %arg6[%get3A_29, %get3A_30] : memref<128x128xf32, #tpu.memory_space<vmem>>, vector<128x128xf32>
    %dot_general3A_32 = arith.constant dense<0.000000e+00> : vector<1000x128xf32>
    %dot_general3A_33 = tpu.matmul %get3A_28, %get3A_31, %dot_general3A_32 {dimension_numbers = #tpu.dot_dimension_numbers<[1], [0], [0], [1], [0, 0, 1, 1], [], []>, transpose_lhs_hint = false} : vector<1000x128xf32>, vector<128x128xf32>, vector<1000x128xf32> -> vector<1000x128xf32>
    %add3A_34 = arith.addf %add3A_25, %dot_general3A_33 : vector<1000x128xf32>
    %max3A_35 = arith.constant 0.000000e+00 : f32
    %max3A_36 = vector.broadcast %max3A_35 : f32 to vector<1000x128xf32>
    %max3A_37 = arith.maximumf %add3A_34, %max3A_36 : vector<1000x128xf32>
    %swap3A = arith.constant 0 : index
    %swap3A_38 = arith.constant 0 : index
    %swap3A_39 = vector.load %arg8[%swap3A, %swap3A_38] : memref<1000x128xf32, #tpu.memory_space<vmem>>, vector<1000x128xf32>
    tpu.vector_store %arg8[%swap3A, %swap3A_38], %max3A_37 {strides = array<i32>} : memref<1000x128xf32, #tpu.memory_space<vmem>>, vector<1000x128xf32>,
    %get3A_40 = arith.constant 0 : index
    %get3A_41 = arith.constant 0 : index
    %get3A_42 = vector.load %arg7[%get3A_40, %get3A_41] : memref<128x64xf32, #tpu.memory_space<vmem>>, vector<128x64xf32>
    %dot_general3A_43 = arith.constant dense<0.000000e+00> : vector<1000x64xf32>
    %dot_general3A_44 = tpu.matmul %max3A_37, %get3A_42, %dot_general3A_43 {dimension_numbers = #tpu.dot_dimension_numbers<[1], [0], [0], [1], [0, 0, 1, 1], [], []>, transpose_lhs_hint = false} : vector<1000x128xf32>, vector<128x64xf32>, vector<1000x64xf32> -> vector<1000x64xf32>
    %swap3A_45 = arith.constant 0 : index
    %swap3A_46 = arith.constant 0 : index
    %swap3A_47 = vector.load %arg9[%swap3A_45, %swap3A_46] : memref<1000x64xf32, #tpu.memory_space<vmem>>, vector<1000x64xf32>
    tpu.vector_store %arg9[%swap3A_45, %swap3A_46], %dot_general3A_44 {strides = array<i32>} : memref<1000x64xf32, #tpu.memory_space<vmem>>, vector<1000x64xf32>,
    return
  }
  func.func @transform_0(%arg0: i32) -> (i32, i32, i32) {
    %c0_i32 = arith.constant 0 : i32
    %c0_i32_0 = arith.constant 0 : i32
    %c0_i32_1 = arith.constant 0 : i32
    return %c0_i32, %arg0, %c0_i32_0 : i32, i32, i32
  }
  func.func @transform_1(%arg0: i32) -> (i32, i32, i32) {
    %c0_i32 = arith.constant 0 : i32
    %c0_i32_0 = arith.constant 0 : i32
    %c0_i32_1 = arith.constant 0 : i32
    return %c0_i32, %arg0, %c0_i32_0 : i32, i32, i32
  }
  func.func @transform_2(%arg0: i32) -> (i32, i32) {
    %c0_i32 = arith.constant 0 : i32
    %c0_i32_0 = arith.constant 0 : i32
    return %arg0, %c0_i32 : i32, i32
  }
  func.func @transform_3(%arg0: i32) -> (i32, i32) {
    %c0_i32 = arith.constant 0 : i32
    %c0_i32_0 = arith.constant 0 : i32
    %c0_i32_1 = arith.constant 0 : i32
    return %c0_i32, %c0_i32_0 : i32, i32
  }
  func.func @transform_4(%arg0: i32) -> (i32, i32) {
    %c0_i32 = arith.constant 0 : i32
    %c0_i32_0 = arith.constant 0 : i32
    %c0_i32_1 = arith.constant 0 : i32
    return %c0_i32, %c0_i32_0 : i32, i32
  }
  func.func @transform_5(%arg0: i32) -> (i32, i32) {
    %c0_i32 = arith.constant 0 : i32
    %c0_i32_0 = arith.constant 0 : i32
    %c0_i32_1 = arith.constant 0 : i32
    return %c0_i32, %c0_i32_0 : i32, i32
  }
  func.func @transform_6(%arg0: i32) -> (i32, i32) {
    %c0_i32 = arith.constant 0 : i32
    %c0_i32_0 = arith.constant 0 : i32
    %c0_i32_1 = arith.constant 0 : i32
    return %c0_i32, %c0_i32_0 : i32, i32
  }
  func.func @transform_7(%arg0: i32) -> (i32, i32) {
    %c0_i32 = arith.constant 0 : i32
    %c0_i32_0 = arith.constant 0 : i32
    return %arg0, %c0_i32 : i32, i32
  }
  func.func @transform_8(%arg0: i32) -> (i32, i32) {
    %c0_i32 = arith.constant 0 : i32
    %c0_i32_0 = arith.constant 0 : i32
    return %arg0, %c0_i32 : i32, i32
  }
}

module attributes {stable_mosaic.version = 14 : i64} {
  func.func @_dense2_body(%arg0: i32, %arg1: memref<2x1000x64xf32, #tpu.memory_space<vmem>>, %arg2: memref<2x1000x8xf32, #tpu.memory_space<vmem>>, %arg3: memref<1000x128xf32, #tpu.memory_space<vmem>>, %arg4: memref<128x64xf32, #tpu.memory_space<vmem>>, %arg5: memref<1x64xf32, #tpu.memory_space<vmem>>, %arg6: memref<1000x64xf32, #tpu.memory_space<vmem>>) attributes {dimension_semantics = [#tpu.dimension_semantics<arbitrary>], iteration_bounds = array<i64: 10>, scalar_prefetch = 0 : i64, scratch_operands = 0 : i64, tpu.core_type = #tpu.core_type<tc>, window_params = [{transform_indices = @transform_0, window_bounds = array<i64: 2, 1000, 64>}, {transform_indices = @transform_1, window_bounds = array<i64: 2, 1000, 8>}, {transform_indices = @transform_2, window_bounds = array<i64: 1000, 128>}, {pipeline_mode = #tpu.pipeline_mode<synchronous>, transform_indices = @transform_3, window_bounds = array<i64: 128, 64>}, {pipeline_mode = #tpu.pipeline_mode<synchronous>, transform_indices = @transform_4, window_bounds = array<i64: 1, 64>}, {transform_indices = @transform_5, window_bounds = array<i64: 1000, 64>}]} {
    %get3A = arith.constant 0 : index
    %get3A_0 = arith.constant 0 : index
    %get3A_1 = arith.constant 0 : index
    %get3A_2 = vector.load %arg2[%get3A, %get3A_0, %get3A_1] : memref<2x1000x8xf32, #tpu.memory_space<vmem>>, vector<2x1000x8xf32>
    %reduce_sum3A = arith.constant dense<0.000000e+00> : vector<1000xf32>
    %reduce_sum3A_3 = vector.multi_reduction <add>, %get3A_2, %reduce_sum3A [0, 2] : vector<2x1000x8xf32> to vector<1000xf32>
    %max3A = arith.constant 1.000000e+00 : f32
    %max3A_4 = vector.broadcast %max3A : f32 to vector<1000xf32>
    %max3A_5 = arith.maximumf %reduce_sum3A_3, %max3A_4 : vector<1000xf32>
    %get3A_6 = arith.constant 0 : index
    %get3A_7 = arith.constant 0 : index
    %get3A_8 = arith.constant 0 : index
    %get3A_9 = vector.load %arg1[%get3A_6, %get3A_7, %get3A_8] : memref<2x1000x64xf32, #tpu.memory_space<vmem>>, vector<1x1000x64xf32>
    %get3A_10 = vector.shape_cast %get3A_9 : vector<1x1000x64xf32> to vector<1000x64xf32>
    %get3A_11 = arith.constant 1 : index
    %get3A_12 = arith.constant 0 : index
    %get3A_13 = arith.constant 0 : index
    %get3A_14 = vector.load %arg1[%get3A_11, %get3A_12, %get3A_13] : memref<2x1000x64xf32, #tpu.memory_space<vmem>>, vector<1x1000x64xf32>
    %get3A_15 = vector.shape_cast %get3A_14 : vector<1x1000x64xf32> to vector<1000x64xf32>
    %add3A = arith.addf %get3A_10, %get3A_15 : vector<1000x64xf32>
    %broadcast_in_dim3A = vector.shape_cast %max3A_5 : vector<1000xf32> to vector<1000x1xf32>
    %div3A = vector.broadcast %broadcast_in_dim3A : vector<1000x1xf32> to vector<1000x64xf32>
    %div3A_16 = arith.divf %add3A, %div3A : vector<1000x64xf32>
    %get3A_17 = arith.constant 0 : index
    %get3A_18 = arith.constant 0 : index
    %get3A_19 = vector.load %arg5[%get3A_17, %get3A_18] : memref<1x64xf32, #tpu.memory_space<vmem>>, vector<1x64xf32>
    %add3A_20 = vector.broadcast %get3A_19 : vector<1x64xf32> to vector<1000x64xf32>
    %add3A_21 = arith.addf %div3A_16, %add3A_20 : vector<1000x64xf32>
    %get3A_22 = arith.constant 0 : index
    %get3A_23 = arith.constant 0 : index
    %get3A_24 = vector.load %arg3[%get3A_22, %get3A_23] : memref<1000x128xf32, #tpu.memory_space<vmem>>, vector<1000x128xf32>
    %get3A_25 = arith.constant 0 : index
    %get3A_26 = arith.constant 0 : index
    %get3A_27 = vector.load %arg4[%get3A_25, %get3A_26] : memref<128x64xf32, #tpu.memory_space<vmem>>, vector<128x64xf32>
    %dot_general3A = arith.constant dense<0.000000e+00> : vector<1000x64xf32>
    %dot_general3A_28 = tpu.matmul %get3A_24, %get3A_27, %dot_general3A {dimension_numbers = #tpu.dot_dimension_numbers<[1], [0], [0], [1], [0, 0, 1, 1], [], []>, transpose_lhs_hint = false} : vector<1000x128xf32>, vector<128x64xf32>, vector<1000x64xf32> -> vector<1000x64xf32>
    %add3A_29 = arith.addf %add3A_21, %dot_general3A_28 : vector<1000x64xf32>
    %reduce_max3A = arith.constant dense<0xFF800000> : vector<1000xf32>
    %reduce_max3A_30 = vector.multi_reduction <maximumf>, %add3A_29, %reduce_max3A [1] : vector<1000x64xf32> to vector<1000xf32>
    %broadcast_in_dim3A_31 = vector.shape_cast %reduce_max3A_30 : vector<1000xf32> to vector<1000x1xf32>
    %sub3A = vector.broadcast %broadcast_in_dim3A_31 : vector<1000x1xf32> to vector<1000x64xf32>
    %sub3A_32 = arith.subf %add3A_29, %sub3A : vector<1000x64xf32>
    %exp3A = math.exp %sub3A_32 : vector<1000x64xf32>
    %reduce_sum3A_33 = arith.constant dense<0.000000e+00> : vector<1000xf32>
    %reduce_sum3A_34 = vector.multi_reduction <add>, %exp3A, %reduce_sum3A_33 [1] : vector<1000x64xf32> to vector<1000xf32>
    %broadcast_in_dim3A_35 = vector.shape_cast %reduce_sum3A_34 : vector<1000xf32> to vector<1000x1xf32>
    %log3A = math.log %broadcast_in_dim3A_35 : vector<1000x1xf32>
    %add3A_36 = arith.addf %log3A, %broadcast_in_dim3A_31 : vector<1000x1xf32>
    %sub3A_37 = vector.broadcast %add3A_36 : vector<1000x1xf32> to vector<1000x64xf32>
    %sub3A_38 = arith.subf %add3A_29, %sub3A_37 : vector<1000x64xf32>
    %swap3A = arith.constant 0 : index
    %swap3A_39 = arith.constant 0 : index
    %swap3A_40 = vector.load %arg6[%swap3A, %swap3A_39] : memref<1000x64xf32, #tpu.memory_space<vmem>>, vector<1000x64xf32>
    tpu.vector_store %arg6[%swap3A, %swap3A_39], %sub3A_38 {strides = array<i32>} : memref<1000x64xf32, #tpu.memory_space<vmem>>, vector<1000x64xf32>,
    return
  }
  func.func @transform_0(%arg0: i32) -> (i32, i32, i32) {
    %c0_i32 = arith.constant 0 : i32
    %c0_i32_0 = arith.constant 0 : i32
    %c0_i32_1 = arith.constant 0 : i32
    return %c0_i32, %arg0, %c0_i32_0 : i32, i32, i32
  }
  func.func @transform_1(%arg0: i32) -> (i32, i32, i32) {
    %c0_i32 = arith.constant 0 : i32
    %c0_i32_0 = arith.constant 0 : i32
    %c0_i32_1 = arith.constant 0 : i32
    return %c0_i32, %arg0, %c0_i32_0 : i32, i32, i32
  }
  func.func @transform_2(%arg0: i32) -> (i32, i32) {
    %c0_i32 = arith.constant 0 : i32
    %c0_i32_0 = arith.constant 0 : i32
    return %arg0, %c0_i32 : i32, i32
  }
  func.func @transform_3(%arg0: i32) -> (i32, i32) {
    %c0_i32 = arith.constant 0 : i32
    %c0_i32_0 = arith.constant 0 : i32
    %c0_i32_1 = arith.constant 0 : i32
    return %c0_i32, %c0_i32_0 : i32, i32
  }
  func.func @transform_4(%arg0: i32) -> (i32, i32) {
    %c0_i32 = arith.constant 0 : i32
    %c0_i32_0 = arith.constant 0 : i32
    %c0_i32_1 = arith.constant 0 : i32
    return %c0_i32, %c0_i32_0 : i32, i32
  }
  func.func @transform_5(%arg0: i32) -> (i32, i32) {
    %c0_i32 = arith.constant 0 : i32
    %c0_i32_0 = arith.constant 0 : i32
    return %arg0, %c0_i32 : i32, i32
  }
}

</mosaic_0001>

<sc_bundles>
// kernel: kernel.6.cloned.1.call-start
scs
__scs_entry_jumppad:
0x0: {  	(pc) =	sbr.rel $0x88, $3  }
0x1: {  	(tag) =	ssettag $0x0;
	lr =	simm.s32 $0x1  }
0x2: {  	[smem:$0x3F99] =	sst lr;
	_ =	strace $0xD0000000  }
0x3: {  	_ = 	snop  }
0x4: {  	_ = 	snop  }
0x5: {  	_ = 	snop  }
0x6: {  	_ = 	snop  }
0x7: {  	_ = 	snop  }
__scs_overlays_trampoline_lowered:
0x8: {  	[smem:$0x3FA8] =	sst s0  }
0x9: {  	[smem:$0x3FA9] =	sst s1  }
0xa: {  	[smem:$0x3FAA] =	sst s2  }
0xb: {  	[smem:$0x3FAB] =	sst s3  }
0xc: {  	[smem:$0x3FAC] =	sst s4  }
0xd: {  	[smem:$0x3FAD] =	sst s5  }
0xe: {  	[smem:$0x3FAE] =	sst s6  }
0xf: {  	[smem:$0x3FAF] =	sst s7  }
0x10: {  	[smem:$0x3FB0] =	sst s8  }
0x11: {  	[smem:$0x3FB1] =	sst s9;
	s0 =	simm.s32 @!p0 $0x0  }
0x12: {  	s1 =	sld [smem:$0x3F97];
	s0 =	simm.s32 @p0 $0x1  }
0x13: {  	[smem:$0x3FB2] =	sst s0;
	s0 =	simm.s32 @!p1 $0x0  }
0x14: {  	s2 =	sld [smem:$0x3F96];
	s0 =	simm.s32 @p1 $0x1  }
0x15: {  	[smem:$0x3FB3] =	sst s0;
	s0 =	simm.s32 @!p2 $0x0  }
0x16: {  	s3 =	sld [smem:$0x3FDB];
	s0 =	simm.s32 @p2 $0x1  }
0x17: {  	s4 =	simm.s32 $0x1BF5;
	[smem:$0x3FB5] =	sst s0  }
0x18: {  	s0 =	sld [smem:$0x3F98];
	_ =	swait.ge [sflag:s4], $0x0  }
0x19: {  	s7 =	sld [smem:$0x3F99]  }
0x1a: {  	s8 =	sadd.s32 $0xFFFFE003, lr  }
0x1b: {  	s9 =	sadd.s32 $0xFFFFFEF7, lr;
	s5 =	simm.s32 $0xFFFFFFFF;
	p2 =	slt.u32 s8, $0xFFFFF086  }
0x1c: {  	p1 =	slt.u32 s9, $0xF7A;
	s5 =	simm.s32 @!p2 $0x0  }
0x1d: {  	s5 =	simm.s32 @p1 $0x1;
	p0 =	seq.s32 s7, s2  }
0x1e: {  	s7 =	smul.u32 @!p0 $0xF7A, s2;
	p2 =	seq.s32 @!p0 s5, $0x0  }
0x1f: {  	s9 =	smul.u32 $0xF7A, s1;
	s8 =	simm.s32 @!p0 $0x1BF5;
	p2 =	por !p2, p0  }
0x20: {  	[sflag:s8] =	ssyncset.s32 @!p0 $0xFFFFF086;
	s6 =	sadd.s32 @!p0 s3, s7;
	s7 =	simm.s32 @!p0 $0x108  }
0x21: {  	s3 =	sadd.s32 s3, s9;
	s6 =	sadd.s32 @!p0 $0x88, s6;
	s7 =	simm.s32 @p2 $0x1082  }
0x22: {  	[simem:s7], [sflag:s8] =	dma.local @!p0 [hbm:s6], $0xF7A  }
0x23: {  	s9 =	sor.u32 $0xD0000000, s2;
	s6 =	simm.s32 $0x108;
	_ =	swait.ge @!p0 [sflag:s8], $0x0  }
0x24: {  	s3 =	sadd.s32 $0x88, s3;
	s6 =	simm.s32 @!p1 $0x1082;
	[sflag:s4] =	ssyncset.s32 $0xFFFFF086  }
0x25: {  	[simem:s6], [sflag:s4] =	dma.local [hbm:s3], $0xF7A  }
0x26: {  	[smem:$0x3F99] =	sst s1;
	(tag) =	ssettag s2;
	_ =	strace s9  }
0x27: {  	s1 =	sld [smem:$0x3FA9]  }
0x28: {  	s2 =	sld [smem:$0x3FAA]  }
0x29: {  	s4 =	sld [smem:$0x3FAC]  }
0x2a: {  	p0 =	seq.s32 s5, $0x0;
	s5 =	sld [smem:$0x3FAD]  }
0x2b: {  	s6 =	sld [smem:$0x3FAE]  }
0x2c: {  	s7 =	sld [smem:$0x3FAF]  }
0x2d: {  	s3 =	simm.s32 $0x108;
	s8 =	sld [smem:$0x3FB0]  }
0x2e: {  	s3 =	simm.s32 @!p0 $0x1082;
	s9 =	sld [smem:$0x3FB1]  }
0x2f: {  	lr =	sadd.s32 s0, s3;
	s0 =	sld [smem:$0x3FA8]  }
0x30: {  	s3 =	sld [smem:$0x3FAB]  }
0x31: {  	[smem:$0x3FB4] =	sst s10  }
0x32: {  	s10 =	sld [smem:$0x3FB2];
	_ =	sdelay $0x3  }
0x33: {  	p0 =	seq.s32 s10, $0x1;
	s10 =	sld [smem:$0x3FB4];
	_ =	sdelay $0x3  }
0x34: {  	[smem:$0x3FB4] =	sst s10  }
0x35: {  	s10 =	sld [smem:$0x3FB3];
	_ =	sdelay $0x3  }
0x36: {  	p1 =	seq.s32 s10, $0x1;
	s10 =	sld [smem:$0x3FB4];
	_ =	sdelay $0x3  }
0x37: {  	[smem:$0x3FB4] =	sst s10  }
0x38: {  	s10 =	sld [smem:$0x3FB5]  }
0x39: {  	_ = 	snop;
	(pc) =	sbr.ind lr, $3  }
0x3a: {  	_ = 	snop  }
0x3b: {  	_ = 	snop  }
0x3c: {  	p2 =	seq.s32 s10, $0x1;
	s10 =	sld [smem:$0x3FB4]  }
0x3d: {  	_ =	shalt  }
0x3e: {  	_ =	shalt  }
0x3f: {  	_ =	shalt  }
0x40: {  	_ =	shalt  }
0x41: {  	_ =	shalt  }
0x42: {  	_ =	shalt  }
0x43: {  	_ =	shalt  }
0x44: {  	_ =	shalt  }
0x45: {  	_ =	shalt  }
0x46: {  	_ =	shalt  }
0x47: {  	_ =	shalt  }
0x48: {  	_ =	shalt  }
0x49: {  	_ =	shalt  }
0x4a: {  	_ =	shalt  }
0x4b: {  	_ =	shalt  }
0x4c: {  	_ =	shalt  }
0x4d: {  	_ =	shalt  }
0x4e: {  	_ =	shalt  }
0x4f: {  	_ =	shalt  }
0x50: {  	_ =	shalt  }
0x51: {  	_ =	shalt  }
0x52: {  	_ =	shalt  }
0x53: {  	_ =	shalt  }
0x54: {  	_ =	shalt  }
0x55: {  	_ =	shalt  }
0x56: {  	_ =	shalt  }
0x57: {  	_ =	shalt  }
0x58: {  	_ =	shalt  }
0x59: {  	_ =	shalt  }
0x5a: {  	_ =	shalt  }
0x5b: {  	_ =	shalt  }
0x5c: {  	_ =	shalt  }
0x5d: {  	_ =	shalt  }
0x5e: {  	_ =	shalt  }
0x5f: {  	_ =	shalt  }
0x60: {  	_ =	shalt  }
0x61: {  	_ =	shalt  }
0x62: {  	_ =	shalt  }
0x63: {  	_ =	shalt  }
0x64: {  	_ =	shalt  }
0x65: {  	_ =	shalt  }
0x66: {  	_ =	shalt  }
0x67: {  	_ =	shalt  }
0x68: {  	_ =	shalt  }
0x69: {  	_ =	shalt  }
0x6a: {  	_ =	shalt  }
0x6b: {  	_ =	shalt  }
0x6c: {  	_ =	shalt  }
0x6d: {  	_ =	shalt  }
0x6e: {  	_ =	shalt  }
0x6f: {  	_ =	shalt  }
0x70: {  	_ =	shalt  }
0x71: {  	_ =	shalt  }
0x72: {  	_ =	shalt  }
0x73: {  	_ =	shalt  }
0x74: {  	_ =	shalt  }
0x75: {  	_ =	shalt  }
0x76: {  	_ =	shalt  }
0x77: {  	_ =	shalt  }
0x78: {  	_ =	shalt  }
0x79: {  	_ =	shalt  }
0x7a: {  	_ =	shalt  }
0x7b: {  	_ =	shalt  }
0x7c: {  	_ =	shalt  }
0x7d: {  	_ =	shalt  }
0x7e: {  	_ =	shalt  }
0x7f: {  	_ =	shalt  }
0x80: {  	_ =	shalt  }
0x81: {  	_ =	shalt  }
0x82: {  	_ =	shalt  }
0x83: {  	_ =	shalt  }
0x84: {  	_ =	shalt  }
0x85: {  	_ =	shalt  }
0x86: {  	_ =	shalt  }
0x87: {  	_ =	shalt  }
.Lfunc_end0:
.L_simem_size_0:
called_computation_lowered:
.L_overlay_start_0:
0x88: {  	s2 =	sld [smem:$0x3FD9]  }
0x89: {  	s3 =	sld [smem:$0x3FFE];
	_ =	sdelay $0x1  }
0x8a: {  	s1 =	srdreg.scid  }
0x8b: {  	s0 =	sand.u32 $0x1, s1  }
0x8c: {  	s17 =	sshll.u32 s0, $0xA;
	s2 =	sadd.s32 s3, s2  }
0x8d: {  	s2 =	sadd.s32 s2, s17  }
0x8e: {  	[smem:$0x3FC0] =	sst s2  }
0x8f: {  	_ = 	snop  }
0x90: {  	s2 =	sld [smem:$0x3FC9]  }
0x91: {  	s18 =	sld [smem:$0x3FD0];
	(tm) =	ssettm $0x1  }
0x92: {  	s4 =	sld [smem:$0x3FFB];
	_ =	sdelay $0x3  }
0x93: {  	_ =	strace s4  }
0x94: {  	s4 =	sld [smem:$0x3FFC];
	_ =	sdelay $0x3  }
0x95: {  	_ =	strace s4  }
0x96: {  	s4 =	sld [smem:$0x3FFD];
	_ =	sdelay $0x3  }
0x97: {  	_ =	strace s4  }
0x98: {  	_ =	strace $0x8FFFFFFF  }
0x99: {  	s19 =	sld [smem:$0x3FDB];
	_ =	sdelay $0x1  }
0x9a: {  	s5 =	simm.s32 $_scs_section_size  }
0x9b: {  	s6 =	simm.s32 $_size__tile_overlayer_lowered;
	s7 =	simm.s32 $_tile_overlayer_lowered  }
0x9c: {  	s22 =	simm.s32 $0x1BFF;
	s21 =	sshll.u32 s7, $0x1;
	s4 =	sadd.s32 s5, s19  }
0x9d: {  	s8 =	simm.s32 $0x0;
	s20 =	sshll.u32 s6, $0x1;
	s6 =	sadd.s32 s21, s4  }
0x9e: {  	[timem:s8], [sflag:s22] =	dma.local [hbm:s6], s20  }
0x9f: {  	_ =	swait.ge [sflag:s22], s20  }
0xa0: {  	s5 =	ssub.s32 $0x0, s20;
	[sflag:s22] =	ssyncset.done $0x0  }
0xa1: {  	[sflag:s22] =	ssyncadd.s32 s5;
	_ =	sdelay $0x1  }
0xa2: {  	s23 =	simm.s32 $0x1B8B  }
0xa3: {  	_ =	swait.ge [sflag:s23], $0x1  }
0xa4: {  	[sflag:s23] =	ssyncset.done $0x0  }
0xa5: {  	s25 =	simm.s32 $0x1B8E;
	s24 =	sld [smem:$0x3FFE];
	[sflag:s23] =	ssyncadd.s32 $0xFFFFFFFF  }
0xa6: {  	s26 =	simm.s32 $execute0_lowered;
	[smem:$0x3FD2] =	sst s25  }
0xa7: {  	s6 =	sshll.u32 s26, $0x1;
	_ =	strace $0x80000046;
	[dreg:$0x1] =	wrdreg $0xFFFFFFFF  }
0xa8: {  	s28 =	simm.s32 $_size_execute0_lowered;
	s4 =	sadd.s32 s4, s6;
	[dreg:$0x0] =	wrdreg $0x0  }
0xa9: {  	s6 =	sshll.u32 s28, $0x1;
	[dreg:$0x2] =	wrdreg s4  }
0xaa: {  	[dreg:$0x3] =	wrdreg s6  }
0xab: {  	[dreg:$0x4] =	wrdreg $0xC0  }
0xac: {  	_ =	task [dreg:s8], $0x5FFFF  }
0xad: {  	[dreg:$0x1] =	wrdreg $0xFFFFFFFF  }
0xae: {  	[dreg:$0x0] =	wrdreg $0x60  }
0xaf: {  	[dreg:$0x2] =	wrdreg s2  }
0xb0: {  	[dreg:$0x3] =	wrdreg s24  }
0xb1: {  	[dreg:$0x4] =	wrdreg s18  }
0xb2: {  	[dreg:$0x5] =	wrdreg $0xA1E00  }
0xb3: {  	[dreg:$0x6] =	wrdreg $0x1E1E00  }
0xb4: {  	[dreg:$0x7] =	wrdreg $0x9  }
0xb5: {  	_ =	task.clear_ibuf [dreg:s8], $0x8FFFF;
	_ =	strace $0x90000046  }
0xb6: {  	s29 =	simm.s32 $0x9;
	_ =	strace $0x80000048  }
0xb7: {  	_ =	swait.ge [sflag:s29], $0x1  }
0xb8: {  	[sflag:s29] =	ssyncadd.s32 $0xFFFFFFFF  }
0xb9: {  	_ =	strace $0x90000048  }
0xba: {  	_ =	sfence  }
0xbb: {  	s30 =	sld [smem:$0x0];
	_ =	sdelay $0x2  }
0xbc: {  	s31 =	sshll.u32 s1, $0xD;
	s1 =	sshrl.u32 s1, $0x2  }
0xbd: {  	s3 =	sand.u32 $0x4000, s31;
	s1 =	sadd.s32 s1, s30  }
0xbe: {  	s0 =	sor.u32 s3, s0;
	s1 =	sshll.u32 s1, $0x11  }
0xbf: {  	s0 =	sor.u32 s1, s0  }
0xc0: {  	s0 =	sadd.s32 $0x8F2B, s0  }
0xc1: {  	[sflag:s0] =	ssyncadd.remote.s32 $0x1  }
0xc2: {  	_ =	sfence.sel $0xFFFF  }
0xc3: {  	[dreg:$0x0] =	wrdreg $0xFFFFFFFF;
	(pc) =	sbr.abs _section_cstart, $3  }
0xc4: {  	[dreg:$0x1] =	wrdreg $0xFFFFFFFF  }
0xc5: {  	_ =	task.clear_ibuf [dreg:s8], $0x2FFFF;
	_ =	strace $0x9FFFFFFF  }
0xc6: {  	(tm) =	ssettm $0x7FFFFFFF  }
0xc7: {  	_ =	shalt  }
tec
execute0_lowered:
.L_overlay_start_1:
0x0: {  	(tag) =	ssettag $0x1  }
0x1: {  	s1 =	rddreg [dreg:$0x0]  }
0x2: {  	s0 =	rddreg [dreg:$0x1]  }
0x3: {  	s2 =	rddreg [dreg:$0x2]  }
0x4: {  	s3 =	rddreg [dreg:$0x3]  }
0x5: {  	s4 =	rddreg [dreg:$0x4];
	s5 =	simm.s32 $0x0  }
0x6: {  	s18 =	stileid.u32;
	s8 =	srdreg.scid;
	s28 =	simm.s32 $0x2  }
0x7: {  	s29 =	simm.s32 $0x3;
	s31 =	simm.s32 $0x2670;
	s6 =	smul.u32 $0x14000, s18  }
0x8: {  	s30 =	simm.s32 $0x0;
	[smem:$0x7FF] =	sst s5;
	s7 =	smul.u32 $0x1400, s18  }
0x9: {  	s9 =	sadd.s32 $0xB200, s0;
	s10 =	sand.u32 $0x1, s8;
	s13 =	sadd.s32 $0x1400, s0  }
0xa: {  	s14 =	sadd.s32 $0x15000, s0;
	s23 =	sshll.u32 s18, $0x6;
	_ =	strace $0x80000047  }
0xb: {  	s12 =	smul.u32 $0x140000, s10;
	[dreg:$0x6] =	wrdreg s14;
	s21 =	ssub.s32 $0x2, s10  }
0xc: {  	s16 =	sshll.u32 s10, $0x4;
	s10 =	smul.u32 $0x14000, s10;
	s20 =	sshrl.u32 s6, $0x3  }
0xd: {  	s11 =	sshrl.u32 s7, $0x3;
	s15 =	sshrl.u32 s21, $0x1;
	s22 =	sor.u32 s18, s16  }
0xe: {  	s19 =	sadd.s32 s7, s4;
	s18 =	simm.s32 $0x4;
	s8 =	sadd.s32 s20, s0  }
0xf: {  	s11 =	sadd.s32 s11, s0;
	s12 =	sadd.s32 s6, s12;
	s17 =	ssub.s32 s21, s15  }
0x10: {  	s6 =	sadd.s32 s6, s3;
	s7 =	sadd.s32 s7, s10;
	s19 =	sshrl.u32 s19, $0x3  }
0x11: {  	s20 =	simm.s32 $0x9F60;
	s21 =	simm.s32 $0x13B0;
	s12 =	sshrl.u32 s12, $0x3  }
0x12: {  	s8 =	sadd.s32 $0x15200, s8;
	s11 =	sadd.s32 $0x3D200, s11;
	s7 =	sshrl.u32 s7, $0x3  }
0x13: {  	s16 =	smax.u32 s17, $0x1;
	s17 =	sshrl.u32 s6, $0x3;
	s0 =	sadd.s32 s12, s0  }
0x14: {  	s12 =	smul.u32 $0x2710, s22;
	[dreg:$0x7] =	wrdreg s8;
	s8 =	sor.u32 $0x1C04, s23  }
0x15: {  	[dreg:$0x8] =	wrdreg s11;
	s15 =	sadd.s32 s2, s7;
	s22 =	simm.s32 $0x50  }
0x16: {  	s23 =	simm.s32 $0x2760;
	s2 =	simm.s32 $0x2710;
	s24 =	sshrl.u32 s12, $0x3  }
0x17: {  	s14 =	sadd.s32 $0x3FA00, s0;
	s0 =	simm.s32 $0x26C0;
	s12 =	sadd.s32 s9, s24  }
0x18: {  	s25 =	sadd.s32 $0x276, s24;
	s26 =	sadd.s32 s13, s24;
	[dreg:$0x9] =	wrdreg s12  }
0x19: {  	s24 =	simm.s32 $0x4F60;
	[dreg:$0xa] =	wrdreg s26;
	s12 =	sadd.s32 s9, s25  }
0x1a: {  	s13 =	sadd.s32 s13, s25;
	s25 =	simm.s32 $0x7760;
	s26 =	simm.s32 $0x1  }
.LBB2_1:
0x1b: {  	s6 =	rddreg [dreg:$0x7]  }
0x1c: {  	[spmem:s17], [sflag:s8] =	dma.local [hbm:s6], $0x2800  }
0x1d: {  	_ =	swait.ge [sflag:s18], $0x2800  }
0x1e: {  	[sflag:s18] =	ssyncset.done $0x0  }
0x1f: {  	s10 =	rddreg [dreg:$0x8];
	[sflag:s18] =	ssyncadd.s32 $0xFFFFD800  }
0x20: {  	[spmem:s19], [sflag:s8] =	dma.local [hbm:s10], $0x280  }
0x21: {  	_ =	swait.ge [sflag:s18], $0x280  }
0x22: {  	[sflag:s18] =	ssyncset.done $0x0  }
0x23: {  	s11 =	rddreg [dreg:$0x6];
	[sflag:s18] =	ssyncadd.s32 $0xFFFFFD80  }
0x24: {  	[tilespmem:s20], [sflag:$0x4] =	stream.linear.gather [hbm4b:s11+s5], $0x280, $0x38;
	[tilespmem:$0x1F5E0] =	vst v63  }
0x25: {  	_ =	swait.ge [sflag:s18], $0x280  }
0x26: {  	[sflag:s18] =	ssyncset.done $0x0  }
0x27: {  	[sflag:s18] =	ssyncadd.s32 $0xFFFFFD80  }
0x28: {  	[bflag:$0x0] =	sbarrier.arrive $0xFFFF  }
0x29: {  	s7 =	rddreg [dreg:$0x9]  }
0x2a: {  	[tilespmem:s5], [sflag:$0x4] =	stream.linear.gather [hbm4b:s7+s5], $0x13B0, $0x38;
	[tilespmem:$0x1F5E0] =	vst v63  }
0x2b: {  	_ =	swait.ge [sflag:s18], $0x13B0  }
0x2c: {  	[sflag:s18] =	ssyncset.done $0x0  }
0x2d: {  	s9 =	rddreg [dreg:$0xa];
	[sflag:s18] =	ssyncadd.s32 $0xFFFFEC50  }
0x2e: {  	[tilespmem:s21], [sflag:$0x4] =	stream.linear.gather [hbm4b:s9+s5], $0x13B0, $0x38;
	[tilespmem:$0x1F5E0] =	vst v63  }
0x2f: {  	_ =	swait.ge [sflag:s18], $0x13B0  }
0x30: {  	[sflag:s18] =	ssyncset.done $0x0  }
0x31: {  	[sflag:s18] =	ssyncadd.s32 $0xFFFFEC50  }
0x32: {  	[tilespmem:s23], [sflag:$0x1] =	stream.indirect.gather [hbm4b:s1+s22], $0x80, s5, s22, $0xb8;
	[tilespmem:$0x1F5E0] =	vst v63  }
0x33: {  	_ = 	snop  }
0x34: {  	[tilespmem:s24], [sflag:$0x2] =	stream.indirect.gather [hbm4b:s1+s22], $0x80, s22, s22, $0xb8;
	[tilespmem:$0x1F5E0] =	vst v63  }
0x35: {  	s10 =	simm.s32 $0xA0  }
0x36: {  	[tilespmem:s25], [sflag:$0x3] =	stream.indirect.gather [hbm4b:s1+s22], $0x80, s10, s22, $0xb8;
	[tilespmem:$0x1F5E0] =	vst v63  }
0x37: {  	s11 =	simm.s32 $0x13B0  }
0x38: {  	[spmem:s4] =	stream.indirect.scatter.add.f32 [tilespmem:s20], [sflag:$0x4], $0x8, s11, s22, $0xb8;
	[tilespmem:$0x1F5E0] =	vst v63  }
0x39: {  	_ =	swait.ge [sflag:s18], $0x280  }
0x3a: {  	[sflag:s18] =	ssyncset.done $0x0  }
0x3b: {  	[sflag:s18] =	ssyncadd.s32 $0xFFFFFD80  }
0x3c: {  	_ =	swait.ge [sflag:s26], $0x2800  }
0x3d: {  	[sflag:s26] =	ssyncset.done $0x0  }
0x3e: {  	[sflag:s26] =	ssyncadd.s32 $0xFFFFD800  }
0x3f: {  	[spmem:s3] =	stream.indirect.scatter.add.f32 [tilespmem:s23], [sflag:$0x4], $0x80, s11, s22, $0xb8;
	[tilespmem:$0x1F5E0] =	vst v63  }
0x40: {  	_ =	swait.ge [sflag:s18], $0x2800  }
0x41: {  	[sflag:s18] =	ssyncset.done $0x0  }
0x42: {  	s7 =	simm.s32 $0xF0;
	[sflag:s18] =	ssyncadd.s32 $0xFFFFD800  }
0x43: {  	[tilespmem:s23], [sflag:$0x1] =	stream.indirect.gather [hbm4b:s1+s22], $0x80, s7, s22, $0xb8;
	[tilespmem:$0x1F5E0] =	vst v63  }
0x44: {  	s9 =	simm.s32 $0x1400  }
0x45: {  	[spmem:s4] =	stream.indirect.scatter.add.f32 [tilespmem:s20], [sflag:$0x4], $0x8, s9, s22, $0xb8;
	[tilespmem:$0x1F5E0] =	vst v63  }
0x46: {  	_ =	swait.ge [sflag:s18], $0x280  }
0x47: {  	[sflag:s18] =	ssyncset.done $0x0  }
0x48: {  	[sflag:s18] =	ssyncadd.s32 $0xFFFFFD80  }
0x49: {  	_ =	swait.ge [sflag:s28], $0x2800  }
0x4a: {  	[sflag:s28] =	ssyncset.done $0x0  }
0x4b: {  	[sflag:s28] =	ssyncadd.s32 $0xFFFFD800  }
0x4c: {  	[spmem:s3] =	stream.indirect.scatter.add.f32 [tilespmem:s24], [sflag:$0x4], $0x80, s9, s22, $0xb8;
	[tilespmem:$0x1F5E0] =	vst v63  }
0x4d: {  	_ =	swait.ge [sflag:s18], $0x2800  }
0x4e: {  	[sflag:s18] =	ssyncset.done $0x0  }
0x4f: {  	s10 =	simm.s32 $0x140;
	[sflag:s18] =	ssyncadd.s32 $0xFFFFD800  }
0x50: {  	[tilespmem:s24], [sflag:$0x2] =	stream.indirect.gather [hbm4b:s1+s22], $0x80, s10, s22, $0xb8;
	[tilespmem:$0x1F5E0] =	vst v63  }
0x51: {  	s11 =	simm.s32 $0x1450  }
0x52: {  	[spmem:s4] =	stream.indirect.scatter.add.f32 [tilespmem:s20], [sflag:$0x4], $0x8, s11, s22, $0xb8;
	[tilespmem:$0x1F5E0] =	vst v63  }
0x53: {  	_ =	swait.ge [sflag:s18], $0x280  }
0x54: {  	[sflag:s18] =	ssyncset.done $0x0  }
0x55: {  	[sflag:s18] =	ssyncadd.s32 $0xFFFFFD80  }
0x56: {  	_ =	swait.ge [sflag:s29], $0x2800  }
0x57: {  	[sflag:s29] =	ssyncset.done $0x0  }
0x58: {  	[sflag:s29] =	ssyncadd.s32 $0xFFFFD800  }
0x59: {  	[spmem:s3] =	stream.indirect.scatter.add.f32 [tilespmem:s25], [sflag:$0x4], $0x80, s11, s22, $0xb8;
	[tilespmem:$0x1F5E0] =	vst v63  }
0x5a: {  	_ =	swait.ge [sflag:s18], $0x2800  }
0x5b: {  	s6 =	simm.s32 $0xF0;
	s7 =	simm.s32 $0x780;
	[sflag:s18] =	ssyncset.done $0x0  }
.LBB2_2:
0x5c: {  	s11 =	sadd.s32 $0xA0, s6  }
0x5d: {  	[sflag:s18] =	ssyncadd.s32 $0xFFFFD800;
	s9 =	smov.u32 s7;
	s10 =	sadd.s32 $0x3C0, s7  }
0x5e: {  	[tilespmem:s25], [sflag:$0x3] =	stream.indirect.gather [hbm4b:s1+s22], $0x80, s11, s22, $0xb8;
	[tilespmem:$0x1F5E0] =	vst v63  }
0x5f: {  	p0 =	sne.s32 s7, $0x4740;
	s7 =	sadd.s32 $0x13B0, s6  }
0x60: {  	[spmem:s4] =	stream.indirect.scatter.add.f32 [tilespmem:s20], [sflag:$0x4], $0x8, s7, s22, $0xb8;
	[tilespmem:$0x1F5E0] =	vst v63  }
0x61: {  	_ =	swait.ge [sflag:s18], $0x280  }
0x62: {  	[sflag:s18] =	ssyncset.done $0x0  }
0x63: {  	[sflag:s18] =	ssyncadd.s32 $0xFFFFFD80  }
0x64: {  	_ =	swait.ge [sflag:s26], $0x2800  }
0x65: {  	[sflag:s26] =	ssyncset.done $0x0  }
0x66: {  	[sflag:s26] =	ssyncadd.s32 $0xFFFFD800  }
0x67: {  	[spmem:s3] =	stream.indirect.scatter.add.f32 [tilespmem:s23], [sflag:$0x4], $0x80, s7, s22, $0xb8;
	[tilespmem:$0x1F5E0] =	vst v63  }
0x68: {  	_ =	swait.ge [sflag:s18], $0x2800  }
0x69: {  	[sflag:s18] =	ssyncset.done $0x0  }
0x6a: {  	s7 =	sadd.s32 $0xF0, s6;
	[sflag:s18] =	ssyncadd.s32 $0xFFFFD800  }
0x6b: {  	[tilespmem:s23], [sflag:$0x1] =	stream.indirect.gather [hbm4b:s1+s22], $0x80, s7, s22, $0xb8;
	[tilespmem:$0x1F5E0] =	vst v63  }
0x6c: {  	s7 =	sadd.s32 $0x1400, s6  }
0x6d: {  	[spmem:s4] =	stream.indirect.scatter.add.f32 [tilespmem:s20], [sflag:$0x4], $0x8, s7, s22, $0xb8;
	[tilespmem:$0x1F5E0] =	vst v63  }
0x6e: {  	_ =	swait.ge [sflag:s18], $0x280  }
0x6f: {  	[sflag:s18] =	ssyncset.done $0x0  }
0x70: {  	[sflag:s18] =	ssyncadd.s32 $0xFFFFFD80  }
0x71: {  	_ =	swait.ge [sflag:s28], $0x2800  }
0x72: {  	[sflag:s28] =	ssyncset.done $0x0  }
0x73: {  	[sflag:s28] =	ssyncadd.s32 $0xFFFFD800  }
0x74: {  	[spmem:s3] =	stream.indirect.scatter.add.f32 [tilespmem:s24], [sflag:$0x4], $0x80, s7, s22, $0xb8;
	[tilespmem:$0x1F5E0] =	vst v63  }
0x75: {  	_ =	swait.ge [sflag:s18], $0x2800  }
0x76: {  	[sflag:s18] =	ssyncset.done $0x0  }
0x77: {  	s7 =	sadd.s32 $0x140, s6;
	[sflag:s18] =	ssyncadd.s32 $0xFFFFD800  }
0x78: {  	[tilespmem:s24], [sflag:$0x2] =	stream.indirect.gather [hbm4b:s1+s22], $0x80, s7, s22, $0xb8;
	[tilespmem:$0x1F5E0] =	vst v63  }
0x79: {  	s6 =	sadd.s32 $0x1450, s6  }
0x7a: {  	[spmem:s4] =	stream.indirect.scatter.add.f32 [tilespmem:s20], [sflag:$0x4], $0x8, s6, s22, $0xb8;
	[tilespmem:$0x1F5E0] =	vst v63  }
0x7b: {  	_ =	swait.ge [sflag:s18], $0x280  }
0x7c: {  	[sflag:s18] =	ssyncset.done $0x0  }
0x7d: {  	[sflag:s18] =	ssyncadd.s32 $0xFFFFFD80  }
0x7e: {  	_ =	swait.ge [sflag:s29], $0x2800  }
.Ltmp0:
0x7f: {  	[sflag:s29] =	ssyncset.done $0x0;
	(pc) =	sbr.rel @p0 .LBB2_2-.Ltmp0, $4  }
0x80: {  	[sflag:s29] =	ssyncadd.s32 $0xFFFFD800  }
0x81: {  	[spmem:s3] =	stream.indirect.scatter.add.f32 [tilespmem:s25], [sflag:$0x4], $0x80, s6, s22, $0xb8;
	[tilespmem:$0x1F5E0] =	vst v63  }
0x82: {  	_ =	swait.ge [sflag:s18], $0x2800  }
0x83: {  	s7 =	smov.u32 s10;
	s6 =	sshra.s32 s9, $0x2;
	[sflag:s18] =	ssyncset.done $0x0  }
0x84: {  	s7 =	sadd.s32 $0xA0, s6;
	[sflag:s18] =	ssyncadd.s32 $0xFFFFD800  }
0x85: {  	[tilespmem:s25], [sflag:$0x3] =	stream.indirect.gather [hbm4b:s1+s22], $0x80, s7, s22, $0xb8;
	[tilespmem:$0x1F5E0] =	vst v63  }
0x86: {  	s10 =	sadd.s32 $0x13B0, s6  }
0x87: {  	[spmem:s4] =	stream.indirect.scatter.add.f32 [tilespmem:s20], [sflag:$0x4], $0x8, s10, s22, $0xb8;
	[tilespmem:$0x1F5E0] =	vst v63  }
0x88: {  	_ =	swait.ge [sflag:s18], $0x280  }
0x89: {  	[sflag:s18] =	ssyncset.done $0x0  }
0x8a: {  	[sflag:s18] =	ssyncadd.s32 $0xFFFFFD80  }
0x8b: {  	_ =	swait.ge [sflag:s26], $0x2800  }
0x8c: {  	[sflag:s26] =	ssyncset.done $0x0  }
0x8d: {  	[sflag:s26] =	ssyncadd.s32 $0xFFFFD800  }
0x8e: {  	[spmem:s3] =	stream.indirect.scatter.add.f32 [tilespmem:s23], [sflag:$0x4], $0x80, s10, s22, $0xb8;
	[tilespmem:$0x1F5E0] =	vst v63  }
0x8f: {  	_ =	swait.ge [sflag:s18], $0x2800  }
0x90: {  	[sflag:s18] =	ssyncset.done $0x0  }
0x91: {  	s11 =	sadd.s32 $0xF0, s6;
	[sflag:s18] =	ssyncadd.s32 $0xFFFFD800  }
0x92: {  	[tilespmem:s23], [sflag:$0x1] =	stream.indirect.gather [hbm4b:s1+s22], $0x80, s11, s22, $0xb8;
	[tilespmem:$0x1F5E0] =	vst v63  }
0x93: {  	s9 =	sadd.s32 $0x1400, s6  }
0x94: {  	[spmem:s4] =	stream.indirect.scatter.add.f32 [tilespmem:s20], [sflag:$0x4], $0x8, s9, s22, $0xb8;
	[tilespmem:$0x1F5E0] =	vst v63  }
0x95: {  	_ =	swait.ge [sflag:s18], $0x280  }
0x96: {  	[sflag:s18] =	ssyncset.done $0x0  }
0x97: {  	[sflag:s18] =	ssyncadd.s32 $0xFFFFFD80  }
0x98: {  	_ =	swait.ge [sflag:s28], $0x2800  }
0x99: {  	[sflag:s28] =	ssyncset.done $0x0  }
0x9a: {  	[sflag:s28] =	ssyncadd.s32 $0xFFFFD800  }
0x9b: {  	[spmem:s3] =	stream.indirect.scatter.add.f32 [tilespmem:s24], [sflag:$0x4], $0x80, s9, s22, $0xb8;
	[tilespmem:$0x1F5E0] =	vst v63  }
0x9c: {  	_ =	swait.ge [sflag:s18], $0x2800  }
0x9d: {  	[sflag:s18] =	ssyncset.done $0x0  }
0x9e: {  	s10 =	sadd.s32 $0x140, s6;
	[sflag:s18] =	ssyncadd.s32 $0xFFFFD800  }
0x9f: {  	[tilespmem:s24], [sflag:$0x2] =	stream.indirect.gather [hbm4b:s1+s22], $0x80, s10, s22, $0xb8;
	[tilespmem:$0x1F5E0] =	vst v63  }
0xa0: {  	s11 =	sadd.s32 $0x1450, s6  }
0xa1: {  	[spmem:s4] =	stream.indirect.scatter.add.f32 [tilespmem:s20], [sflag:$0x4], $0x8, s11, s22, $0xb8;
	[tilespmem:$0x1F5E0] =	vst v63  }
0xa2: {  	_ =	swait.ge [sflag:s18], $0x280  }
0xa3: {  	[sflag:s18] =	ssyncset.done $0x0  }
0xa4: {  	[sflag:s18] =	ssyncadd.s32 $0xFFFFFD80  }
0xa5: {  	_ =	swait.ge [sflag:s29], $0x2800  }
0xa6: {  	[sflag:s29] =	ssyncset.done $0x0  }
0xa7: {  	[sflag:s29] =	ssyncadd.s32 $0xFFFFD800  }
0xa8: {  	[spmem:s3] =	stream.indirect.scatter.add.f32 [tilespmem:s25], [sflag:$0x4], $0x80, s11, s22, $0xb8;
	[tilespmem:$0x1F5E0] =	vst v63  }
0xa9: {  	_ =	swait.ge [sflag:s18], $0x2800  }
0xaa: {  	[sflag:s18] =	ssyncset.done $0x0  }
0xab: {  	s7 =	simm.s32 $0x1360;
	[sflag:s18] =	ssyncadd.s32 $0xFFFFD800  }
0xac: {  	[tilespmem:s25], [sflag:$0x3] =	stream.indirect.gather [hbm4b:s1+s22], $0x80, s7, s22, $0xb8;
	[tilespmem:$0x1F5E0] =	vst v63  }
0xad: {  	_ = 	snop  }
0xae: {  	[spmem:s4] =	stream.indirect.scatter.add.f32 [tilespmem:s20], [sflag:$0x4], $0x8, s31, s22, $0xb8;
	[tilespmem:$0x1F5E0] =	vst v63  }
0xaf: {  	_ =	swait.ge [sflag:s18], $0x280  }
0xb0: {  	[sflag:s18] =	ssyncset.done $0x0  }
0xb1: {  	[sflag:s18] =	ssyncadd.s32 $0xFFFFFD80  }
0xb2: {  	_ =	swait.ge [sflag:s26], $0x2800  }
0xb3: {  	[sflag:s26] =	ssyncset.done $0x0  }
0xb4: {  	[sflag:s26] =	ssyncadd.s32 $0xFFFFD800  }
0xb5: {  	[spmem:s3] =	stream.indirect.scatter.add.f32 [tilespmem:s23], [sflag:$0x4], $0x80, s31, s22, $0xb8;
	[tilespmem:$0x1F5E0] =	vst v63  }
0xb6: {  	_ =	swait.ge [sflag:s18], $0x2800  }
0xb7: {  	[sflag:s18] =	ssyncset.done $0x0  }
0xb8: {  	[sflag:s18] =	ssyncadd.s32 $0xFFFFD800  }
0xb9: {  	[spmem:s4] =	stream.indirect.scatter.add.f32 [tilespmem:s20], [sflag:$0x4], $0x8, s0, s22, $0xb8;
	[tilespmem:$0x1F5E0] =	vst v63  }
0xba: {  	_ =	swait.ge [sflag:s18], $0x280  }
0xbb: {  	[sflag:s18] =	ssyncset.done $0x0  }
0xbc: {  	[sflag:s18] =	ssyncadd.s32 $0xFFFFFD80  }
0xbd: {  	_ =	swait.ge [sflag:s28], $0x2800  }
0xbe: {  	[sflag:s28] =	ssyncset.done $0x0  }
0xbf: {  	[sflag:s28] =	ssyncadd.s32 $0xFFFFD800  }
0xc0: {  	[spmem:s3] =	stream.indirect.scatter.add.f32 [tilespmem:s24], [sflag:$0x4], $0x80, s0, s22, $0xb8;
	[tilespmem:$0x1F5E0] =	vst v63  }
0xc1: {  	_ =	swait.ge [sflag:s18], $0x2800  }
0xc2: {  	[sflag:s18] =	ssyncset.done $0x0  }
0xc3: {  	[sflag:s18] =	ssyncadd.s32 $0xFFFFD800  }
0xc4: {  	[spmem:s4] =	stream.indirect.scatter.add.f32 [tilespmem:s20], [sflag:$0x4], $0x8, s2, s22, $0xb8;
	[tilespmem:$0x1F5E0] =	vst v63  }
0xc5: {  	_ =	swait.ge [sflag:s18], $0x280  }
0xc6: {  	[sflag:s18] =	ssyncset.done $0x0  }
0xc7: {  	[sflag:s18] =	ssyncadd.s32 $0xFFFFFD80  }
0xc8: {  	_ =	swait.ge [sflag:s29], $0x2800  }
0xc9: {  	[sflag:s29] =	ssyncset.done $0x0  }
0xca: {  	[sflag:s29] =	ssyncadd.s32 $0xFFFFD800  }
0xcb: {  	[spmem:s3] =	stream.indirect.scatter.add.f32 [tilespmem:s25], [sflag:$0x4], $0x80, s2, s22, $0xb8;
	[tilespmem:$0x1F5E0] =	vst v63  }
0xcc: {  	_ =	swait.ge [sflag:s18], $0x2800  }
0xcd: {  	[sflag:s18] =	ssyncset.done $0x0  }
0xce: {  	s9 =	simm.s32 $0x0;
	[sflag:s18] =	ssyncadd.s32 $0xFFFFD800  }
0xcf: {  	[tilespmem:s9], [sflag:$0x4] =	stream.linear.gather [hbm4b:s12+s9], $0x1360, $0x38;
	[tilespmem:$0x1F5E0] =	vst v63  }
0xd0: {  	_ =	swait.ge [sflag:s18], $0x1360  }
0xd1: {  	[sflag:s18] =	ssyncset.done $0x0  }
0xd2: {  	[sflag:s18] =	ssyncadd.s32 $0xFFFFECA0  }
0xd3: {  	[tilespmem:s21], [sflag:$0x4] =	stream.linear.gather [hbm4b:s13+s9], $0x1360, $0x38;
	[tilespmem:$0x1F5E0] =	vst v63  }
0xd4: {  	_ =	swait.ge [sflag:s18], $0x1360  }
0xd5: {  	[sflag:s18] =	ssyncset.done $0x0  }
0xd6: {  	[sflag:s18] =	ssyncadd.s32 $0xFFFFECA0  }
0xd7: {  	[tilespmem:s23], [sflag:$0x1] =	stream.indirect.gather [hbm4b:s1+s22], $0x80, s9, s22, $0xb8;
	[tilespmem:$0x1F5E0] =	vst v63  }
0xd8: {  	_ = 	snop  }
0xd9: {  	[tilespmem:s24], [sflag:$0x2] =	stream.indirect.gather [hbm4b:s1+s22], $0x80, s22, s22, $0xb8;
	[tilespmem:$0x1F5E0] =	vst v63  }
0xda: {  	s10 =	simm.s32 $0xA0  }
0xdb: {  	[tilespmem:s25], [sflag:$0x3] =	stream.indirect.gather [hbm4b:s1+s22], $0x80, s10, s22, $0xb8;
	[tilespmem:$0x1F5E0] =	vst v63  }
0xdc: {  	s11 =	simm.s32 $0x13B0  }
0xdd: {  	[spmem:s4] =	stream.indirect.scatter.add.f32 [tilespmem:s20], [sflag:$0x4], $0x8, s11, s22, $0xb8;
	[tilespmem:$0x1F5E0] =	vst v63  }
0xde: {  	_ =	swait.ge [sflag:s18], $0x280  }
0xdf: {  	[sflag:s18] =	ssyncset.done $0x0  }
0xe0: {  	[sflag:s18] =	ssyncadd.s32 $0xFFFFFD80  }
0xe1: {  	_ =	swait.ge [sflag:s26], $0x2800  }
0xe2: {  	[sflag:s26] =	ssyncset.done $0x0  }
0xe3: {  	[sflag:s26] =	ssyncadd.s32 $0xFFFFD800  }
0xe4: {  	[spmem:s3] =	stream.indirect.scatter.add.f32 [tilespmem:s23], [sflag:$0x4], $0x80, s11, s22, $0xb8;
	[tilespmem:$0x1F5E0] =	vst v63  }
0xe5: {  	_ =	swait.ge [sflag:s18], $0x2800  }
0xe6: {  	[sflag:s18] =	ssyncset.done $0x0  }
0xe7: {  	s7 =	simm.s32 $0xF0;
	[sflag:s18] =	ssyncadd.s32 $0xFFFFD800  }
0xe8: {  	[tilespmem:s23], [sflag:$0x1] =	stream.indirect.gather [hbm4b:s1+s22], $0x80, s7, s22, $0xb8;
	[tilespmem:$0x1F5E0] =	vst v63  }
0xe9: {  	s9 =	simm.s32 $0x1400  }
0xea: {  	[spmem:s4] =	stream.indirect.scatter.add.f32 [tilespmem:s20], [sflag:$0x4], $0x8, s9, s22, $0xb8;
	[tilespmem:$0x1F5E0] =	vst v63  }
0xeb: {  	_ =	swait.ge [sflag:s18], $0x280  }
0xec: {  	[sflag:s18] =	ssyncset.done $0x0  }
0xed: {  	[sflag:s18] =	ssyncadd.s32 $0xFFFFFD80  }
0xee: {  	_ =	swait.ge [sflag:s28], $0x2800  }
0xef: {  	[sflag:s28] =	ssyncset.done $0x0  }
0xf0: {  	[sflag:s28] =	ssyncadd.s32 $0xFFFFD800  }
0xf1: {  	[spmem:s3] =	stream.indirect.scatter.add.f32 [tilespmem:s24], [sflag:$0x4], $0x80, s9, s22, $0xb8;
	[tilespmem:$0x1F5E0] =	vst v63  }
0xf2: {  	_ =	swait.ge [sflag:s18], $0x2800  }
0xf3: {  	[sflag:s18] =	ssyncset.done $0x0  }
0xf4: {  	s10 =	simm.s32 $0x140;
	[sflag:s18] =	ssyncadd.s32 $0xFFFFD800  }
0xf5: {  	[tilespmem:s24], [sflag:$0x2] =	stream.indirect.gather [hbm4b:s1+s22], $0x80, s10, s22, $0xb8;
	[tilespmem:$0x1F5E0] =	vst v63  }
0xf6: {  	s11 =	simm.s32 $0x1450  }
0xf7: {  	[spmem:s4] =	stream.indirect.scatter.add.f32 [tilespmem:s20], [sflag:$0x4], $0x8, s11, s22, $0xb8;
	[tilespmem:$0x1F5E0] =	vst v63  }
0xf8: {  	_ =	swait.ge [sflag:s18], $0x280  }
0xf9: {  	[sflag:s18] =	ssyncset.done $0x0  }
0xfa: {  	[sflag:s18] =	ssyncadd.s32 $0xFFFFFD80  }
0xfb: {  	_ =	swait.ge [sflag:s29], $0x2800  }
0xfc: {  	[sflag:s29] =	ssyncset.done $0x0  }
0xfd: {  	[sflag:s29] =	ssyncadd.s32 $0xFFFFD800  }
0xfe: {  	[spmem:s3] =	stream.indirect.scatter.add.f32 [tilespmem:s25], [sflag:$0x4], $0x80, s11, s22, $0xb8;
	[tilespmem:$0x1F5E0] =	vst v63  }
0xff: {  	_ =	swait.ge [sflag:s18], $0x2800  }
0x100: {  	s6 =	simm.s32 $0xF0;
	s10 =	simm.s32 $0x780;
	[sflag:s18] =	ssyncset.done $0x0  }
.LBB2_4:
0x101: {  	s11 =	sadd.s32 $0xA0, s6  }
0x102: {  	[sflag:s18] =	ssyncadd.s32 $0xFFFFD800;
	s9 =	smov.u32 s10;
	s7 =	sadd.s32 $0x3C0, s10  }
0x103: {  	[tilespmem:s25], [sflag:$0x3] =	stream.indirect.gather [hbm4b:s1+s22], $0x80, s11, s22, $0xb8;
	[tilespmem:$0x1F5E0] =	vst v63  }
0x104: {  	p0 =	sne.s32 s10, $0x4740;
	s10 =	sadd.s32 $0x13B0, s6  }
0x105: {  	[spmem:s4] =	stream.indirect.scatter.add.f32 [tilespmem:s20], [sflag:$0x4], $0x8, s10, s22, $0xb8;
	[tilespmem:$0x1F5E0] =	vst v63  }
0x106: {  	_ =	swait.ge [sflag:s18], $0x280  }
0x107: {  	[sflag:s18] =	ssyncset.done $0x0  }
0x108: {  	[sflag:s18] =	ssyncadd.s32 $0xFFFFFD80  }
0x109: {  	_ =	swait.ge [sflag:s26], $0x2800  }
0x10a: {  	[sflag:s26] =	ssyncset.done $0x0  }
0x10b: {  	[sflag:s26] =	ssyncadd.s32 $0xFFFFD800  }
0x10c: {  	[spmem:s3] =	stream.indirect.scatter.add.f32 [tilespmem:s23], [sflag:$0x4], $0x80, s10, s22, $0xb8;
	[tilespmem:$0x1F5E0] =	vst v63  }
0x10d: {  	_ =	swait.ge [sflag:s18], $0x2800  }
0x10e: {  	[sflag:s18] =	ssyncset.done $0x0  }
0x10f: {  	s10 =	sadd.s32 $0xF0, s6;
	[sflag:s18] =	ssyncadd.s32 $0xFFFFD800  }
0x110: {  	[tilespmem:s23], [sflag:$0x1] =	stream.indirect.gather [hbm4b:s1+s22], $0x80, s10, s22, $0xb8;
	[tilespmem:$0x1F5E0] =	vst v63  }
0x111: {  	s10 =	sadd.s32 $0x1400, s6  }
0x112: {  	[spmem:s4] =	stream.indirect.scatter.add.f32 [tilespmem:s20], [sflag:$0x4], $0x8, s10, s22, $0xb8;
	[tilespmem:$0x1F5E0] =	vst v63  }
0x113: {  	_ =	swait.ge [sflag:s18], $0x280  }
0x114: {  	[sflag:s18] =	ssyncset.done $0x0  }
0x115: {  	[sflag:s18] =	ssyncadd.s32 $0xFFFFFD80  }
0x116: {  	_ =	swait.ge [sflag:s28], $0x2800  }
0x117: {  	[sflag:s28] =	ssyncset.done $0x0  }
0x118: {  	[sflag:s28] =	ssyncadd.s32 $0xFFFFD800  }
0x119: {  	[spmem:s3] =	stream.indirect.scatter.add.f32 [tilespmem:s24], [sflag:$0x4], $0x80, s10, s22, $0xb8;
	[tilespmem:$0x1F5E0] =	vst v63  }
0x11a: {  	_ =	swait.ge [sflag:s18], $0x2800  }
0x11b: {  	[sflag:s18] =	ssyncset.done $0x0  }
0x11c: {  	s10 =	sadd.s32 $0x140, s6;
	[sflag:s18] =	ssyncadd.s32 $0xFFFFD800  }
0x11d: {  	[tilespmem:s24], [sflag:$0x2] =	stream.indirect.gather [hbm4b:s1+s22], $0x80, s10, s22, $0xb8;
	[tilespmem:$0x1F5E0] =	vst v63  }
0x11e: {  	s6 =	sadd.s32 $0x1450, s6  }
0x11f: {  	[spmem:s4] =	stream.indirect.scatter.add.f32 [tilespmem:s20], [sflag:$0x4], $0x8, s6, s22, $0xb8;
	[tilespmem:$0x1F5E0] =	vst v63  }
0x120: {  	_ =	swait.ge [sflag:s18], $0x280  }
0x121: {  	[sflag:s18] =	ssyncset.done $0x0  }
0x122: {  	[sflag:s18] =	ssyncadd.s32 $0xFFFFFD80  }
0x123: {  	_ =	swait.ge [sflag:s29], $0x2800  }
.Ltmp1:
0x124: {  	[sflag:s29] =	ssyncset.done $0x0;
	(pc) =	sbr.rel @p0 .LBB2_4-.Ltmp1, $4  }
0x125: {  	[sflag:s29] =	ssyncadd.s32 $0xFFFFD800  }
0x126: {  	[spmem:s3] =	stream.indirect.scatter.add.f32 [tilespmem:s25], [sflag:$0x4], $0x80, s6, s22, $0xb8;
	[tilespmem:$0x1F5E0] =	vst v63  }
0x127: {  	_ =	swait.ge [sflag:s18], $0x2800  }
0x128: {  	s10 =	smov.u32 s7;
	s6 =	sshra.s32 s9, $0x2;
	[sflag:s18] =	ssyncset.done $0x0  }
0x129: {  	s7 =	sadd.s32 $0xA0, s6;
	[sflag:s18] =	ssyncadd.s32 $0xFFFFD800  }
0x12a: {  	[tilespmem:s25], [sflag:$0x3] =	stream.indirect.gather [hbm4b:s1+s22], $0x80, s7, s22, $0xb8;
	[tilespmem:$0x1F5E0] =	vst v63  }
0x12b: {  	s10 =	sadd.s32 $0x13B0, s6  }
0x12c: {  	[spmem:s4] =	stream.indirect.scatter.add.f32 [tilespmem:s20], [sflag:$0x4], $0x8, s10, s22, $0xb8;
	[tilespmem:$0x1F5E0] =	vst v63  }
0x12d: {  	_ =	swait.ge [sflag:s18], $0x280  }
0x12e: {  	[sflag:s18] =	ssyncset.done $0x0  }
0x12f: {  	[sflag:s18] =	ssyncadd.s32 $0xFFFFFD80  }
0x130: {  	_ =	swait.ge [sflag:s26], $0x2800  }
0x131: {  	[sflag:s26] =	ssyncset.done $0x0  }
0x132: {  	[sflag:s26] =	ssyncadd.s32 $0xFFFFD800  }
0x133: {  	[spmem:s3] =	stream.indirect.scatter.add.f32 [tilespmem:s23], [sflag:$0x4], $0x80, s10, s22, $0xb8;
	[tilespmem:$0x1F5E0] =	vst v63  }
0x134: {  	_ =	swait.ge [sflag:s18], $0x2800  }
0x135: {  	[sflag:s18] =	ssyncset.done $0x0  }
0x136: {  	s11 =	sadd.s32 $0xF0, s6;
	[sflag:s18] =	ssyncadd.s32 $0xFFFFD800  }
0x137: {  	[tilespmem:s23], [sflag:$0x1] =	stream.indirect.gather [hbm4b:s1+s22], $0x80, s11, s22, $0xb8;
	[tilespmem:$0x1F5E0] =	vst v63  }
0x138: {  	s9 =	sadd.s32 $0x1400, s6  }
0x139: {  	[spmem:s4] =	stream.indirect.scatter.add.f32 [tilespmem:s20], [sflag:$0x4], $0x8, s9, s22, $0xb8;
	[tilespmem:$0x1F5E0] =	vst v63  }
0x13a: {  	_ =	swait.ge [sflag:s18], $0x280  }
0x13b: {  	[sflag:s18] =	ssyncset.done $0x0  }
0x13c: {  	[sflag:s18] =	ssyncadd.s32 $0xFFFFFD80  }
0x13d: {  	_ =	swait.ge [sflag:s28], $0x2800  }
0x13e: {  	[sflag:s28] =	ssyncset.done $0x0  }
0x13f: {  	[sflag:s28] =	ssyncadd.s32 $0xFFFFD800  }
0x140: {  	[spmem:s3] =	stream.indirect.scatter.add.f32 [tilespmem:s24], [sflag:$0x4], $0x80, s9, s22, $0xb8;
	[tilespmem:$0x1F5E0] =	vst v63  }
0x141: {  	_ =	swait.ge [sflag:s18], $0x2800  }
0x142: {  	[sflag:s18] =	ssyncset.done $0x0  }
0x143: {  	s10 =	sadd.s32 $0x140, s6;
	[sflag:s18] =	ssyncadd.s32 $0xFFFFD800  }
0x144: {  	[tilespmem:s24], [sflag:$0x2] =	stream.indirect.gather [hbm4b:s1+s22], $0x80, s10, s22, $0xb8;
	[tilespmem:$0x1F5E0] =	vst v63  }
0x145: {  	s11 =	sadd.s32 $0x1450, s6  }
0x146: {  	[spmem:s4] =	stream.indirect.scatter.add.f32 [tilespmem:s20], [sflag:$0x4], $0x8, s11, s22, $0xb8;
	[tilespmem:$0x1F5E0] =	vst v63  }
0x147: {  	_ =	swait.ge [sflag:s18], $0x280  }
0x148: {  	[sflag:s18] =	ssyncset.done $0x0  }
0x149: {  	[sflag:s18] =	ssyncadd.s32 $0xFFFFFD80  }
0x14a: {  	_ =	swait.ge [sflag:s29], $0x2800  }
0x14b: {  	[sflag:s29] =	ssyncset.done $0x0  }
0x14c: {  	[sflag:s29] =	ssyncadd.s32 $0xFFFFD800  }
0x14d: {  	[spmem:s3] =	stream.indirect.scatter.add.f32 [tilespmem:s25], [sflag:$0x4], $0x80, s11, s22, $0xb8;
	[tilespmem:$0x1F5E0] =	vst v63  }
0x14e: {  	_ =	swait.ge [sflag:s18], $0x2800  }
0x14f: {  	[sflag:s18] =	ssyncset.done $0x0  }
0x150: {  	[sflag:s18] =	ssyncadd.s32 $0xFFFFD800  }
0x151: {  	[spmem:s4] =	stream.indirect.scatter.add.f32 [tilespmem:s20], [sflag:$0x4], $0x8, s31, s22, $0xb8;
	[tilespmem:$0x1F5E0] =	vst v63  }
0x152: {  	_ =	swait.ge [sflag:s18], $0x280  }
0x153: {  	[sflag:s18] =	ssyncset.done $0x0  }
0x154: {  	[sflag:s18] =	ssyncadd.s32 $0xFFFFFD80  }
0x155: {  	_ =	swait.ge [sflag:s26], $0x2800  }
0x156: {  	[sflag:s26] =	ssyncset.done $0x0  }
0x157: {  	[sflag:s26] =	ssyncadd.s32 $0xFFFFD800  }
0x158: {  	[spmem:s3] =	stream.indirect.scatter.add.f32 [tilespmem:s23], [sflag:$0x4], $0x80, s31, s22, $0xb8;
	[tilespmem:$0x1F5E0] =	vst v63  }
0x159: {  	_ =	swait.ge [sflag:s18], $0x2800  }
0x15a: {  	[sflag:s18] =	ssyncset.done $0x0  }
0x15b: {  	[sflag:s18] =	ssyncadd.s32 $0xFFFFD800  }
0x15c: {  	[spmem:s4] =	stream.indirect.scatter.add.f32 [tilespmem:s20], [sflag:$0x4], $0x8, s0, s22, $0xb8;
	[tilespmem:$0x1F5E0] =	vst v63  }
0x15d: {  	_ =	swait.ge [sflag:s18], $0x280  }
0x15e: {  	[sflag:s18] =	ssyncset.done $0x0  }
0x15f: {  	[sflag:s18] =	ssyncadd.s32 $0xFFFFFD80  }
0x160: {  	_ =	swait.ge [sflag:s28], $0x2800  }
0x161: {  	[sflag:s28] =	ssyncset.done $0x0  }
0x162: {  	[sflag:s28] =	ssyncadd.s32 $0xFFFFD800  }
0x163: {  	[spmem:s3] =	stream.indirect.scatter.add.f32 [tilespmem:s24], [sflag:$0x4], $0x80, s0, s22, $0xb8;
	[tilespmem:$0x1F5E0] =	vst v63  }
0x164: {  	_ =	swait.ge [sflag:s18], $0x2800  }
0x165: {  	[sflag:s18] =	ssyncset.done $0x0  }
0x166: {  	[sflag:s18] =	ssyncadd.s32 $0xFFFFD800  }
0x167: {  	[bflag:$0x0] =	sbarrier.arrive $0xFFFF  }
0x168: {  	[hbm:s14], [sflag:s8] =	dma.local [spmem:s17], $0x2800  }
0x169: {  	s30 =	sadd.s32 $0x1, s30;
	_ =	swait.ge [sflag:s18], $0x2800  }
0x16a: {  	p0 =	sne.s32 s30, s16;
	[sflag:s18] =	ssyncset.done $0x0  }
.Ltmp2:
0x16b: {  	[sflag:s18] =	ssyncadd.s32 $0xFFFFD800;
	(pc) =	sbr.rel @p0 .LBB2_1-.Ltmp2, $4  }
0x16c: {  	[hbm:s15], [sflag:s8] =	dma.local [spmem:s19], $0x280  }
0x16d: {  	_ =	swait.ge [sflag:s18], $0x280  }
0x16e: {  	[sflag:s18] =	ssyncset.done $0x0  }
0x16f: {  	[sflag:s18] =	ssyncadd.s32 $0xFFFFFD80  }
0x170: {  	_ =	sfence.sel $0x180000  }
0x171: {  	[bflag:$0x0] =	sbarrier.arrive $0xFFFF  }
0x172: {  	_ =	strace $0x90000047  }
0x173: {  	s0 =	stileid.u32;
	[bflag:$0x2] =	sbarrier.arrive $0xFFFF  }
0x174: {  	p0 =	sne.s32 s0, $0x0;
	s0 =	rddreg [dreg:$0x5]  }
0x175: {  	s0 =	sadd.s32 @!p0 $0x100000, s0  }
0x176: {  	[sflag:s0] =	ssyncadd.tile.s32 @!p0 $0x1;
	_ =	shalt  }
.Lfunc_end2:
_tile_overlayer_lowered:
.L_overlay_start_2:
0x177: {  	(tag) =	ssettag $0x2  }
0x178: {  	s0 =	rddreg [dreg:$0x0];
	s2 =	stileid.u32  }
0x179: {  	s1 =	rddreg [dreg:$0x1];
	p0 =	sne.s32 s2, $0x0  }
0x17a: {  	s3 =	rddreg [dreg:$0x2];
	[bflag:$0x3] =	sbarrier.arrive $0xFFFF;
	s2 =	simm.s32 @!p0 $0x1C04  }
0x17b: {  	[timem:s3], [sflag:s2] =	dma.local @!p0 [hbm:s0], s1  }
0x17c: {  	s0 =	simm.s32 @!p0 $0x4  }
0x17d: {  	_ =	swait.ge @!p0 [sflag:s0], s1  }
0x17e: {  	s1 =	ssub.s32 @!p0 $0x0, s1;
	[sflag:s0] =	ssyncset.done @!p0 $0x0  }
0x17f: {  	[sflag:s0] =	ssyncadd.s32 @!p0 s1  }
0x180: {  	[bflag:$0x3] =	sbarrier.arrive $0xFFFF  }
0x181: {  	_ =	shalt  }

// kernel: kernel.9.cloned.1.call-start
scs
__scs_entry_jumppad:
0x0: {  	(pc) =	sbr.rel $0x88, $3  }
0x1: {  	(tag) =	ssettag $0x0;
	lr =	simm.s32 $0x1  }
0x2: {  	[smem:$0x3F99] =	sst lr;
	_ =	strace $0xD0000000  }
0x3: {  	_ = 	snop  }
0x4: {  	_ = 	snop  }
0x5: {  	_ = 	snop  }
0x6: {  	_ = 	snop  }
0x7: {  	_ = 	snop  }
__scs_overlays_trampoline_lowered:
0x8: {  	[smem:$0x3FA8] =	sst s0  }
0x9: {  	[smem:$0x3FA9] =	sst s1  }
0xa: {  	[smem:$0x3FAA] =	sst s2  }
0xb: {  	[smem:$0x3FAB] =	sst s3  }
0xc: {  	[smem:$0x3FAC] =	sst s4  }
0xd: {  	[smem:$0x3FAD] =	sst s5  }
0xe: {  	[smem:$0x3FAE] =	sst s6  }
0xf: {  	[smem:$0x3FAF] =	sst s7  }
0x10: {  	[smem:$0x3FB0] =	sst s8  }
0x11: {  	[smem:$0x3FB1] =	sst s9;
	s0 =	simm.s32 @!p0 $0x0  }
0x12: {  	s1 =	sld [smem:$0x3F97];
	s0 =	simm.s32 @p0 $0x1  }
0x13: {  	[smem:$0x3FB2] =	sst s0;
	s0 =	simm.s32 @!p1 $0x0  }
0x14: {  	s2 =	sld [smem:$0x3F96];
	s0 =	simm.s32 @p1 $0x1  }
0x15: {  	[smem:$0x3FB3] =	sst s0;
	s0 =	simm.s32 @!p2 $0x0  }
0x16: {  	s3 =	sld [smem:$0x3FDB];
	s0 =	simm.s32 @p2 $0x1  }
0x17: {  	s4 =	simm.s32 $0x1BF5;
	[smem:$0x3FB5] =	sst s0  }
0x18: {  	s0 =	sld [smem:$0x3F98];
	_ =	swait.ge [sflag:s4], $0x0  }
0x19: {  	s7 =	sld [smem:$0x3F99]  }
0x1a: {  	s8 =	sadd.s32 $0xFFFFE003, lr  }
0x1b: {  	s9 =	sadd.s32 $0xFFFFFEF7, lr;
	s5 =	simm.s32 $0xFFFFFFFF;
	p2 =	slt.u32 s8, $0xFFFFF086  }
0x1c: {  	p1 =	slt.u32 s9, $0xF7A;
	s5 =	simm.s32 @!p2 $0x0  }
0x1d: {  	s5 =	simm.s32 @p1 $0x1;
	p0 =	seq.s32 s7, s2  }
0x1e: {  	s7 =	smul.u32 @!p0 $0xF7A, s2;
	p2 =	seq.s32 @!p0 s5, $0x0  }
0x1f: {  	s9 =	smul.u32 $0xF7A, s1;
	s8 =	simm.s32 @!p0 $0x1BF5;
	p2 =	por !p2, p0  }
0x20: {  	[sflag:s8] =	ssyncset.s32 @!p0 $0xFFFFF086;
	s6 =	sadd.s32 @!p0 s3, s7;
	s7 =	simm.s32 @!p0 $0x108  }
0x21: {  	s3 =	sadd.s32 s3, s9;
	s6 =	sadd.s32 @!p0 $0x88, s6;
	s7 =	simm.s32 @p2 $0x1082  }
0x22: {  	[simem:s7], [sflag:s8] =	dma.local @!p0 [hbm:s6], $0xF7A  }
0x23: {  	s9 =	sor.u32 $0xD0000000, s2;
	s6 =	simm.s32 $0x108;
	_ =	swait.ge @!p0 [sflag:s8], $0x0  }
0x24: {  	s3 =	sadd.s32 $0x88, s3;
	s6 =	simm.s32 @!p1 $0x1082;
	[sflag:s4] =	ssyncset.s32 $0xFFFFF086  }
0x25: {  	[simem:s6], [sflag:s4] =	dma.local [hbm:s3], $0xF7A  }
0x26: {  	[smem:$0x3F99] =	sst s1;
	(tag) =	ssettag s2;
	_ =	strace s9  }
0x27: {  	s1 =	sld [smem:$0x3FA9]  }
0x28: {  	s2 =	sld [smem:$0x3FAA]  }
0x29: {  	s4 =	sld [smem:$0x3FAC]  }
0x2a: {  	p0 =	seq.s32 s5, $0x0;
	s5 =	sld [smem:$0x3FAD]  }
0x2b: {  	s6 =	sld [smem:$0x3FAE]  }
0x2c: {  	s7 =	sld [smem:$0x3FAF]  }
0x2d: {  	s3 =	simm.s32 $0x108;
	s8 =	sld [smem:$0x3FB0]  }
0x2e: {  	s3 =	simm.s32 @!p0 $0x1082;
	s9 =	sld [smem:$0x3FB1]  }
0x2f: {  	lr =	sadd.s32 s0, s3;
	s0 =	sld [smem:$0x3FA8]  }
0x30: {  	s3 =	sld [smem:$0x3FAB]  }
0x31: {  	[smem:$0x3FB4] =	sst s10  }
0x32: {  	s10 =	sld [smem:$0x3FB2];
	_ =	sdelay $0x3  }
0x33: {  	p0 =	seq.s32 s10, $0x1;
	s10 =	sld [smem:$0x3FB4];
	_ =	sdelay $0x3  }
0x34: {  	[smem:$0x3FB4] =	sst s10  }
0x35: {  	s10 =	sld [smem:$0x3FB3];
	_ =	sdelay $0x3  }
0x36: {  	p1 =	seq.s32 s10, $0x1;
	s10 =	sld [smem:$0x3FB4];
	_ =	sdelay $0x3  }
0x37: {  	[smem:$0x3FB4] =	sst s10  }
0x38: {  	s10 =	sld [smem:$0x3FB5]  }
0x39: {  	_ = 	snop;
	(pc) =	sbr.ind lr, $3  }
0x3a: {  	_ = 	snop  }
0x3b: {  	_ = 	snop  }
0x3c: {  	p2 =	seq.s32 s10, $0x1;
	s10 =	sld [smem:$0x3FB4]  }
0x3d: {  	_ =	shalt  }
0x3e: {  	_ =	shalt  }
0x3f: {  	_ =	shalt  }
0x40: {  	_ =	shalt  }
0x41: {  	_ =	shalt  }
0x42: {  	_ =	shalt  }
0x43: {  	_ =	shalt  }
0x44: {  	_ =	shalt  }
0x45: {  	_ =	shalt  }
0x46: {  	_ =	shalt  }
0x47: {  	_ =	shalt  }
0x48: {  	_ =	shalt  }
0x49: {  	_ =	shalt  }
0x4a: {  	_ =	shalt  }
0x4b: {  	_ =	shalt  }
0x4c: {  	_ =	shalt  }
0x4d: {  	_ =	shalt  }
0x4e: {  	_ =	shalt  }
0x4f: {  	_ =	shalt  }
0x50: {  	_ =	shalt  }
0x51: {  	_ =	shalt  }
0x52: {  	_ =	shalt  }
0x53: {  	_ =	shalt  }
0x54: {  	_ =	shalt  }
0x55: {  	_ =	shalt  }
0x56: {  	_ =	shalt  }
0x57: {  	_ =	shalt  }
0x58: {  	_ =	shalt  }
0x59: {  	_ =	shalt  }
0x5a: {  	_ =	shalt  }
0x5b: {  	_ =	shalt  }
0x5c: {  	_ =	shalt  }
0x5d: {  	_ =	shalt  }
0x5e: {  	_ =	shalt  }
0x5f: {  	_ =	shalt  }
0x60: {  	_ =	shalt  }
0x61: {  	_ =	shalt  }
0x62: {  	_ =	shalt  }
0x63: {  	_ =	shalt  }
0x64: {  	_ =	shalt  }
0x65: {  	_ =	shalt  }
0x66: {  	_ =	shalt  }
0x67: {  	_ =	shalt  }
0x68: {  	_ =	shalt  }
0x69: {  	_ =	shalt  }
0x6a: {  	_ =	shalt  }
0x6b: {  	_ =	shalt  }
0x6c: {  	_ =	shalt  }
0x6d: {  	_ =	shalt  }
0x6e: {  	_ =	shalt  }
0x6f: {  	_ =	shalt  }
0x70: {  	_ =	shalt  }
0x71: {  	_ =	shalt  }
0x72: {  	_ =	shalt  }
0x73: {  	_ =	shalt  }
0x74: {  	_ =	shalt  }
0x75: {  	_ =	shalt  }
0x76: {  	_ =	shalt  }
0x77: {  	_ =	shalt  }
0x78: {  	_ =	shalt  }
0x79: {  	_ =	shalt  }
0x7a: {  	_ =	shalt  }
0x7b: {  	_ =	shalt  }
0x7c: {  	_ =	shalt  }
0x7d: {  	_ =	shalt  }
0x7e: {  	_ =	shalt  }
0x7f: {  	_ =	shalt  }
0x80: {  	_ =	shalt  }
0x81: {  	_ =	shalt  }
0x82: {  	_ =	shalt  }
0x83: {  	_ =	shalt  }
0x84: {  	_ =	shalt  }
0x85: {  	_ =	shalt  }
0x86: {  	_ =	shalt  }
0x87: {  	_ =	shalt  }
.Lfunc_end0:
.L_simem_size_0:
called_computation.1_lowered:
.L_overlay_start_0:
0x88: {  	s2 =	sld [smem:$0x3FD9]  }
0x89: {  	s3 =	sld [smem:$0x3FFE];
	_ =	sdelay $0x1  }
0x8a: {  	s1 =	srdreg.scid  }
0x8b: {  	s0 =	sand.u32 $0x1, s1  }
0x8c: {  	s17 =	sshll.u32 s0, $0xA;
	s2 =	sadd.s32 s3, s2  }
0x8d: {  	s2 =	sadd.s32 s2, s17  }
0x8e: {  	[smem:$0x3FC0] =	sst s2  }
0x8f: {  	_ = 	snop  }
0x90: {  	s2 =	sld [smem:$0x3FD0];
	(tm) =	ssettm $0x1  }
0x91: {  	s18 =	sld [smem:$0x3FFB];
	_ =	sdelay $0x3  }
0x92: {  	_ =	strace s18  }
0x93: {  	s3 =	sld [smem:$0x3FFC];
	_ =	sdelay $0x3  }
0x94: {  	_ =	strace s3  }
0x95: {  	s3 =	sld [smem:$0x3FFD];
	_ =	sdelay $0x3  }
0x96: {  	_ =	strace s3  }
0x97: {  	_ =	strace $0x8FFFFFFF  }
0x98: {  	s19 =	sld [smem:$0x3FDB];
	_ =	sdelay $0x1  }
0x99: {  	s4 =	simm.s32 $_scs_section_size  }
0x9a: {  	s5 =	simm.s32 $_size__tile_overlayer_lowered;
	s6 =	simm.s32 $_tile_overlayer_lowered  }
0x9b: {  	s22 =	simm.s32 $0x1BFF;
	s21 =	sshll.u32 s6, $0x1;
	s3 =	sadd.s32 s4, s19  }
0x9c: {  	s7 =	simm.s32 $0x0;
	s20 =	sshll.u32 s5, $0x1;
	s5 =	sadd.s32 s21, s3  }
0x9d: {  	[timem:s7], [sflag:s22] =	dma.local [hbm:s5], s20  }
0x9e: {  	_ =	swait.ge [sflag:s22], s20  }
0x9f: {  	s4 =	ssub.s32 $0x0, s20;
	[sflag:s22] =	ssyncset.done $0x0  }
0xa0: {  	[sflag:s22] =	ssyncadd.s32 s4;
	_ =	sdelay $0x1  }
0xa1: {  	s23 =	simm.s32 $0x1B8B  }
0xa2: {  	_ =	swait.ge [sflag:s23], $0x1  }
0xa3: {  	[sflag:s23] =	ssyncset.done $0x0  }
0xa4: {  	s25 =	simm.s32 $0x1B8E;
	s24 =	sld [smem:$0x3FFE];
	[sflag:s23] =	ssyncadd.s32 $0xFFFFFFFF  }
0xa5: {  	s26 =	simm.s32 $execute0_lowered;
	[smem:$0x3FD2] =	sst s25  }
0xa6: {  	s5 =	sshll.u32 s26, $0x1;
	_ =	strace $0x80000049;
	[dreg:$0x1] =	wrdreg $0xFFFFFFFF  }
0xa7: {  	s28 =	simm.s32 $_size_execute0_lowered;
	s3 =	sadd.s32 s3, s5;
	[dreg:$0x0] =	wrdreg $0x0  }
0xa8: {  	s5 =	sshll.u32 s28, $0x1;
	[dreg:$0x2] =	wrdreg s3  }
0xa9: {  	[dreg:$0x3] =	wrdreg s5  }
0xaa: {  	[dreg:$0x4] =	wrdreg $0xC0  }
0xab: {  	_ =	task [dreg:s7], $0x5FFFF  }
0xac: {  	[dreg:$0x1] =	wrdreg $0xFFFFFFFF  }
0xad: {  	[dreg:$0x0] =	wrdreg $0x60  }
0xae: {  	[dreg:$0x2] =	wrdreg s2  }
0xaf: {  	[dreg:$0x3] =	wrdreg s24  }
0xb0: {  	[dreg:$0x4] =	wrdreg $0x9E200  }
0xb1: {  	[dreg:$0x5] =	wrdreg $0x9  }
0xb2: {  	_ =	task.clear_ibuf [dreg:s7], $0x6FFFF;
	_ =	strace $0x90000049  }
0xb3: {  	s29 =	simm.s32 $0x9;
	_ =	strace $0x8000004B  }
0xb4: {  	_ =	swait.ge [sflag:s29], $0x1  }
0xb5: {  	[sflag:s29] =	ssyncadd.s32 $0xFFFFFFFF  }
0xb6: {  	_ =	strace $0x9000004B  }
0xb7: {  	_ =	sfence  }
0xb8: {  	s30 =	sld [smem:$0x0];
	_ =	sdelay $0x2  }
0xb9: {  	s31 =	sshll.u32 s1, $0xD;
	s1 =	sshrl.u32 s1, $0x2  }
0xba: {  	s3 =	sand.u32 $0x4000, s31;
	s1 =	sadd.s32 s1, s30  }
0xbb: {  	s0 =	sor.u32 s3, s0;
	s1 =	sshll.u32 s1, $0x11  }
0xbc: {  	s0 =	sor.u32 s1, s0  }
0xbd: {  	s0 =	sadd.s32 $0x8F2B, s0  }
0xbe: {  	[sflag:s0] =	ssyncadd.remote.s32 $0x1  }
0xbf: {  	_ =	sfence.sel $0xFFFF  }
0xc0: {  	[dreg:$0x0] =	wrdreg $0xFFFFFFFF;
	(pc) =	sbr.abs _section_cstart, $3  }
0xc1: {  	[dreg:$0x1] =	wrdreg $0xFFFFFFFF  }
0xc2: {  	_ =	task.clear_ibuf [dreg:s7], $0x2FFFF;
	_ =	strace $0x9FFFFFFF  }
0xc3: {  	(tm) =	ssettm $0x7FFFFFFF  }
tec
execute0_lowered:
.L_overlay_start_1:
0x0: {  	(tag) =	ssettag $0x1  }
0x1: {  	s2 =	rddreg [dreg:$0x0]  }
0x2: {  	s0 =	srdreg.scid;
	s5 =	rddreg [dreg:$0x1]  }
0x3: {  	s10 =	stileid.u32;
	s3 =	rddreg [dreg:$0x2];
	s4 =	simm.s32 $0x0  }
0x4: {  	s12 =	simm.s32 $0x5;
	s14 =	simm.s32 $0x50;
	s15 =	simm.s32 $0x4E20  }
0x5: {  	s16 =	simm.s32 $0x6220;
	s18 =	simm.s32 $0x7620;
	s19 =	simm.s32 $0x8A20  }
0x6: {  	s20 =	simm.s32 $0x1;
	s21 =	simm.s32 $0x2;
	s22 =	simm.s32 $0x3  }
0x7: {  	s23 =	simm.s32 $0x4;
	s28 =	simm.s32 $0x4CE0;
	s29 =	simm.s32 $0x4D30  }
0x8: {  	s30 =	simm.s32 $0x4D80;
	s31 =	simm.s32 $0x4DD0;
	s0 =	sand.u32 $0x1, s0  }
0x9: {  	s6 =	smul.u32 $0xA000, s10;
	[smem:$0x7FF] =	sst s4;
	s26 =	sshll.u32 s10, $0x6  }
0xa: {  	s1 =	sshll.u32 s0, $0x4;
	s7 =	smul.u32 $0xA0000, s0;
	_ =	strace $0x8000004A  }
0xb: {  	s0 =	ssub.s32 $0x2, s0;
	s1 =	sor.u32 s10, s1;
	s8 =	sshrl.u32 s6, $0x3  }
0xc: {  	s25 =	sshrl.u32 s0, $0x1;
	s11 =	sadd.s32 s6, s3;
	s1 =	smul.u32 $0x4E2, s1  }
0xd: {  	s7 =	sadd.s32 s6, s7;
	s8 =	sadd.s32 s8, s5;
	s0 =	ssub.s32 s0, s25  }
0xe: {  	s6 =	sor.u32 $0x1C05, s26;
	s11 =	sshrl.u32 s11, $0x3;
	s26 =	simm.s32 $0x26C0  }
0xf: {  	s7 =	sshrl.u32 s7, $0x3;
	s10 =	smax.u32 s0, $0x1;
	s1 =	sadd.s32 s1, s5  }
0x10: {  	s9 =	sadd.s32 s7, s5;
	s5 =	sadd.s32 $0x15000, s8;
	s7 =	sadd.s32 $0xB200, s1  }
0x11: {  	s8 =	sadd.s32 $0x1400, s1;
	s9 =	sadd.s32 $0x29000, s9;
	s1 =	simm.s32 $0x0  }
.LBB2_1:
0x12: {  	[spmem:s11], [sflag:s6] =	dma.local [hbm:s5], $0x1400  }
0x13: {  	_ =	swait.ge [sflag:s12], $0x1400  }
0x14: {  	[sflag:s12] =	ssyncset.done $0x0  }
0x15: {  	[sflag:s12] =	ssyncadd.s32 $0xFFFFEC00  }
0x16: {  	[tilespmem:s4], [sflag:$0x5] =	stream.linear.gather [hbm4b:s7+s4], $0x2710, $0x38;
	[tilespmem:$0x13E20] =	vst v63  }
0x17: {  	_ =	swait.ge [sflag:s12], $0x2710  }
0x18: {  	[sflag:s12] =	ssyncset.done $0x0  }
0x19: {  	s0 =	simm.s32 $0x2710;
	[sflag:s12] =	ssyncadd.s32 $0xFFFFD8F0  }
0x1a: {  	[tilespmem:s0], [sflag:$0x5] =	stream.linear.gather [hbm4b:s8+s4], $0x2710, $0x38;
	[tilespmem:$0x13E20] =	vst v63  }
0x1b: {  	_ =	swait.ge [sflag:s12], $0x2710  }
0x1c: {  	[sflag:s12] =	ssyncset.done $0x0  }
0x1d: {  	[sflag:s12] =	ssyncadd.s32 $0xFFFFD8F0  }
0x1e: {  	[bflag:$0x0] =	sbarrier.arrive $0xFFFF  }
0x1f: {  	[tilespmem:s15], [sflag:$0x1] =	stream.indirect.gather [hbm4b:s2+s14], $0x40, s4, s14, $0xb8;
	[tilespmem:$0x13E20] =	vst v63  }
0x20: {  	_ = 	snop  }
0x21: {  	[tilespmem:s16], [sflag:$0x2] =	stream.indirect.gather [hbm4b:s2+s14], $0x40, s14, s14, $0xb8;
	[tilespmem:$0x13E20] =	vst v63  }
0x22: {  	s25 =	simm.s32 $0xA0  }
0x23: {  	[tilespmem:s18], [sflag:$0x3] =	stream.indirect.gather [hbm4b:s2+s14], $0x40, s25, s14, $0xb8;
	[tilespmem:$0x13E20] =	vst v63  }
0x24: {  	s13 =	simm.s32 $0xF0  }
0x25: {  	[tilespmem:s19], [sflag:$0x4] =	stream.indirect.gather [hbm4b:s2+s14], $0x40, s13, s14, $0xb8;
	[tilespmem:$0x13E20] =	vst v63  }
0x26: {  	_ =	swait.ge [sflag:s20], $0x1400  }
0x27: {  	[sflag:s20] =	ssyncset.done $0x0  }
0x28: {  	s17 =	simm.s32 $0x2710;
	[sflag:s20] =	ssyncadd.s32 $0xFFFFEC00  }
0x29: {  	[spmem:s3] =	stream.indirect.scatter.add.f32 [tilespmem:s15], [sflag:$0x5], $0x40, s17, s14, $0xb8;
	[tilespmem:$0x13E20] =	vst v63  }
0x2a: {  	_ =	swait.ge [sflag:s12], $0x1400  }
0x2b: {  	[sflag:s12] =	ssyncset.done $0x0  }
0x2c: {  	s24 =	simm.s32 $0x140;
	[sflag:s12] =	ssyncadd.s32 $0xFFFFEC00  }
0x2d: {  	[tilespmem:s15], [sflag:$0x1] =	stream.indirect.gather [hbm4b:s2+s14], $0x40, s24, s14, $0xb8;
	[tilespmem:$0x13E20] =	vst v63  }
0x2e: {  	_ =	swait.ge [sflag:s21], $0x1400  }
0x2f: {  	[sflag:s21] =	ssyncset.done $0x0  }
0x30: {  	s25 =	simm.s32 $0x2760;
	[sflag:s21] =	ssyncadd.s32 $0xFFFFEC00  }
0x31: {  	[spmem:s3] =	stream.indirect.scatter.add.f32 [tilespmem:s16], [sflag:$0x5], $0x40, s25, s14, $0xb8;
	[tilespmem:$0x13E20] =	vst v63  }
0x32: {  	_ =	swait.ge [sflag:s12], $0x1400  }
0x33: {  	[sflag:s12] =	ssyncset.done $0x0  }
0x34: {  	s13 =	simm.s32 $0x190;
	[sflag:s12] =	ssyncadd.s32 $0xFFFFEC00  }
0x35: {  	[tilespmem:s16], [sflag:$0x2] =	stream.indirect.gather [hbm4b:s2+s14], $0x40, s13, s14, $0xb8;
	[tilespmem:$0x13E20] =	vst v63  }
0x36: {  	_ =	swait.ge [sflag:s22], $0x1400  }
0x37: {  	[sflag:s22] =	ssyncset.done $0x0  }
0x38: {  	s17 =	simm.s32 $0x27B0;
	[sflag:s22] =	ssyncadd.s32 $0xFFFFEC00  }
0x39: {  	[spmem:s3] =	stream.indirect.scatter.add.f32 [tilespmem:s18], [sflag:$0x5], $0x40, s17, s14, $0xb8;
	[tilespmem:$0x13E20] =	vst v63  }
0x3a: {  	_ =	swait.ge [sflag:s12], $0x1400  }
0x3b: {  	[sflag:s12] =	ssyncset.done $0x0  }
0x3c: {  	s24 =	simm.s32 $0x1E0;
	[sflag:s12] =	ssyncadd.s32 $0xFFFFEC00  }
0x3d: {  	[tilespmem:s18], [sflag:$0x3] =	stream.indirect.gather [hbm4b:s2+s14], $0x40, s24, s14, $0xb8;
	[tilespmem:$0x13E20] =	vst v63  }
0x3e: {  	_ =	swait.ge [sflag:s23], $0x1400  }
0x3f: {  	[sflag:s23] =	ssyncset.done $0x0  }
0x40: {  	s25 =	simm.s32 $0x2800;
	[sflag:s23] =	ssyncadd.s32 $0xFFFFEC00  }
0x41: {  	[spmem:s3] =	stream.indirect.scatter.add.f32 [tilespmem:s19], [sflag:$0x5], $0x40, s25, s14, $0xb8;
	[tilespmem:$0x13E20] =	vst v63  }
0x42: {  	_ =	swait.ge [sflag:s12], $0x1400  }
0x43: {  	s0 =	simm.s32 $0x140;
	s13 =	simm.s32 $0xA00;
	[sflag:s12] =	ssyncset.done $0x0  }
.LBB2_2:
0x44: {  	s25 =	sadd.s32 $0xF0, s0  }
0x45: {  	[sflag:s12] =	ssyncadd.s32 $0xFFFFEC00;
	s17 =	smov.u32 s13;
	s24 =	sadd.s32 $0x500, s13  }
0x46: {  	[tilespmem:s19], [sflag:$0x4] =	stream.indirect.gather [hbm4b:s2+s14], $0x40, s25, s14, $0xb8;
	[tilespmem:$0x13E20] =	vst v63  }
0x47: {  	p0 =	sne.s32 s13, $0x9100;
	_ =	swait.ge [sflag:s20], $0x1400  }
0x48: {  	[sflag:s20] =	ssyncset.done $0x0  }
0x49: {  	s13 =	sadd.s32 $0x2710, s0;
	[sflag:s20] =	ssyncadd.s32 $0xFFFFEC00  }
0x4a: {  	[spmem:s3] =	stream.indirect.scatter.add.f32 [tilespmem:s15], [sflag:$0x5], $0x40, s13, s14, $0xb8;
	[tilespmem:$0x13E20] =	vst v63  }
0x4b: {  	_ =	swait.ge [sflag:s12], $0x1400  }
0x4c: {  	[sflag:s12] =	ssyncset.done $0x0  }
0x4d: {  	s13 =	sadd.s32 $0x140, s0;
	[sflag:s12] =	ssyncadd.s32 $0xFFFFEC00  }
0x4e: {  	[tilespmem:s15], [sflag:$0x1] =	stream.indirect.gather [hbm4b:s2+s14], $0x40, s13, s14, $0xb8;
	[tilespmem:$0x13E20] =	vst v63  }
0x4f: {  	_ =	swait.ge [sflag:s21], $0x1400  }
0x50: {  	[sflag:s21] =	ssyncset.done $0x0  }
0x51: {  	s13 =	sadd.s32 $0x2760, s0;
	[sflag:s21] =	ssyncadd.s32 $0xFFFFEC00  }
0x52: {  	[spmem:s3] =	stream.indirect.scatter.add.f32 [tilespmem:s16], [sflag:$0x5], $0x40, s13, s14, $0xb8;
	[tilespmem:$0x13E20] =	vst v63  }
0x53: {  	_ =	swait.ge [sflag:s12], $0x1400  }
0x54: {  	[sflag:s12] =	ssyncset.done $0x0  }
0x55: {  	s13 =	sadd.s32 $0x190, s0;
	[sflag:s12] =	ssyncadd.s32 $0xFFFFEC00  }
0x56: {  	[tilespmem:s16], [sflag:$0x2] =	stream.indirect.gather [hbm4b:s2+s14], $0x40, s13, s14, $0xb8;
	[tilespmem:$0x13E20] =	vst v63  }
0x57: {  	_ =	swait.ge [sflag:s22], $0x1400  }
0x58: {  	[sflag:s22] =	ssyncset.done $0x0  }
0x59: {  	s13 =	sadd.s32 $0x27B0, s0;
	[sflag:s22] =	ssyncadd.s32 $0xFFFFEC00  }
0x5a: {  	[spmem:s3] =	stream.indirect.scatter.add.f32 [tilespmem:s18], [sflag:$0x5], $0x40, s13, s14, $0xb8;
	[tilespmem:$0x13E20] =	vst v63  }
0x5b: {  	_ =	swait.ge [sflag:s12], $0x1400  }
0x5c: {  	[sflag:s12] =	ssyncset.done $0x0  }
0x5d: {  	s13 =	sadd.s32 $0x1E0, s0;
	[sflag:s12] =	ssyncadd.s32 $0xFFFFEC00  }
0x5e: {  	[tilespmem:s18], [sflag:$0x3] =	stream.indirect.gather [hbm4b:s2+s14], $0x40, s13, s14, $0xb8;
	[tilespmem:$0x13E20] =	vst v63  }
0x5f: {  	_ =	swait.ge [sflag:s23], $0x1400  }
.Ltmp0:
0x60: {  	[sflag:s23] =	ssyncset.done $0x0;
	(pc) =	sbr.rel @p0 .LBB2_2-.Ltmp0, $4  }
0x61: {  	s0 =	sadd.s32 $0x2800, s0;
	[sflag:s23] =	ssyncadd.s32 $0xFFFFEC00  }
0x62: {  	[spmem:s3] =	stream.indirect.scatter.add.f32 [tilespmem:s19], [sflag:$0x5], $0x40, s0, s14, $0xb8;
	[tilespmem:$0x13E20] =	vst v63  }
0x63: {  	_ =	swait.ge [sflag:s12], $0x1400  }
0x64: {  	s13 =	smov.u32 s24;
	s0 =	sshra.s32 s17, $0x2;
	[sflag:s12] =	ssyncset.done $0x0  }
0x65: {  	s13 =	sadd.s32 $0xF0, s0;
	[sflag:s12] =	ssyncadd.s32 $0xFFFFEC00  }
0x66: {  	[tilespmem:s19], [sflag:$0x4] =	stream.indirect.gather [hbm4b:s2+s14], $0x40, s13, s14, $0xb8;
	[tilespmem:$0x13E20] =	vst v63  }
0x67: {  	_ =	swait.ge [sflag:s20], $0x1400  }
0x68: {  	[sflag:s20] =	ssyncset.done $0x0  }
0x69: {  	s17 =	sadd.s32 $0x2710, s0;
	[sflag:s20] =	ssyncadd.s32 $0xFFFFEC00  }
0x6a: {  	[spmem:s3] =	stream.indirect.scatter.add.f32 [tilespmem:s15], [sflag:$0x5], $0x40, s17, s14, $0xb8;
	[tilespmem:$0x13E20] =	vst v63  }
0x6b: {  	_ =	swait.ge [sflag:s12], $0x1400  }
0x6c: {  	[sflag:s12] =	ssyncset.done $0x0  }
0x6d: {  	s24 =	sadd.s32 $0x140, s0;
	[sflag:s12] =	ssyncadd.s32 $0xFFFFEC00  }
0x6e: {  	[tilespmem:s15], [sflag:$0x1] =	stream.indirect.gather [hbm4b:s2+s14], $0x40, s24, s14, $0xb8;
	[tilespmem:$0x13E20] =	vst v63  }
0x6f: {  	_ =	swait.ge [sflag:s21], $0x1400  }
0x70: {  	[sflag:s21] =	ssyncset.done $0x0  }
0x71: {  	s25 =	sadd.s32 $0x2760, s0;
	[sflag:s21] =	ssyncadd.s32 $0xFFFFEC00  }
0x72: {  	[spmem:s3] =	stream.indirect.scatter.add.f32 [tilespmem:s16], [sflag:$0x5], $0x40, s25, s14, $0xb8;
	[tilespmem:$0x13E20] =	vst v63  }
0x73: {  	_ =	swait.ge [sflag:s12], $0x1400  }
0x74: {  	[sflag:s12] =	ssyncset.done $0x0  }
0x75: {  	s17 =	sadd.s32 $0x190, s0;
	[sflag:s12] =	ssyncadd.s32 $0xFFFFEC00  }
0x76: {  	[tilespmem:s16], [sflag:$0x2] =	stream.indirect.gather [hbm4b:s2+s14], $0x40, s17, s14, $0xb8;
	[tilespmem:$0x13E20] =	vst v63  }
0x77: {  	_ =	swait.ge [sflag:s22], $0x1400  }
0x78: {  	[sflag:s22] =	ssyncset.done $0x0  }
0x79: {  	s24 =	sadd.s32 $0x27B0, s0;
	[sflag:s22] =	ssyncadd.s32 $0xFFFFEC00  }
0x7a: {  	[spmem:s3] =	stream.indirect.scatter.add.f32 [tilespmem:s18], [sflag:$0x5], $0x40, s24, s14, $0xb8;
	[tilespmem:$0x13E20] =	vst v63  }
0x7b: {  	_ =	swait.ge [sflag:s12], $0x1400  }
0x7c: {  	[sflag:s12] =	ssyncset.done $0x0  }
0x7d: {  	s25 =	sadd.s32 $0x1E0, s0;
	[sflag:s12] =	ssyncadd.s32 $0xFFFFEC00  }
0x7e: {  	[tilespmem:s18], [sflag:$0x3] =	stream.indirect.gather [hbm4b:s2+s14], $0x40, s25, s14, $0xb8;
	[tilespmem:$0x13E20] =	vst v63  }
0x7f: {  	_ =	swait.ge [sflag:s23], $0x1400  }
0x80: {  	[sflag:s23] =	ssyncset.done $0x0  }
0x81: {  	s17 =	sadd.s32 $0x2800, s0;
	[sflag:s23] =	ssyncadd.s32 $0xFFFFEC00  }
0x82: {  	[spmem:s3] =	stream.indirect.scatter.add.f32 [tilespmem:s19], [sflag:$0x5], $0x40, s17, s14, $0xb8;
	[tilespmem:$0x13E20] =	vst v63  }
0x83: {  	_ =	swait.ge [sflag:s12], $0x1400  }
0x84: {  	[sflag:s12] =	ssyncset.done $0x0  }
0x85: {  	s24 =	simm.s32 $0x2670;
	[sflag:s12] =	ssyncadd.s32 $0xFFFFEC00  }
0x86: {  	[tilespmem:s19], [sflag:$0x4] =	stream.indirect.gather [hbm4b:s2+s14], $0x40, s24, s14, $0xb8;
	[tilespmem:$0x13E20] =	vst v63  }
0x87: {  	_ =	swait.ge [sflag:s20], $0x1400  }
0x88: {  	[sflag:s20] =	ssyncset.done $0x0  }
0x89: {  	s25 =	simm.s32 $0x4C90;
	[sflag:s20] =	ssyncadd.s32 $0xFFFFEC00  }
0x8a: {  	[spmem:s3] =	stream.indirect.scatter.add.f32 [tilespmem:s15], [sflag:$0x5], $0x40, s25, s14, $0xb8;
	[tilespmem:$0x13E20] =	vst v63  }
0x8b: {  	_ =	swait.ge [sflag:s12], $0x1400  }
0x8c: {  	[sflag:s12] =	ssyncset.done $0x0  }
0x8d: {  	[sflag:s12] =	ssyncadd.s32 $0xFFFFEC00  }
0x8e: {  	[tilespmem:s15], [sflag:$0x1] =	stream.indirect.gather [hbm4b:s2+s14], $0x40, s26, s14, $0xb8;
	[tilespmem:$0x13E20] =	vst v63  }
0x8f: {  	_ =	swait.ge [sflag:s21], $0x1400  }
0x90: {  	[sflag:s21] =	ssyncset.done $0x0  }
0x91: {  	[sflag:s21] =	ssyncadd.s32 $0xFFFFEC00  }
0x92: {  	[spmem:s3] =	stream.indirect.scatter.add.f32 [tilespmem:s16], [sflag:$0x5], $0x40, s28, s14, $0xb8;
	[tilespmem:$0x13E20] =	vst v63  }
0x93: {  	_ =	swait.ge [sflag:s12], $0x1400  }
0x94: {  	[sflag:s12] =	ssyncset.done $0x0  }
0x95: {  	[sflag:s12] =	ssyncadd.s32 $0xFFFFEC00  }
0x96: {  	_ =	swait.ge [sflag:s22], $0x1400  }
0x97: {  	[sflag:s22] =	ssyncset.done $0x0  }
0x98: {  	[sflag:s22] =	ssyncadd.s32 $0xFFFFEC00  }
0x99: {  	[spmem:s3] =	stream.indirect.scatter.add.f32 [tilespmem:s18], [sflag:$0x5], $0x40, s29, s14, $0xb8;
	[tilespmem:$0x13E20] =	vst v63  }
0x9a: {  	_ =	swait.ge [sflag:s12], $0x1400  }
0x9b: {  	[sflag:s12] =	ssyncset.done $0x0  }
0x9c: {  	[sflag:s12] =	ssyncadd.s32 $0xFFFFEC00  }
0x9d: {  	_ =	swait.ge [sflag:s23], $0x1400  }
0x9e: {  	[sflag:s23] =	ssyncset.done $0x0  }
0x9f: {  	[sflag:s23] =	ssyncadd.s32 $0xFFFFEC00  }
0xa0: {  	[spmem:s3] =	stream.indirect.scatter.add.f32 [tilespmem:s19], [sflag:$0x5], $0x40, s30, s14, $0xb8;
	[tilespmem:$0x13E20] =	vst v63  }
0xa1: {  	_ =	swait.ge [sflag:s12], $0x1400  }
0xa2: {  	[sflag:s12] =	ssyncset.done $0x0  }
0xa3: {  	[sflag:s12] =	ssyncadd.s32 $0xFFFFEC00  }
0xa4: {  	_ =	swait.ge [sflag:s20], $0x1400  }
0xa5: {  	[sflag:s20] =	ssyncset.done $0x0  }
0xa6: {  	[sflag:s20] =	ssyncadd.s32 $0xFFFFEC00  }
0xa7: {  	[spmem:s3] =	stream.indirect.scatter.add.f32 [tilespmem:s15], [sflag:$0x5], $0x40, s31, s14, $0xb8;
	[tilespmem:$0x13E20] =	vst v63  }
0xa8: {  	_ =	swait.ge [sflag:s12], $0x1400  }
0xa9: {  	s1 =	sadd.s32 $0x1, s1;
	[sflag:s12] =	ssyncset.done $0x0  }
0xaa: {  	p0 =	sne.s32 s1, s10;
	[sflag:s12] =	ssyncadd.s32 $0xFFFFEC00  }
.Ltmp1:
0xab: {  	[bflag:$0x0] =	sbarrier.arrive $0xFFFF;
	(pc) =	sbr.rel @p0 .LBB2_1-.Ltmp1, $4  }
0xac: {  	[hbm:s9], [sflag:s6] =	dma.local [spmem:s11], $0x1400  }
0xad: {  	_ =	swait.ge [sflag:s12], $0x1400  }
0xae: {  	[sflag:s12] =	ssyncset.done $0x0  }
0xaf: {  	[sflag:s12] =	ssyncadd.s32 $0xFFFFEC00  }
0xb0: {  	_ =	sfence.sel $0x180000  }
0xb1: {  	[bflag:$0x0] =	sbarrier.arrive $0xFFFF  }
0xb2: {  	_ =	strace $0x9000004A  }
0xb3: {  	s0 =	stileid.u32;
	[bflag:$0x2] =	sbarrier.arrive $0xFFFF  }
0xb4: {  	p0 =	sne.s32 s0, $0x0;
	s0 =	rddreg [dreg:$0x3]  }
0xb5: {  	s0 =	sadd.s32 @!p0 $0x100000, s0  }
0xb6: {  	[sflag:s0] =	ssyncadd.tile.s32 @!p0 $0x1;
	_ =	shalt  }
.Lfunc_end2:
_tile_overlayer_lowered:
.L_overlay_start_2:
0xb7: {  	(tag) =	ssettag $0x2  }
0xb8: {  	s0 =	rddreg [dreg:$0x0];
	s2 =	stileid.u32  }
0xb9: {  	s1 =	rddreg [dreg:$0x1];
	p0 =	sne.s32 s2, $0x0  }
0xba: {  	s3 =	rddreg [dreg:$0x2];
	[bflag:$0x3] =	sbarrier.arrive $0xFFFF;
	s2 =	simm.s32 @!p0 $0x1C05  }
0xbb: {  	[timem:s3], [sflag:s2] =	dma.local @!p0 [hbm:s0], s1  }
0xbc: {  	s0 =	simm.s32 @!p0 $0x5  }
0xbd: {  	_ =	swait.ge @!p0 [sflag:s0], s1  }
0xbe: {  	s1 =	ssub.s32 @!p0 $0x0, s1;
	[sflag:s0] =	ssyncset.done @!p0 $0x0  }
0xbf: {  	[sflag:s0] =	ssyncadd.s32 @!p0 s1  }
0xc0: {  	[bflag:$0x3] =	sbarrier.arrive $0xFFFF  }
0xc1: {  	_ =	shalt  }

</sc_bundles>
